<compile_context>
chip_gen: v7x
topology: tpu7x:2x2x1
jax: 0.10.2.dev20260603
libtpu: 0.0.44.dev20260713+nightly
codegen_flags: <defaults>
</compile_context>

<pallas_src>
import functools

import jax
import jax.numpy as jnp
from jax import lax
from jax.experimental import pallas as pl
from jax.experimental.pallas import tpu as pltpu
from jax.experimental.pallas import tpu_sc as plsc

NUM_ENTS = 100000
NUM_RELS = 1000
HIDDEN = 128
HALF = HIDDEN // 2
BATCH = 16384
LMBDA = 0.01

NC = 2
NS = 16
NW = NC * NS
B_PER_W = BATCH // NW
CHUNK = 128
N_CHUNKS = B_PER_W // CHUNK
L = 16


def _sc_kernel(bs, br, bo, ent_re, ent_im, ent, rel_re, rel_im, rel,
               res_out, sq_out,
               idx_s, idx_r, idx_o,
               g_res, g_ims, g_es, g_rre, g_rim, g_r, g_reo, g_imo, g_eo,
               res_v, sq_v, sem):
    wid = lax.axis_index("s") * NC + lax.axis_index("c")

    accs = tuple(jnp.zeros((L,), jnp.float32) for _ in range(9))

    for ci in range(N_CHUNKS):
        base = wid * B_PER_W + ci * CHUNK
        pltpu.sync_copy(bs.at[pl.ds(base, CHUNK)], idx_s)
        pltpu.sync_copy(br.at[pl.ds(base, CHUNK)], idx_r)
        pltpu.sync_copy(bo.at[pl.ds(base, CHUNK)], idx_o)
        handles = [
            pltpu.async_copy(ent_re.at[idx_s], g_res, sem),
            pltpu.async_copy(ent_im.at[idx_s], g_ims, sem),
            pltpu.async_copy(ent.at[idx_s], g_es, sem),
            pltpu.async_copy(rel_re.at[idx_r], g_rre, sem),
            pltpu.async_copy(rel_im.at[idx_r], g_rim, sem),
            pltpu.async_copy(rel.at[idx_r], g_r, sem),
            pltpu.async_copy(ent_re.at[idx_o], g_reo, sem),
            pltpu.async_copy(ent_im.at[idx_o], g_imo, sem),
            pltpu.async_copy(ent.at[idx_o], g_eo, sem),
        ]
        for h in handles:
            h.wait()

        def body(i, carry):
            a0, a1, a2, a3, a4, a5, a6, a7, a8 = carry
            racc = jnp.zeros((L,), jnp.float32)
            for j in range(HALF // L):
                sl = pl.ds(j * L, L)
                a = g_rre[i, sl]
                b = g_rim[i, sl]
                c = g_res[i, sl]
                d = g_ims[i, sl]
                e = g_reo[i, sl]
                f = g_imo[i, sl]
                t1 = a * c - b * d
                t2 = a * d + b * c
                racc = racc + t1 * e + t2 * f
                a0 = a0 + c * c
                a1 = a1 + d * d
                a3 = a3 + e * e
                a4 = a4 + f * f
                a6 = a6 + a * a
                a7 = a7 + b * b
            for j in range(HIDDEN // L):
                sl = pl.ds(j * L, L)
                g = g_r[i, sl]
                h = g_es[i, sl]
                o = g_eo[i, sl]
                racc = racc + g * h * o
                a2 = a2 + h * h
                a5 = a5 + o * o
                a8 = a8 + g * g
            res_v[i, :] = racc
            return (a0, a1, a2, a3, a4, a5, a6, a7, a8)

        accs = lax.fori_loop(0, CHUNK, body, accs)
        pltpu.sync_copy(res_v, res_out.at[pl.ds(base, CHUNK)])

    for k in range(9):
        sq_v[k, :] = accs[k]
    pltpu.sync_copy(sq_v, sq_out.at[wid])


_sc_call = functools.partial(
    pl.kernel,
    out_type=[
        jax.ShapeDtypeStruct((BATCH, L), jnp.float32),
        jax.ShapeDtypeStruct((NW, 9, L), jnp.float32),
    ],
    mesh=plsc.VectorSubcoreMesh(core_axis_name="c", subcore_axis_name="s"),
    compiler_params=pltpu.CompilerParams(use_tc_tiling_on_sc=False),
    scratch_types=[
        pltpu.VMEM((CHUNK,), jnp.int32),
        pltpu.VMEM((CHUNK,), jnp.int32),
        pltpu.VMEM((CHUNK,), jnp.int32),
        pltpu.VMEM((CHUNK, HALF), jnp.float32),
        pltpu.VMEM((CHUNK, HALF), jnp.float32),
        pltpu.VMEM((CHUNK, HIDDEN), jnp.float32),
        pltpu.VMEM((CHUNK, HALF), jnp.float32),
        pltpu.VMEM((CHUNK, HALF), jnp.float32),
        pltpu.VMEM((CHUNK, HIDDEN), jnp.float32),
        pltpu.VMEM((CHUNK, HALF), jnp.float32),
        pltpu.VMEM((CHUNK, HALF), jnp.float32),
        pltpu.VMEM((CHUNK, HIDDEN), jnp.float32),
        pltpu.VMEM((CHUNK, L), jnp.float32),
        pltpu.VMEM((9, L), jnp.float32),
        pltpu.SemaphoreType.DMA,
    ],
)(_sc_kernel)


def _tc_finish(res_ref, lab_ref, sq_ref, out_ref):
    res = jnp.sum(res_ref[...], axis=1, keepdims=True)
    lab = lab_ref[...]
    sp = jnp.logaddexp(0.0, -lab * res)
    emb_loss = jnp.sum(sp) / BATCH

    c_half = float(BATCH * HALF)
    c_full = float(BATCH * HIDDEN)
    s = [jnp.sum(sq_ref[k:k + 1, :]) for k in range(9)]
    regul = (s[0] / c_half
             + (s[1] / c_half) * (s[2] / c_full)
             + s[3] / c_half
             + s[4] / c_half
             + s[5] / c_full
             + s[6] / c_half
             + s[7] / c_half
             + s[8] / c_full)
    out_ref[...] = jnp.broadcast_to(emb_loss + LMBDA * regul, (1, 1))


def kernel(batch_s, batch_r, batch_o, labels, ent_re, ent_im, ent,
           rel_re, rel_im, rel):
    bs = batch_s.astype(jnp.int32)
    br = batch_r.astype(jnp.int32)
    bo = batch_o.astype(jnp.int32)

    res, sq = _sc_call(bs, br, bo, ent_re, ent_im, ent, rel_re, rel_im, rel)

    lab2d = labels.astype(jnp.float32).reshape(BATCH, 1)
    sq2d = jnp.transpose(sq, (1, 0, 2)).reshape(9, NW * L)

    loss2d = pl.pallas_call(
        _tc_finish,
        out_shape=jax.ShapeDtypeStruct((1, 1), jnp.float32),
    )(res, lab2d, sq2d)
    return loss2d[0, 0]

# --- scband reference (transcript-rebuilt; emitter-appended) ---
"""Pipeline reference for scband-analogy-57054345560500 (READ-ONLY COPY).

The authoritative reference and input builder live on the scoring server;
editing this copy changes nothing except your own understanding.
"""

import jax, jax.numpy as jnp
import numpy as np

NUM_ENTS = 100000
NUM_RELS = 1000
HIDDEN = 128
HALF = HIDDEN // 2
BATCH = 16384
LMBDA = 0.01


def _xavier(key, shape):
    fan_in, fan_out = shape[0], shape[1]
    limit = float(np.sqrt(6.0 / (fan_in + fan_out)))
    return jax.random.uniform(key, shape, dtype=jnp.float32, minval=-limit, maxval=limit)


def setup_inputs(seed: int = 0) -> dict:
    key = jax.random.key(seed)
    ks = jax.random.split(key, 10)
    batch_s = jax.random.randint(ks[0], (BATCH,), 0, NUM_ENTS, dtype=jnp.int64 if jax.config.jax_enable_x64 else jnp.int32)
    batch_r = jax.random.randint(ks[1], (BATCH,), 0, NUM_RELS, dtype=jnp.int64 if jax.config.jax_enable_x64 else jnp.int32)
    batch_o = jax.random.randint(ks[2], (BATCH,), 0, NUM_ENTS, dtype=jnp.int64 if jax.config.jax_enable_x64 else jnp.int32)
    labels = jnp.ones((BATCH,), dtype=jnp.float32)
    ent_re = _xavier(ks[3], (NUM_ENTS, HALF))
    ent_im = _xavier(ks[4], (NUM_ENTS, HALF))
    ent = _xavier(ks[5], (NUM_ENTS, HIDDEN))
    rel_re = _xavier(ks[6], (NUM_RELS, HALF))
    rel_im = _xavier(ks[7], (NUM_RELS, HALF))
    rel = _xavier(ks[8], (NUM_RELS, HIDDEN))
    return {"batch_s": batch_s, "batch_r": batch_r, "batch_o": batch_o, "labels": labels,
            "ent_re": ent_re, "ent_im": ent_im, "ent": ent,
            "rel_re": rel_re, "rel_im": rel_im, "rel": rel}


def _softplus(x):
    return jnp.logaddexp(0.0, x)


def reference(batch_s, batch_r, batch_o, labels, ent_re, ent_im, ent, rel_re, rel_im, rel):
    e_re_s = jnp.take(ent_re, batch_s, axis=0)
    e_im_s = jnp.take(ent_im, batch_s, axis=0)
    e_s = jnp.take(ent, batch_s, axis=0)
    r_re = jnp.take(rel_re, batch_r, axis=0)
    r_im = jnp.take(rel_im, batch_r, axis=0)
    r = jnp.take(rel, batch_r, axis=0)
    e_re_o = jnp.take(ent_re, batch_o, axis=0)
    e_im_o = jnp.take(ent_im, batch_o, axis=0)
    e_o = jnp.take(ent, batch_o, axis=0)
    res = jnp.sum(r_re * e_re_s * e_re_o + r_re * e_im_s * e_im_o
                  + r_im * e_re_s * e_im_o - r_im * e_im_s * e_re_o, axis=1) \
          + jnp.sum(e_s * e_o * r, axis=1)
    emb_loss = jnp.mean(_softplus(-labels * res))
    regul = (jnp.mean(e_re_s ** 2)
             + jnp.mean(e_im_s ** 2) * jnp.mean(e_s ** 2)
             + jnp.mean(e_re_o ** 2)
             + jnp.mean(e_im_o ** 2)
             + jnp.mean(e_o ** 2)
             + jnp.mean(r_re ** 2)
             + jnp.mean(r_im ** 2)
             + jnp.mean(r ** 2))
    loss = emb_loss + LMBDA * regul
    return loss

if __name__ == "__main__":
    import jax
    _d = setup_inputs()
    print(jax.jit(kernel)(*tuple(_d.values())))

</pallas_src>

<mosaic_0001>
#map = affine_map<(d0, d1) -> (0)>
#map1 = affine_map<(d0, d1) -> (0, 0)>
#map2 = affine_map<(d0, d1) -> (0, 0, 0)>
module attributes {stable_mosaic.version = 14 : i64} {
  func.func @_sc_kernel(%arg0: i32, %arg1: i32, %arg2: memref<16384xi32, #tpu.memory_space<hbm>>, %arg3: memref<16384xi32, #tpu.memory_space<hbm>>, %arg4: memref<16384xi32, #tpu.memory_space<hbm>>, %arg5: memref<100000x64xf32, #tpu.memory_space<hbm>>, %arg6: memref<100000x64xf32, #tpu.memory_space<hbm>>, %arg7: memref<100000x128xf32, #tpu.memory_space<hbm>>, %arg8: memref<1000x64xf32, #tpu.memory_space<hbm>>, %arg9: memref<1000x64xf32, #tpu.memory_space<hbm>>, %arg10: memref<1000x128xf32, #tpu.memory_space<hbm>>, %arg11: memref<16384x16xf32, #tpu.memory_space<hbm>>, %arg12: memref<32x9x16xf32, #tpu.memory_space<hbm>>, %arg13: memref<128xi32, #tpu.memory_space<vmem>>, %arg14: memref<128xi32, #tpu.memory_space<vmem>>, %arg15: memref<128xi32, #tpu.memory_space<vmem>>, %arg16: memref<128x64xf32, #tpu.memory_space<vmem>>, %arg17: memref<128x64xf32, #tpu.memory_space<vmem>>, %arg18: memref<128x128xf32, #tpu.memory_space<vmem>>, %arg19: memref<128x64xf32, #tpu.memory_space<vmem>>, %arg20: memref<128x64xf32, #tpu.memory_space<vmem>>, %arg21: memref<128x128xf32, #tpu.memory_space<vmem>>, %arg22: memref<128x64xf32, #tpu.memory_space<vmem>>, %arg23: memref<128x64xf32, #tpu.memory_space<vmem>>, %arg24: memref<128x128xf32, #tpu.memory_space<vmem>>, %arg25: memref<128x16xf32, #tpu.memory_space<vmem>>, %arg26: memref<9x16xf32, #tpu.memory_space<vmem>>, %arg27: memref<!tpu.dma_semaphore, #tpu.memory_space<semaphore_mem>>) attributes {dimension_semantics = [#tpu.dimension_semantics<core_parallel>, #tpu.dimension_semantics<subcore_parallel>], iteration_bounds = array<i64: 2, 16>, scalar_prefetch = 0 : i64, scratch_operands = 15 : i64, tpu.core_type = #tpu.core_type<sc_vector_subcore>, window_params = [{transform_indices = #map}, {transform_indices = #map}, {transform_indices = #map}, {transform_indices = #map1}, {transform_indices = #map1}, {transform_indices = #map1}, {transform_indices = #map1}, {transform_indices = #map1}, {transform_indices = #map1}, {transform_indices = #map1}, {transform_indices = #map2}]} {
    %mul3A = arith.constant 2 : i32
    %mul3A_0 = arith.muli %arg1, %mul3A : i32
    %add3A = arith.addi %mul3A_0, %arg0 : i32
    %broadcast_in_dim3A = arith.constant 0.000000e+00 : f32
    %broadcast_in_dim3A_1 = vector.broadcast %broadcast_in_dim3A : f32 to vector<16xf32>
    %broadcast_in_dim3A_2 = arith.constant 0.000000e+00 : f32
    %broadcast_in_dim3A_3 = vector.broadcast %broadcast_in_dim3A_2 : f32 to vector<16xf32>
    %broadcast_in_dim3A_4 = arith.constant 0.000000e+00 : f32
    %broadcast_in_dim3A_5 = vector.broadcast %broadcast_in_dim3A_4 : f32 to vector<16xf32>
    %broadcast_in_dim3A_6 = arith.constant 0.000000e+00 : f32
    %broadcast_in_dim3A_7 = vector.broadcast %broadcast_in_dim3A_6 : f32 to vector<16xf32>
    %broadcast_in_dim3A_8 = arith.constant 0.000000e+00 : f32
    %broadcast_in_dim3A_9 = vector.broadcast %broadcast_in_dim3A_8 : f32 to vector<16xf32>
    %broadcast_in_dim3A_10 = arith.constant 0.000000e+00 : f32
    %broadcast_in_dim3A_11 = vector.broadcast %broadcast_in_dim3A_10 : f32 to vector<16xf32>
    %broadcast_in_dim3A_12 = arith.constant 0.000000e+00 : f32
    %broadcast_in_dim3A_13 = vector.broadcast %broadcast_in_dim3A_12 : f32 to vector<16xf32>
    %broadcast_in_dim3A_14 = arith.constant 0.000000e+00 : f32
    %broadcast_in_dim3A_15 = vector.broadcast %broadcast_in_dim3A_14 : f32 to vector<16xf32>
    %broadcast_in_dim3A_16 = arith.constant 0.000000e+00 : f32
    %broadcast_in_dim3A_17 = vector.broadcast %broadcast_in_dim3A_16 : f32 to vector<16xf32>
    %mul3A_18 = arith.constant 512 : i32
    %mul3A_19 = arith.muli %add3A, %mul3A_18 : i32
    %add3A_20 = arith.constant 0 : i32
    %add3A_21 = arith.addi %mul3A_19, %add3A_20 : i32
    "tpu.region"() ({
      %run_scoped3A = tpu.sem_alloc : memref<!tpu.dma_semaphore, #tpu.memory_space<semaphore_mem>>
      %dma_start3A_324 = tpu.memref_slice %arg2[%add3A_21] : memref<16384xi32, #tpu.memory_space<hbm>> -> memref<128xi32, #tpu.memory_space<hbm>>
      %dma_start3A_325 = tpu.memref_slice %arg2[%add3A_21] : memref<16384xi32, #tpu.memory_space<hbm>> -> memref<128xi32, #tpu.memory_space<hbm>>
      tpu.enqueue_dma source(%dma_start3A_325 : memref<128xi32, #tpu.memory_space<hbm>>) target(%arg13 : memref<128xi32, #tpu.memory_space<vmem>>) target_semaphore(%run_scoped3A : memref<!tpu.dma_semaphore, #tpu.memory_space<semaphore_mem>>)
      %dma_wait3A_326 = tpu.memref_slice %arg2[%add3A_21] : memref<16384xi32, #tpu.memory_space<hbm>> -> memref<128xi32, #tpu.memory_space<hbm>>
      %dma_wait3A_327 = tpu.memref_slice %arg2[%add3A_21] : memref<16384xi32, #tpu.memory_space<hbm>> -> memref<128xi32, #tpu.memory_space<hbm>>
      tpu.wait_dma2 semaphore(%run_scoped3A : memref<!tpu.dma_semaphore, #tpu.memory_space<semaphore_mem>>) src(%dma_wait3A_327 : memref<128xi32, #tpu.memory_space<hbm>>) dst(%arg13 : memref<128xi32, #tpu.memory_space<vmem>>)
      tpu.yield
    }) : () -> ()
    "tpu.region"() ({
      %run_scoped3A = tpu.sem_alloc : memref<!tpu.dma_semaphore, #tpu.memory_space<semaphore_mem>>
      %dma_start3A_324 = tpu.memref_slice %arg3[%add3A_21] : memref<16384xi32, #tpu.memory_space<hbm>> -> memref<128xi32, #tpu.memory_space<hbm>>
      %dma_start3A_325 = tpu.memref_slice %arg3[%add3A_21] : memref<16384xi32, #tpu.memory_space<hbm>> -> memref<128xi32, #tpu.memory_space<hbm>>
      tpu.enqueue_dma source(%dma_start3A_325 : memref<128xi32, #tpu.memory_space<hbm>>) target(%arg14 : memref<128xi32, #tpu.memory_space<vmem>>) target_semaphore(%run_scoped3A : memref<!tpu.dma_semaphore, #tpu.memory_space<semaphore_mem>>)
      %dma_wait3A_326 = tpu.memref_slice %arg3[%add3A_21] : memref<16384xi32, #tpu.memory_space<hbm>> -> memref<128xi32, #tpu.memory_space<hbm>>
      %dma_wait3A_327 = tpu.memref_slice %arg3[%add3A_21] : memref<16384xi32, #tpu.memory_space<hbm>> -> memref<128xi32, #tpu.memory_space<hbm>>
      tpu.wait_dma2 semaphore(%run_scoped3A : memref<!tpu.dma_semaphore, #tpu.memory_space<semaphore_mem>>) src(%dma_wait3A_327 : memref<128xi32, #tpu.memory_space<hbm>>) dst(%arg14 : memref<128xi32, #tpu.memory_space<vmem>>)
      tpu.yield
    }) : () -> ()
    "tpu.region"() ({
      %run_scoped3A = tpu.sem_alloc : memref<!tpu.dma_semaphore, #tpu.memory_space<semaphore_mem>>
      %dma_start3A_324 = tpu.memref_slice %arg4[%add3A_21] : memref<16384xi32, #tpu.memory_space<hbm>> -> memref<128xi32, #tpu.memory_space<hbm>>
      %dma_start3A_325 = tpu.memref_slice %arg4[%add3A_21] : memref<16384xi32, #tpu.memory_space<hbm>> -> memref<128xi32, #tpu.memory_space<hbm>>
      tpu.enqueue_dma source(%dma_start3A_325 : memref<128xi32, #tpu.memory_space<hbm>>) target(%arg15 : memref<128xi32, #tpu.memory_space<vmem>>) target_semaphore(%run_scoped3A : memref<!tpu.dma_semaphore, #tpu.memory_space<semaphore_mem>>)
      %dma_wait3A_326 = tpu.memref_slice %arg4[%add3A_21] : memref<16384xi32, #tpu.memory_space<hbm>> -> memref<128xi32, #tpu.memory_space<hbm>>
      %dma_wait3A_327 = tpu.memref_slice %arg4[%add3A_21] : memref<16384xi32, #tpu.memory_space<hbm>> -> memref<128xi32, #tpu.memory_space<hbm>>
      tpu.wait_dma2 semaphore(%run_scoped3A : memref<!tpu.dma_semaphore, #tpu.memory_space<semaphore_mem>>) src(%dma_wait3A_327 : memref<128xi32, #tpu.memory_space<hbm>>) dst(%arg15 : memref<128xi32, #tpu.memory_space<vmem>>)
      tpu.yield
    }) : () -> ()
    %dma_start3A = arith.constant 0 : i32
    %dma_start3A_22 = arith.constant 0 : i32
    %dma_start3A_23 = tpu.memref_slice %arg5[%dma_start3A, %dma_start3A_22] : memref<100000x64xf32, #tpu.memory_space<hbm>> -> memref<100000x64xf32, #tpu.memory_space<hbm>>
    tpu.enqueue_indirect_dma source(%dma_start3A_23 : memref<100000x64xf32, #tpu.memory_space<hbm>>) target(%arg16 : memref<128x64xf32, #tpu.memory_space<vmem>>) offsets(%arg13 : memref<128xi32, #tpu.memory_space<vmem>>) semaphore(%arg27 : memref<!tpu.dma_semaphore, #tpu.memory_space<semaphore_mem>>)
    %dma_start3A_24 = arith.constant 0 : i32
    %dma_start3A_25 = arith.constant 0 : i32
    %dma_start3A_26 = tpu.memref_slice %arg6[%dma_start3A_24, %dma_start3A_25] : memref<100000x64xf32, #tpu.memory_space<hbm>> -> memref<100000x64xf32, #tpu.memory_space<hbm>>
    tpu.enqueue_indirect_dma source(%dma_start3A_26 : memref<100000x64xf32, #tpu.memory_space<hbm>>) target(%arg17 : memref<128x64xf32, #tpu.memory_space<vmem>>) offsets(%arg13 : memref<128xi32, #tpu.memory_space<vmem>>) semaphore(%arg27 : memref<!tpu.dma_semaphore, #tpu.memory_space<semaphore_mem>>)
    %dma_start3A_27 = arith.constant 0 : i32
    %dma_start3A_28 = arith.constant 0 : i32
    %dma_start3A_29 = tpu.memref_slice %arg7[%dma_start3A_27, %dma_start3A_28] : memref<100000x128xf32, #tpu.memory_space<hbm>> -> memref<100000x128xf32, #tpu.memory_space<hbm>>
    tpu.enqueue_indirect_dma source(%dma_start3A_29 : memref<100000x128xf32, #tpu.memory_space<hbm>>) target(%arg18 : memref<128x128xf32, #tpu.memory_space<vmem>>) offsets(%arg13 : memref<128xi32, #tpu.memory_space<vmem>>) semaphore(%arg27 : memref<!tpu.dma_semaphore, #tpu.memory_space<semaphore_mem>>)
    %dma_start3A_30 = arith.constant 0 : i32
    %dma_start3A_31 = arith.constant 0 : i32
    %dma_start3A_32 = tpu.memref_slice %arg8[%dma_start3A_30, %dma_start3A_31] : memref<1000x64xf32, #tpu.memory_space<hbm>> -> memref<1000x64xf32, #tpu.memory_space<hbm>>
    tpu.enqueue_indirect_dma source(%dma_start3A_32 : memref<1000x64xf32, #tpu.memory_space<hbm>>) target(%arg19 : memref<128x64xf32, #tpu.memory_space<vmem>>) offsets(%arg14 : memref<128xi32, #tpu.memory_space<vmem>>) semaphore(%arg27 : memref<!tpu.dma_semaphore, #tpu.memory_space<semaphore_mem>>)
    %dma_start3A_33 = arith.constant 0 : i32
    %dma_start3A_34 = arith.constant 0 : i32
    %dma_start3A_35 = tpu.memref_slice %arg9[%dma_start3A_33, %dma_start3A_34] : memref<1000x64xf32, #tpu.memory_space<hbm>> -> memref<1000x64xf32, #tpu.memory_space<hbm>>
    tpu.enqueue_indirect_dma source(%dma_start3A_35 : memref<1000x64xf32, #tpu.memory_space<hbm>>) target(%arg20 : memref<128x64xf32, #tpu.memory_space<vmem>>) offsets(%arg14 : memref<128xi32, #tpu.memory_space<vmem>>) semaphore(%arg27 : memref<!tpu.dma_semaphore, #tpu.memory_space<semaphore_mem>>)
    %dma_start3A_36 = arith.constant 0 : i32
    %dma_start3A_37 = arith.constant 0 : i32
    %dma_start3A_38 = tpu.memref_slice %arg10[%dma_start3A_36, %dma_start3A_37] : memref<1000x128xf32, #tpu.memory_space<hbm>> -> memref<1000x128xf32, #tpu.memory_space<hbm>>
    tpu.enqueue_indirect_dma source(%dma_start3A_38 : memref<1000x128xf32, #tpu.memory_space<hbm>>) target(%arg21 : memref<128x128xf32, #tpu.memory_space<vmem>>) offsets(%arg14 : memref<128xi32, #tpu.memory_space<vmem>>) semaphore(%arg27 : memref<!tpu.dma_semaphore, #tpu.memory_space<semaphore_mem>>)
    %dma_start3A_39 = arith.constant 0 : i32
    %dma_start3A_40 = arith.constant 0 : i32
    %dma_start3A_41 = tpu.memref_slice %arg5[%dma_start3A_39, %dma_start3A_40] : memref<100000x64xf32, #tpu.memory_space<hbm>> -> memref<100000x64xf32, #tpu.memory_space<hbm>>
    tpu.enqueue_indirect_dma source(%dma_start3A_41 : memref<100000x64xf32, #tpu.memory_space<hbm>>) target(%arg22 : memref<128x64xf32, #tpu.memory_space<vmem>>) offsets(%arg15 : memref<128xi32, #tpu.memory_space<vmem>>) semaphore(%arg27 : memref<!tpu.dma_semaphore, #tpu.memory_space<semaphore_mem>>)
    %dma_start3A_42 = arith.constant 0 : i32
    %dma_start3A_43 = arith.constant 0 : i32
    %dma_start3A_44 = tpu.memref_slice %arg6[%dma_start3A_42, %dma_start3A_43] : memref<100000x64xf32, #tpu.memory_space<hbm>> -> memref<100000x64xf32, #tpu.memory_space<hbm>>
    tpu.enqueue_indirect_dma source(%dma_start3A_44 : memref<100000x64xf32, #tpu.memory_space<hbm>>) target(%arg23 : memref<128x64xf32, #tpu.memory_space<vmem>>) offsets(%arg15 : memref<128xi32, #tpu.memory_space<vmem>>) semaphore(%arg27 : memref<!tpu.dma_semaphore, #tpu.memory_space<semaphore_mem>>)
    %dma_start3A_45 = arith.constant 0 : i32
    %dma_start3A_46 = arith.constant 0 : i32
    %dma_start3A_47 = tpu.memref_slice %arg7[%dma_start3A_45, %dma_start3A_46] : memref<100000x128xf32, #tpu.memory_space<hbm>> -> memref<100000x128xf32, #tpu.memory_space<hbm>>
    tpu.enqueue_indirect_dma source(%dma_start3A_47 : memref<100000x128xf32, #tpu.memory_space<hbm>>) target(%arg24 : memref<128x128xf32, #tpu.memory_space<vmem>>) offsets(%arg15 : memref<128xi32, #tpu.memory_space<vmem>>) semaphore(%arg27 : memref<!tpu.dma_semaphore, #tpu.memory_space<semaphore_mem>>)
    %dma_wait3A = arith.constant 0 : i32
    %dma_wait3A_48 = arith.constant 0 : i32
    %dma_wait3A_49 = tpu.memref_slice %arg5[%dma_wait3A, %dma_wait3A_48] : memref<100000x64xf32, #tpu.memory_space<hbm>> -> memref<100000x64xf32, #tpu.memory_space<hbm>>
    tpu.wait_indirect_dma semaphore(%arg27 : memref<!tpu.dma_semaphore, #tpu.memory_space<semaphore_mem>>) src(%dma_wait3A_49 : memref<100000x64xf32, #tpu.memory_space<hbm>>) dst(%arg16 : memref<128x64xf32, #tpu.memory_space<vmem>>)
    %dma_wait3A_50 = arith.constant 0 : i32
    %dma_wait3A_51 = arith.constant 0 : i32
    %dma_wait3A_52 = tpu.memref_slice %arg6[%dma_wait3A_50, %dma_wait3A_51] : memref<100000x64xf32, #tpu.memory_space<hbm>> -> memref<100000x64xf32, #tpu.memory_space<hbm>>
    tpu.wait_indirect_dma semaphore(%arg27 : memref<!tpu.dma_semaphore, #tpu.memory_space<semaphore_mem>>) src(%dma_wait3A_52 : memref<100000x64xf32, #tpu.memory_space<hbm>>) dst(%arg17 : memref<128x64xf32, #tpu.memory_space<vmem>>)
    %dma_wait3A_53 = arith.constant 0 : i32
    %dma_wait3A_54 = arith.constant 0 : i32
    %dma_wait3A_55 = tpu.memref_slice %arg7[%dma_wait3A_53, %dma_wait3A_54] : memref<100000x128xf32, #tpu.memory_space<hbm>> -> memref<100000x128xf32, #tpu.memory_space<hbm>>
    tpu.wait_indirect_dma semaphore(%arg27 : memref<!tpu.dma_semaphore, #tpu.memory_space<semaphore_mem>>) src(%dma_wait3A_55 : memref<100000x128xf32, #tpu.memory_space<hbm>>) dst(%arg18 : memref<128x128xf32, #tpu.memory_space<vmem>>)
    %dma_wait3A_56 = arith.constant 0 : i32
    %dma_wait3A_57 = arith.constant 0 : i32
    %dma_wait3A_58 = tpu.memref_slice %arg8[%dma_wait3A_56, %dma_wait3A_57] : memref<1000x64xf32, #tpu.memory_space<hbm>> -> memref<1000x64xf32, #tpu.memory_space<hbm>>
    tpu.wait_indirect_dma semaphore(%arg27 : memref<!tpu.dma_semaphore, #tpu.memory_space<semaphore_mem>>) src(%dma_wait3A_58 : memref<1000x64xf32, #tpu.memory_space<hbm>>) dst(%arg19 : memref<128x64xf32, #tpu.memory_space<vmem>>)
    %dma_wait3A_59 = arith.constant 0 : i32
    %dma_wait3A_60 = arith.constant 0 : i32
    %dma_wait3A_61 = tpu.memref_slice %arg9[%dma_wait3A_59, %dma_wait3A_60] : memref<1000x64xf32, #tpu.memory_space<hbm>> -> memref<1000x64xf32, #tpu.memory_space<hbm>>
    tpu.wait_indirect_dma semaphore(%arg27 : memref<!tpu.dma_semaphore, #tpu.memory_space<semaphore_mem>>) src(%dma_wait3A_61 : memref<1000x64xf32, #tpu.memory_space<hbm>>) dst(%arg20 : memref<128x64xf32, #tpu.memory_space<vmem>>)
    %dma_wait3A_62 = arith.constant 0 : i32
    %dma_wait3A_63 = arith.constant 0 : i32
    %dma_wait3A_64 = tpu.memref_slice %arg10[%dma_wait3A_62, %dma_wait3A_63] : memref<1000x128xf32, #tpu.memory_space<hbm>> -> memref<1000x128xf32, #tpu.memory_space<hbm>>
    tpu.wait_indirect_dma semaphore(%arg27 : memref<!tpu.dma_semaphore, #tpu.memory_space<semaphore_mem>>) src(%dma_wait3A_64 : memref<1000x128xf32, #tpu.memory_space<hbm>>) dst(%arg21 : memref<128x128xf32, #tpu.memory_space<vmem>>)
    %dma_wait3A_65 = arith.constant 0 : i32
    %dma_wait3A_66 = arith.constant 0 : i32
    %dma_wait3A_67 = tpu.memref_slice %arg5[%dma_wait3A_65, %dma_wait3A_66] : memref<100000x64xf32, #tpu.memory_space<hbm>> -> memref<100000x64xf32, #tpu.memory_space<hbm>>
    tpu.wait_indirect_dma semaphore(%arg27 : memref<!tpu.dma_semaphore, #tpu.memory_space<semaphore_mem>>) src(%dma_wait3A_67 : memref<100000x64xf32, #tpu.memory_space<hbm>>) dst(%arg22 : memref<128x64xf32, #tpu.memory_space<vmem>>)
    %dma_wait3A_68 = arith.constant 0 : i32
    %dma_wait3A_69 = arith.constant 0 : i32
    %dma_wait3A_70 = tpu.memref_slice %arg6[%dma_wait3A_68, %dma_wait3A_69] : memref<100000x64xf32, #tpu.memory_space<hbm>> -> memref<100000x64xf32, #tpu.memory_space<hbm>>
    tpu.wait_indirect_dma semaphore(%arg27 : memref<!tpu.dma_semaphore, #tpu.memory_space<semaphore_mem>>) src(%dma_wait3A_70 : memref<100000x64xf32, #tpu.memory_space<hbm>>) dst(%arg23 : memref<128x64xf32, #tpu.memory_space<vmem>>)
    %dma_wait3A_71 = arith.constant 0 : i32
    %dma_wait3A_72 = arith.constant 0 : i32
    %dma_wait3A_73 = tpu.memref_slice %arg7[%dma_wait3A_71, %dma_wait3A_72] : memref<100000x128xf32, #tpu.memory_space<hbm>> -> memref<100000x128xf32, #tpu.memory_space<hbm>>
    tpu.wait_indirect_dma semaphore(%arg27 : memref<!tpu.dma_semaphore, #tpu.memory_space<semaphore_mem>>) src(%dma_wait3A_73 : memref<100000x128xf32, #tpu.memory_space<hbm>>) dst(%arg24 : memref<128x128xf32, #tpu.memory_space<vmem>>)
    %scan3A = arith.constant 0 : i32
    %scan3A_74 = arith.constant 128 : i32
    %scan3A_75 = arith.addi %scan3A, %scan3A_74 : i32
    %scan3A_76 = arith.constant 1 : i32
    %scan3A_77:9 = scf.for %scan3A_324 = %scan3A to %scan3A_75 step %scan3A_76 iter_args(%scan3A_325 = %broadcast_in_dim3A_1, %scan3A_326 = %broadcast_in_dim3A_3, %scan3A_327 = %broadcast_in_dim3A_5, %scan3A_328 = %broadcast_in_dim3A_7, %scan3A_329 = %broadcast_in_dim3A_9, %scan3A_330 = %broadcast_in_dim3A_11, %scan3A_331 = %broadcast_in_dim3A_13, %scan3A_332 = %broadcast_in_dim3A_15, %scan3A_333 = %broadcast_in_dim3A_17) -> (vector<16xf32>, vector<16xf32>, vector<16xf32>, vector<16xf32>, vector<16xf32>, vector<16xf32>, vector<16xf32>, vector<16xf32>, vector<16xf32>)  : i32 {
      %broadcast_in_dim3A_334 = arith.constant 0.000000e+00 : f32
      %broadcast_in_dim3A_335 = vector.broadcast %broadcast_in_dim3A_334 : f32 to vector<16xf32>
      %get3A = arith.index_cast %scan3A_324 : i32 to index
      %get3A_336 = arith.constant 0 : index
      %get3A_337 = tpu.vector_load %arg19[%get3A, %get3A_336] {strides = array<i32>} : memref<128x64xf32, #tpu.memory_space<vmem>>, vector<1x16xf32>,
      %get3A_338 = vector.shape_cast %get3A_337 : vector<1x16xf32> to vector<16xf32>
      %get3A_339 = arith.index_cast %scan3A_324 : i32 to index
      %get3A_340 = arith.constant 0 : index
      %get3A_341 = tpu.vector_load %arg20[%get3A_339, %get3A_340] {strides = array<i32>} : memref<128x64xf32, #tpu.memory_space<vmem>>, vector<1x16xf32>,
      %get3A_342 = vector.shape_cast %get3A_341 : vector<1x16xf32> to vector<16xf32>
      %get3A_343 = arith.index_cast %scan3A_324 : i32 to index
      %get3A_344 = arith.constant 0 : index
      %get3A_345 = tpu.vector_load %arg16[%get3A_343, %get3A_344] {strides = array<i32>} : memref<128x64xf32, #tpu.memory_space<vmem>>, vector<1x16xf32>,
      %get3A_346 = vector.shape_cast %get3A_345 : vector<1x16xf32> to vector<16xf32>
      %get3A_347 = arith.index_cast %scan3A_324 : i32 to index
      %get3A_348 = arith.constant 0 : index
      %get3A_349 = tpu.vector_load %arg17[%get3A_347, %get3A_348] {strides = array<i32>} : memref<128x64xf32, #tpu.memory_space<vmem>>, vector<1x16xf32>,
      %get3A_350 = vector.shape_cast %get3A_349 : vector<1x16xf32> to vector<16xf32>
      %get3A_351 = arith.index_cast %scan3A_324 : i32 to index
      %get3A_352 = arith.constant 0 : index
      %get3A_353 = tpu.vector_load %arg22[%get3A_351, %get3A_352] {strides = array<i32>} : memref<128x64xf32, #tpu.memory_space<vmem>>, vector<1x16xf32>,
      %get3A_354 = vector.shape_cast %get3A_353 : vector<1x16xf32> to vector<16xf32>
      %get3A_355 = arith.index_cast %scan3A_324 : i32 to index
      %get3A_356 = arith.constant 0 : index
      %get3A_357 = tpu.vector_load %arg23[%get3A_355, %get3A_356] {strides = array<i32>} : memref<128x64xf32, #tpu.memory_space<vmem>>, vector<1x16xf32>,
      %get3A_358 = vector.shape_cast %get3A_357 : vector<1x16xf32> to vector<16xf32>
      %mul3A_359 = arith.mulf %get3A_338, %get3A_346 : vector<16xf32>
      %mul3A_360 = arith.mulf %get3A_342, %get3A_350 : vector<16xf32>
      %sub3A = arith.subf %mul3A_359, %mul3A_360 : vector<16xf32>
      %mul3A_361 = arith.mulf %get3A_338, %get3A_350 : vector<16xf32>
      %mul3A_362 = arith.mulf %get3A_342, %get3A_346 : vector<16xf32>
      %add3A_363 = arith.addf %mul3A_361, %mul3A_362 : vector<16xf32>
      %mul3A_364 = arith.mulf %sub3A, %get3A_354 : vector<16xf32>
      %add3A_365 = arith.addf %broadcast_in_dim3A_335, %mul3A_364 : vector<16xf32>
      %mul3A_366 = arith.mulf %add3A_363, %get3A_358 : vector<16xf32>
      %add3A_367 = arith.addf %add3A_365, %mul3A_366 : vector<16xf32>
      %mul3A_368 = arith.mulf %get3A_346, %get3A_346 : vector<16xf32>
      %add3A_369 = arith.addf %scan3A_325, %mul3A_368 : vector<16xf32>
      %mul3A_370 = arith.mulf %get3A_350, %get3A_350 : vector<16xf32>
      %add3A_371 = arith.addf %scan3A_326, %mul3A_370 : vector<16xf32>
      %mul3A_372 = arith.mulf %get3A_354, %get3A_354 : vector<16xf32>
      %add3A_373 = arith.addf %scan3A_328, %mul3A_372 : vector<16xf32>
      %mul3A_374 = arith.mulf %get3A_358, %get3A_358 : vector<16xf32>
      %add3A_375 = arith.addf %scan3A_329, %mul3A_374 : vector<16xf32>
      %mul3A_376 = arith.mulf %get3A_338, %get3A_338 : vector<16xf32>
      %add3A_377 = arith.addf %scan3A_331, %mul3A_376 : vector<16xf32>
      %mul3A_378 = arith.mulf %get3A_342, %get3A_342 : vector<16xf32>
      %add3A_379 = arith.addf %scan3A_332, %mul3A_378 : vector<16xf32>
      %get3A_380 = arith.index_cast %scan3A_324 : i32 to index
      %get3A_381 = arith.constant 16 : index
      %get3A_382 = tpu.vector_load %arg19[%get3A_380, %get3A_381] {strides = array<i32>} : memref<128x64xf32, #tpu.memory_space<vmem>>, vector<1x16xf32>,
      %get3A_383 = vector.shape_cast %get3A_382 : vector<1x16xf32> to vector<16xf32>
      %get3A_384 = arith.index_cast %scan3A_324 : i32 to index
      %get3A_385 = arith.constant 16 : index
      %get3A_386 = tpu.vector_load %arg20[%get3A_384, %get3A_385] {strides = array<i32>} : memref<128x64xf32, #tpu.memory_space<vmem>>, vector<1x16xf32>,
      %get3A_387 = vector.shape_cast %get3A_386 : vector<1x16xf32> to vector<16xf32>
      %get3A_388 = arith.index_cast %scan3A_324 : i32 to index
      %get3A_389 = arith.constant 16 : index
      %get3A_390 = tpu.vector_load %arg16[%get3A_388, %get3A_389] {strides = array<i32>} : memref<128x64xf32, #tpu.memory_space<vmem>>, vector<1x16xf32>,
      %get3A_391 = vector.shape_cast %get3A_390 : vector<1x16xf32> to vector<16xf32>
      %get3A_392 = arith.index_cast %scan3A_324 : i32 to index
      %get3A_393 = arith.constant 16 : index
      %get3A_394 = tpu.vector_load %arg17[%get3A_392, %get3A_393] {strides = array<i32>} : memref<128x64xf32, #tpu.memory_space<vmem>>, vector<1x16xf32>,
      %get3A_395 = vector.shape_cast %get3A_394 : vector<1x16xf32> to vector<16xf32>
      %get3A_396 = arith.index_cast %scan3A_324 : i32 to index
      %get3A_397 = arith.constant 16 : index
      %get3A_398 = tpu.vector_load %arg22[%get3A_396, %get3A_397] {strides = array<i32>} : memref<128x64xf32, #tpu.memory_space<vmem>>, vector<1x16xf32>,
      %get3A_399 = vector.shape_cast %get3A_398 : vector<1x16xf32> to vector<16xf32>
      %get3A_400 = arith.index_cast %scan3A_324 : i32 to index
      %get3A_401 = arith.constant 16 : index
      %get3A_402 = tpu.vector_load %arg23[%get3A_400, %get3A_401] {strides = array<i32>} : memref<128x64xf32, #tpu.memory_space<vmem>>, vector<1x16xf32>,
      %get3A_403 = vector.shape_cast %get3A_402 : vector<1x16xf32> to vector<16xf32>
      %mul3A_404 = arith.mulf %get3A_383, %get3A_391 : vector<16xf32>
      %mul3A_405 = arith.mulf %get3A_387, %get3A_395 : vector<16xf32>
      %sub3A_406 = arith.subf %mul3A_404, %mul3A_405 : vector<16xf32>
      %mul3A_407 = arith.mulf %get3A_383, %get3A_395 : vector<16xf32>
      %mul3A_408 = arith.mulf %get3A_387, %get3A_391 : vector<16xf32>
      %add3A_409 = arith.addf %mul3A_407, %mul3A_408 : vector<16xf32>
      %mul3A_410 = arith.mulf %sub3A_406, %get3A_399 : vector<16xf32>
      %add3A_411 = arith.addf %add3A_367, %mul3A_410 : vector<16xf32>
      %mul3A_412 = arith.mulf %add3A_409, %get3A_403 : vector<16xf32>
      %add3A_413 = arith.addf %add3A_411, %mul3A_412 : vector<16xf32>
      %mul3A_414 = arith.mulf %get3A_391, %get3A_391 : vector<16xf32>
      %add3A_415 = arith.addf %add3A_369, %mul3A_414 : vector<16xf32>
      %mul3A_416 = arith.mulf %get3A_395, %get3A_395 : vector<16xf32>
      %add3A_417 = arith.addf %add3A_371, %mul3A_416 : vector<16xf32>
      %mul3A_418 = arith.mulf %get3A_399, %get3A_399 : vector<16xf32>
      %add3A_419 = arith.addf %add3A_373, %mul3A_418 : vector<16xf32>
      %mul3A_420 = arith.mulf %get3A_403, %get3A_403 : vector<16xf32>
      %add3A_421 = arith.addf %add3A_375, %mul3A_420 : vector<16xf32>
      %mul3A_422 = arith.mulf %get3A_383, %get3A_383 : vector<16xf32>
      %add3A_423 = arith.addf %add3A_377, %mul3A_422 : vector<16xf32>
      %mul3A_424 = arith.mulf %get3A_387, %get3A_387 : vector<16xf32>
      %add3A_425 = arith.addf %add3A_379, %mul3A_424 : vector<16xf32>
      %get3A_426 = arith.index_cast %scan3A_324 : i32 to index
      %get3A_427 = arith.constant 32 : index
      %get3A_428 = tpu.vector_load %arg19[%get3A_426, %get3A_427] {strides = array<i32>} : memref<128x64xf32, #tpu.memory_space<vmem>>, vector<1x16xf32>,
      %get3A_429 = vector.shape_cast %get3A_428 : vector<1x16xf32> to vector<16xf32>
      %get3A_430 = arith.index_cast %scan3A_324 : i32 to index
      %get3A_431 = arith.constant 32 : index
      %get3A_432 = tpu.vector_load %arg20[%get3A_430, %get3A_431] {strides = array<i32>} : memref<128x64xf32, #tpu.memory_space<vmem>>, vector<1x16xf32>,
      %get3A_433 = vector.shape_cast %get3A_432 : vector<1x16xf32> to vector<16xf32>
      %get3A_434 = arith.index_cast %scan3A_324 : i32 to index
      %get3A_435 = arith.constant 32 : index
      %get3A_436 = tpu.vector_load %arg16[%get3A_434, %get3A_435] {strides = array<i32>} : memref<128x64xf32, #tpu.memory_space<vmem>>, vector<1x16xf32>,
      %get3A_437 = vector.shape_cast %get3A_436 : vector<1x16xf32> to vector<16xf32>
      %get3A_438 = arith.index_cast %scan3A_324 : i32 to index
      %get3A_439 = arith.constant 32 : index
      %get3A_440 = tpu.vector_load %arg17[%get3A_438, %get3A_439] {strides = array<i32>} : memref<128x64xf32, #tpu.memory_space<vmem>>, vector<1x16xf32>,
      %get3A_441 = vector.shape_cast %get3A_440 : vector<1x16xf32> to vector<16xf32>
      %get3A_442 = arith.index_cast %scan3A_324 : i32 to index
      %get3A_443 = arith.constant 32 : index
      %get3A_444 = tpu.vector_load %arg22[%get3A_442, %get3A_443] {strides = array<i32>} : memref<128x64xf32, #tpu.memory_space<vmem>>, vector<1x16xf32>,
      %get3A_445 = vector.shape_cast %get3A_444 : vector<1x16xf32> to vector<16xf32>
      %get3A_446 = arith.index_cast %scan3A_324 : i32 to index
      %get3A_447 = arith.constant 32 : index
      %get3A_448 = tpu.vector_load %arg23[%get3A_446, %get3A_447] {strides = array<i32>} : memref<128x64xf32, #tpu.memory_space<vmem>>, vector<1x16xf32>,
      %get3A_449 = vector.shape_cast %get3A_448 : vector<1x16xf32> to vector<16xf32>
      %mul3A_450 = arith.mulf %get3A_429, %get3A_437 : vector<16xf32>
      %mul3A_451 = arith.mulf %get3A_433, %get3A_441 : vector<16xf32>
      %sub3A_452 = arith.subf %mul3A_450, %mul3A_451 : vector<16xf32>
      %mul3A_453 = arith.mulf %get3A_429, %get3A_441 : vector<16xf32>
      %mul3A_454 = arith.mulf %get3A_433, %get3A_437 : vector<16xf32>
      %add3A_455 = arith.addf %mul3A_453, %mul3A_454 : vector<16xf32>
      %mul3A_456 = arith.mulf %sub3A_452, %get3A_445 : vector<16xf32>
      %add3A_457 = arith.addf %add3A_413, %mul3A_456 : vector<16xf32>
      %mul3A_458 = arith.mulf %add3A_455, %get3A_449 : vector<16xf32>
      %add3A_459 = arith.addf %add3A_457, %mul3A_458 : vector<16xf32>
      %mul3A_460 = arith.mulf %get3A_437, %get3A_437 : vector<16xf32>
      %add3A_461 = arith.addf %add3A_415, %mul3A_460 : vector<16xf32>
      %mul3A_462 = arith.mulf %get3A_441, %get3A_441 : vector<16xf32>
      %add3A_463 = arith.addf %add3A_417, %mul3A_462 : vector<16xf32>
      %mul3A_464 = arith.mulf %get3A_445, %get3A_445 : vector<16xf32>
      %add3A_465 = arith.addf %add3A_419, %mul3A_464 : vector<16xf32>
      %mul3A_466 = arith.mulf %get3A_449, %get3A_449 : vector<16xf32>
      %add3A_467 = arith.addf %add3A_421, %mul3A_466 : vector<16xf32>
      %mul3A_468 = arith.mulf %get3A_429, %get3A_429 : vector<16xf32>
      %add3A_469 = arith.addf %add3A_423, %mul3A_468 : vector<16xf32>
      %mul3A_470 = arith.mulf %get3A_433, %get3A_433 : vector<16xf32>
      %add3A_471 = arith.addf %add3A_425, %mul3A_470 : vector<16xf32>
      %get3A_472 = arith.index_cast %scan3A_324 : i32 to index
      %get3A_473 = arith.constant 48 : index
      %get3A_474 = tpu.vector_load %arg19[%get3A_472, %get3A_473] {strides = array<i32>} : memref<128x64xf32, #tpu.memory_space<vmem>>, vector<1x16xf32>,
      %get3A_475 = vector.shape_cast %get3A_474 : vector<1x16xf32> to vector<16xf32>
      %get3A_476 = arith.index_cast %scan3A_324 : i32 to index
      %get3A_477 = arith.constant 48 : index
      %get3A_478 = tpu.vector_load %arg20[%get3A_476, %get3A_477] {strides = array<i32>} : memref<128x64xf32, #tpu.memory_space<vmem>>, vector<1x16xf32>,
      %get3A_479 = vector.shape_cast %get3A_478 : vector<1x16xf32> to vector<16xf32>
      %get3A_480 = arith.index_cast %scan3A_324 : i32 to index
      %get3A_481 = arith.constant 48 : index
      %get3A_482 = tpu.vector_load %arg16[%get3A_480, %get3A_481] {strides = array<i32>} : memref<128x64xf32, #tpu.memory_space<vmem>>, vector<1x16xf32>,
      %get3A_483 = vector.shape_cast %get3A_482 : vector<1x16xf32> to vector<16xf32>
      %get3A_484 = arith.index_cast %scan3A_324 : i32 to index
      %get3A_485 = arith.constant 48 : index
      %get3A_486 = tpu.vector_load %arg17[%get3A_484, %get3A_485] {strides = array<i32>} : memref<128x64xf32, #tpu.memory_space<vmem>>, vector<1x16xf32>,
      %get3A_487 = vector.shape_cast %get3A_486 : vector<1x16xf32> to vector<16xf32>
      %get3A_488 = arith.index_cast %scan3A_324 : i32 to index
      %get3A_489 = arith.constant 48 : index
      %get3A_490 = tpu.vector_load %arg22[%get3A_488, %get3A_489] {strides = array<i32>} : memref<128x64xf32, #tpu.memory_space<vmem>>, vector<1x16xf32>,
      %get3A_491 = vector.shape_cast %get3A_490 : vector<1x16xf32> to vector<16xf32>
      %get3A_492 = arith.index_cast %scan3A_324 : i32 to index
      %get3A_493 = arith.constant 48 : index
      %get3A_494 = tpu.vector_load %arg23[%get3A_492, %get3A_493] {strides = array<i32>} : memref<128x64xf32, #tpu.memory_space<vmem>>, vector<1x16xf32>,
      %get3A_495 = vector.shape_cast %get3A_494 : vector<1x16xf32> to vector<16xf32>
      %mul3A_496 = arith.mulf %get3A_475, %get3A_483 : vector<16xf32>
      %mul3A_497 = arith.mulf %get3A_479, %get3A_487 : vector<16xf32>
      %sub3A_498 = arith.subf %mul3A_496, %mul3A_497 : vector<16xf32>
      %mul3A_499 = arith.mulf %get3A_475, %get3A_487 : vector<16xf32>
      %mul3A_500 = arith.mulf %get3A_479, %get3A_483 : vector<16xf32>
      %add3A_501 = arith.addf %mul3A_499, %mul3A_500 : vector<16xf32>
      %mul3A_502 = arith.mulf %sub3A_498, %get3A_491 : vector<16xf32>
      %add3A_503 = arith.addf %add3A_459, %mul3A_502 : vector<16xf32>
      %mul3A_504 = arith.mulf %add3A_501, %get3A_495 : vector<16xf32>
      %add3A_505 = arith.addf %add3A_503, %mul3A_504 : vector<16xf32>
      %mul3A_506 = arith.mulf %get3A_483, %get3A_483 : vector<16xf32>
      %add3A_507 = arith.addf %add3A_461, %mul3A_506 : vector<16xf32>
      %mul3A_508 = arith.mulf %get3A_487, %get3A_487 : vector<16xf32>
      %add3A_509 = arith.addf %add3A_463, %mul3A_508 : vector<16xf32>
      %mul3A_510 = arith.mulf %get3A_491, %get3A_491 : vector<16xf32>
      %add3A_511 = arith.addf %add3A_465, %mul3A_510 : vector<16xf32>
      %mul3A_512 = arith.mulf %get3A_495, %get3A_495 : vector<16xf32>
      %add3A_513 = arith.addf %add3A_467, %mul3A_512 : vector<16xf32>
      %mul3A_514 = arith.mulf %get3A_475, %get3A_475 : vector<16xf32>
      %add3A_515 = arith.addf %add3A_469, %mul3A_514 : vector<16xf32>
      %mul3A_516 = arith.mulf %get3A_479, %get3A_479 : vector<16xf32>
      %add3A_517 = arith.addf %add3A_471, %mul3A_516 : vector<16xf32>
      %get3A_518 = arith.index_cast %scan3A_324 : i32 to index
      %get3A_519 = arith.constant 0 : index
      %get3A_520 = tpu.vector_load %arg21[%get3A_518, %get3A_519] {strides = array<i32>} : memref<128x128xf32, #tpu.memory_space<vmem>>, vector<1x16xf32>,
      %get3A_521 = vector.shape_cast %get3A_520 : vector<1x16xf32> to vector<16xf32>
      %get3A_522 = arith.index_cast %scan3A_324 : i32 to index
      %get3A_523 = arith.constant 0 : index
      %get3A_524 = tpu.vector_load %arg18[%get3A_522, %get3A_523] {strides = array<i32>} : memref<128x128xf32, #tpu.memory_space<vmem>>, vector<1x16xf32>,
      %get3A_525 = vector.shape_cast %get3A_524 : vector<1x16xf32> to vector<16xf32>
      %get3A_526 = arith.index_cast %scan3A_324 : i32 to index
      %get3A_527 = arith.constant 0 : index
      %get3A_528 = tpu.vector_load %arg24[%get3A_526, %get3A_527] {strides = array<i32>} : memref<128x128xf32, #tpu.memory_space<vmem>>, vector<1x16xf32>,
      %get3A_529 = vector.shape_cast %get3A_528 : vector<1x16xf32> to vector<16xf32>
      %mul3A_530 = arith.mulf %get3A_521, %get3A_525 : vector<16xf32>
      %mul3A_531 = arith.mulf %mul3A_530, %get3A_529 : vector<16xf32>
      %add3A_532 = arith.addf %add3A_505, %mul3A_531 : vector<16xf32>
      %mul3A_533 = arith.mulf %get3A_525, %get3A_525 : vector<16xf32>
      %add3A_534 = arith.addf %scan3A_327, %mul3A_533 : vector<16xf32>
      %mul3A_535 = arith.mulf %get3A_529, %get3A_529 : vector<16xf32>
      %add3A_536 = arith.addf %scan3A_330, %mul3A_535 : vector<16xf32>
      %mul3A_537 = arith.mulf %get3A_521, %get3A_521 : vector<16xf32>
      %add3A_538 = arith.addf %scan3A_333, %mul3A_537 : vector<16xf32>
      %get3A_539 = arith.index_cast %scan3A_324 : i32 to index
      %get3A_540 = arith.constant 16 : index
      %get3A_541 = tpu.vector_load %arg21[%get3A_539, %get3A_540] {strides = array<i32>} : memref<128x128xf32, #tpu.memory_space<vmem>>, vector<1x16xf32>,
      %get3A_542 = vector.shape_cast %get3A_541 : vector<1x16xf32> to vector<16xf32>
      %get3A_543 = arith.index_cast %scan3A_324 : i32 to index
      %get3A_544 = arith.constant 16 : index
      %get3A_545 = tpu.vector_load %arg18[%get3A_543, %get3A_544] {strides = array<i32>} : memref<128x128xf32, #tpu.memory_space<vmem>>, vector<1x16xf32>,
      %get3A_546 = vector.shape_cast %get3A_545 : vector<1x16xf32> to vector<16xf32>
      %get3A_547 = arith.index_cast %scan3A_324 : i32 to index
      %get3A_548 = arith.constant 16 : index
      %get3A_549 = tpu.vector_load %arg24[%get3A_547, %get3A_548] {strides = array<i32>} : memref<128x128xf32, #tpu.memory_space<vmem>>, vector<1x16xf32>,
      %get3A_550 = vector.shape_cast %get3A_549 : vector<1x16xf32> to vector<16xf32>
      %mul3A_551 = arith.mulf %get3A_542, %get3A_546 : vector<16xf32>
      %mul3A_552 = arith.mulf %mul3A_551, %get3A_550 : vector<16xf32>
      %add3A_553 = arith.addf %add3A_532, %mul3A_552 : vector<16xf32>
      %mul3A_554 = arith.mulf %get3A_546, %get3A_546 : vector<16xf32>
      %add3A_555 = arith.addf %add3A_534, %mul3A_554 : vector<16xf32>
      %mul3A_556 = arith.mulf %get3A_550, %get3A_550 : vector<16xf32>
      %add3A_557 = arith.addf %add3A_536, %mul3A_556 : vector<16xf32>
      %mul3A_558 = arith.mulf %get3A_542, %get3A_542 : vector<16xf32>
      %add3A_559 = arith.addf %add3A_538, %mul3A_558 : vector<16xf32>
      %get3A_560 = arith.index_cast %scan3A_324 : i32 to index
      %get3A_561 = arith.constant 32 : index
      %get3A_562 = tpu.vector_load %arg21[%get3A_560, %get3A_561] {strides = array<i32>} : memref<128x128xf32, #tpu.memory_space<vmem>>, vector<1x16xf32>,
      %get3A_563 = vector.shape_cast %get3A_562 : vector<1x16xf32> to vector<16xf32>
      %get3A_564 = arith.index_cast %scan3A_324 : i32 to index
      %get3A_565 = arith.constant 32 : index
      %get3A_566 = tpu.vector_load %arg18[%get3A_564, %get3A_565] {strides = array<i32>} : memref<128x128xf32, #tpu.memory_space<vmem>>, vector<1x16xf32>,
      %get3A_567 = vector.shape_cast %get3A_566 : vector<1x16xf32> to vector<16xf32>
      %get3A_568 = arith.index_cast %scan3A_324 : i32 to index
      %get3A_569 = arith.constant 32 : index
      %get3A_570 = tpu.vector_load %arg24[%get3A_568, %get3A_569] {strides = array<i32>} : memref<128x128xf32, #tpu.memory_space<vmem>>, vector<1x16xf32>,
      %get3A_571 = vector.shape_cast %get3A_570 : vector<1x16xf32> to vector<16xf32>
      %mul3A_572 = arith.mulf %get3A_563, %get3A_567 : vector<16xf32>
      %mul3A_573 = arith.mulf %mul3A_572, %get3A_571 : vector<16xf32>
      %add3A_574 = arith.addf %add3A_553, %mul3A_573 : vector<16xf32>
      %mul3A_575 = arith.mulf %get3A_567, %get3A_567 : vector<16xf32>
      %add3A_576 = arith.addf %add3A_555, %mul3A_575 : vector<16xf32>
      %mul3A_577 = arith.mulf %get3A_571, %get3A_571 : vector<16xf32>
      %add3A_578 = arith.addf %add3A_557, %mul3A_577 : vector<16xf32>
      %mul3A_579 = arith.mulf %get3A_563, %get3A_563 : vector<16xf32>
      %add3A_580 = arith.addf %add3A_559, %mul3A_579 : vector<16xf32>
      %get3A_581 = arith.index_cast %scan3A_324 : i32 to index
      %get3A_582 = arith.constant 48 : index
      %get3A_583 = tpu.vector_load %arg21[%get3A_581, %get3A_582] {strides = array<i32>} : memref<128x128xf32, #tpu.memory_space<vmem>>, vector<1x16xf32>,
      %get3A_584 = vector.shape_cast %get3A_583 : vector<1x16xf32> to vector<16xf32>
      %get3A_585 = arith.index_cast %scan3A_324 : i32 to index
      %get3A_586 = arith.constant 48 : index
      %get3A_587 = tpu.vector_load %arg18[%get3A_585, %get3A_586] {strides = array<i32>} : memref<128x128xf32, #tpu.memory_space<vmem>>, vector<1x16xf32>,
      %get3A_588 = vector.shape_cast %get3A_587 : vector<1x16xf32> to vector<16xf32>
      %get3A_589 = arith.index_cast %scan3A_324 : i32 to index
      %get3A_590 = arith.constant 48 : index
      %get3A_591 = tpu.vector_load %arg24[%get3A_589, %get3A_590] {strides = array<i32>} : memref<128x128xf32, #tpu.memory_space<vmem>>, vector<1x16xf32>,
      %get3A_592 = vector.shape_cast %get3A_591 : vector<1x16xf32> to vector<16xf32>
      %mul3A_593 = arith.mulf %get3A_584, %get3A_588 : vector<16xf32>
      %mul3A_594 = arith.mulf %mul3A_593, %get3A_592 : vector<16xf32>
      %add3A_595 = arith.addf %add3A_574, %mul3A_594 : vector<16xf32>
      %mul3A_596 = arith.mulf %get3A_588, %get3A_588 : vector<16xf32>
      %add3A_597 = arith.addf %add3A_576, %mul3A_596 : vector<16xf32>
      %mul3A_598 = arith.mulf %get3A_592, %get3A_592 : vector<16xf32>
      %add3A_599 = arith.addf %add3A_578, %mul3A_598 : vector<16xf32>
      %mul3A_600 = arith.mulf %get3A_584, %get3A_584 : vector<16xf32>
      %add3A_601 = arith.addf %add3A_580, %mul3A_600 : vector<16xf32>
      %get3A_602 = arith.index_cast %scan3A_324 : i32 to index
      %get3A_603 = arith.constant 64 : index
      %get3A_604 = tpu.vector_load %arg21[%get3A_602, %get3A_603] {strides = array<i32>} : memref<128x128xf32, #tpu.memory_space<vmem>>, vector<1x16xf32>,
      %get3A_605 = vector.shape_cast %get3A_604 : vector<1x16xf32> to vector<16xf32>
      %get3A_606 = arith.index_cast %scan3A_324 : i32 to index
      %get3A_607 = arith.constant 64 : index
      %get3A_608 = tpu.vector_load %arg18[%get3A_606, %get3A_607] {strides = array<i32>} : memref<128x128xf32, #tpu.memory_space<vmem>>, vector<1x16xf32>,
      %get3A_609 = vector.shape_cast %get3A_608 : vector<1x16xf32> to vector<16xf32>
      %get3A_610 = arith.index_cast %scan3A_324 : i32 to index
      %get3A_611 = arith.constant 64 : index
      %get3A_612 = tpu.vector_load %arg24[%get3A_610, %get3A_611] {strides = array<i32>} : memref<128x128xf32, #tpu.memory_space<vmem>>, vector<1x16xf32>,
      %get3A_613 = vector.shape_cast %get3A_612 : vector<1x16xf32> to vector<16xf32>
      %mul3A_614 = arith.mulf %get3A_605, %get3A_609 : vector<16xf32>
      %mul3A_615 = arith.mulf %mul3A_614, %get3A_613 : vector<16xf32>
      %add3A_616 = arith.addf %add3A_595, %mul3A_615 : vector<16xf32>
      %mul3A_617 = arith.mulf %get3A_609, %get3A_609 : vector<16xf32>
      %add3A_618 = arith.addf %add3A_597, %mul3A_617 : vector<16xf32>
      %mul3A_619 = arith.mulf %get3A_613, %get3A_613 : vector<16xf32>
      %add3A_620 = arith.addf %add3A_599, %mul3A_619 : vector<16xf32>
      %mul3A_621 = arith.mulf %get3A_605, %get3A_605 : vector<16xf32>
      %add3A_622 = arith.addf %add3A_601, %mul3A_621 : vector<16xf32>
      %get3A_623 = arith.index_cast %scan3A_324 : i32 to index
      %get3A_624 = arith.constant 80 : index
      %get3A_625 = tpu.vector_load %arg21[%get3A_623, %get3A_624] {strides = array<i32>} : memref<128x128xf32, #tpu.memory_space<vmem>>, vector<1x16xf32>,
      %get3A_626 = vector.shape_cast %get3A_625 : vector<1x16xf32> to vector<16xf32>
      %get3A_627 = arith.index_cast %scan3A_324 : i32 to index
      %get3A_628 = arith.constant 80 : index
      %get3A_629 = tpu.vector_load %arg18[%get3A_627, %get3A_628] {strides = array<i32>} : memref<128x128xf32, #tpu.memory_space<vmem>>, vector<1x16xf32>,
      %get3A_630 = vector.shape_cast %get3A_629 : vector<1x16xf32> to vector<16xf32>
      %get3A_631 = arith.index_cast %scan3A_324 : i32 to index
      %get3A_632 = arith.constant 80 : index
      %get3A_633 = tpu.vector_load %arg24[%get3A_631, %get3A_632] {strides = array<i32>} : memref<128x128xf32, #tpu.memory_space<vmem>>, vector<1x16xf32>,
      %get3A_634 = vector.shape_cast %get3A_633 : vector<1x16xf32> to vector<16xf32>
      %mul3A_635 = arith.mulf %get3A_626, %get3A_630 : vector<16xf32>
      %mul3A_636 = arith.mulf %mul3A_635, %get3A_634 : vector<16xf32>
      %add3A_637 = arith.addf %add3A_616, %mul3A_636 : vector<16xf32>
      %mul3A_638 = arith.mulf %get3A_630, %get3A_630 : vector<16xf32>
      %add3A_639 = arith.addf %add3A_618, %mul3A_638 : vector<16xf32>
      %mul3A_640 = arith.mulf %get3A_634, %get3A_634 : vector<16xf32>
      %add3A_641 = arith.addf %add3A_620, %mul3A_640 : vector<16xf32>
      %mul3A_642 = arith.mulf %get3A_626, %get3A_626 : vector<16xf32>
      %add3A_643 = arith.addf %add3A_622, %mul3A_642 : vector<16xf32>
      %get3A_644 = arith.index_cast %scan3A_324 : i32 to index
      %get3A_645 = arith.constant 96 : index
      %get3A_646 = tpu.vector_load %arg21[%get3A_644, %get3A_645] {strides = array<i32>} : memref<128x128xf32, #tpu.memory_space<vmem>>, vector<1x16xf32>,
      %get3A_647 = vector.shape_cast %get3A_646 : vector<1x16xf32> to vector<16xf32>
      %get3A_648 = arith.index_cast %scan3A_324 : i32 to index
      %get3A_649 = arith.constant 96 : index
      %get3A_650 = tpu.vector_load %arg18[%get3A_648, %get3A_649] {strides = array<i32>} : memref<128x128xf32, #tpu.memory_space<vmem>>, vector<1x16xf32>,
      %get3A_651 = vector.shape_cast %get3A_650 : vector<1x16xf32> to vector<16xf32>
      %get3A_652 = arith.index_cast %scan3A_324 : i32 to index
      %get3A_653 = arith.constant 96 : index
      %get3A_654 = tpu.vector_load %arg24[%get3A_652, %get3A_653] {strides = array<i32>} : memref<128x128xf32, #tpu.memory_space<vmem>>, vector<1x16xf32>,
      %get3A_655 = vector.shape_cast %get3A_654 : vector<1x16xf32> to vector<16xf32>
      %mul3A_656 = arith.mulf %get3A_647, %get3A_651 : vector<16xf32>
      %mul3A_657 = arith.mulf %mul3A_656, %get3A_655 : vector<16xf32>
      %add3A_658 = arith.addf %add3A_637, %mul3A_657 : vector<16xf32>
      %mul3A_659 = arith.mulf %get3A_651, %get3A_651 : vector<16xf32>
      %add3A_660 = arith.addf %add3A_639, %mul3A_659 : vector<16xf32>
      %mul3A_661 = arith.mulf %get3A_655, %get3A_655 : vector<16xf32>
      %add3A_662 = arith.addf %add3A_641, %mul3A_661 : vector<16xf32>
      %mul3A_663 = arith.mulf %get3A_647, %get3A_647 : vector<16xf32>
      %add3A_664 = arith.addf %add3A_643, %mul3A_663 : vector<16xf32>
      %get3A_665 = arith.index_cast %scan3A_324 : i32 to index
      %get3A_666 = arith.constant 112 : index
      %get3A_667 = tpu.vector_load %arg21[%get3A_665, %get3A_666] {strides = array<i32>} : memref<128x128xf32, #tpu.memory_space<vmem>>, vector<1x16xf32>,
      %get3A_668 = vector.shape_cast %get3A_667 : vector<1x16xf32> to vector<16xf32>
      %get3A_669 = arith.index_cast %scan3A_324 : i32 to index
      %get3A_670 = arith.constant 112 : index
      %get3A_671 = tpu.vector_load %arg18[%get3A_669, %get3A_670] {strides = array<i32>} : memref<128x128xf32, #tpu.memory_space<vmem>>, vector<1x16xf32>,
      %get3A_672 = vector.shape_cast %get3A_671 : vector<1x16xf32> to vector<16xf32>
      %get3A_673 = arith.index_cast %scan3A_324 : i32 to index
      %get3A_674 = arith.constant 112 : index
      %get3A_675 = tpu.vector_load %arg24[%get3A_673, %get3A_674] {strides = array<i32>} : memref<128x128xf32, #tpu.memory_space<vmem>>, vector<1x16xf32>,
      %get3A_676 = vector.shape_cast %get3A_675 : vector<1x16xf32> to vector<16xf32>
      %mul3A_677 = arith.mulf %get3A_668, %get3A_672 : vector<16xf32>
      %mul3A_678 = arith.mulf %mul3A_677, %get3A_676 : vector<16xf32>
      %add3A_679 = arith.addf %add3A_658, %mul3A_678 : vector<16xf32>
      %mul3A_680 = arith.mulf %get3A_672, %get3A_672 : vector<16xf32>
      %add3A_681 = arith.addf %add3A_660, %mul3A_680 : vector<16xf32>
      %mul3A_682 = arith.mulf %get3A_676, %get3A_676 : vector<16xf32>
      %add3A_683 = arith.addf %add3A_662, %mul3A_682 : vector<16xf32>
      %mul3A_684 = arith.mulf %get3A_668, %get3A_668 : vector<16xf32>
      %add3A_685 = arith.addf %add3A_664, %mul3A_684 : vector<16xf32>
      %swap3A_686 = arith.index_cast %scan3A_324 : i32 to index
      %swap3A_687 = arith.constant 0 : index
      %swap3A_688 = tpu.vector_load %arg25[%swap3A_686, %swap3A_687] {strides = array<i32>} : memref<128x16xf32, #tpu.memory_space<vmem>>, vector<1x16xf32>,
      %swap3A_689 = vector.shape_cast %swap3A_688 : vector<1x16xf32> to vector<16xf32>
      %swap3A_690 = vector.shape_cast %add3A_679 : vector<16xf32> to vector<1x16xf32>
      tpu.vector_store %arg25[%swap3A_686, %swap3A_687], %swap3A_690 {strides = array<i32>} : memref<128x16xf32, #tpu.memory_space<vmem>>, vector<1x16xf32>,
      scf.yield %add3A_507, %add3A_509, %add3A_681, %add3A_511, %add3A_513, %add3A_683, %add3A_515, %add3A_517, %add3A_685 : vector<16xf32>, vector<16xf32>, vector<16xf32>, vector<16xf32>, vector<16xf32>, vector<16xf32>, vector<16xf32>, vector<16xf32>, vector<16xf32>
    }
    %scan3A_78 = arith.constant 128 : i32
    "tpu.region"() ({
      %run_scoped3A = tpu.sem_alloc : memref<!tpu.dma_semaphore, #tpu.memory_space<semaphore_mem>>
      %dma_start3A_324 = arith.constant 0 : i32
      %dma_start3A_325 = tpu.memref_slice %arg11[%add3A_21, %dma_start3A_324] : memref<16384x16xf32, #tpu.memory_space<hbm>> -> memref<128x16xf32, #tpu.memory_space<hbm>>
      %dma_start3A_326 = arith.constant 0 : i32
      %dma_start3A_327 = tpu.memref_slice %arg11[%add3A_21, %dma_start3A_326] : memref<16384x16xf32, #tpu.memory_space<hbm>> -> memref<128x16xf32, #tpu.memory_space<hbm>>
      tpu.enqueue_dma source(%arg25 : memref<128x16xf32, #tpu.memory_space<vmem>>) target(%dma_start3A_327 : memref<128x16xf32, #tpu.memory_space<hbm>>) target_semaphore(%run_scoped3A : memref<!tpu.dma_semaphore, #tpu.memory_space<semaphore_mem>>)
      %dma_wait3A_328 = arith.constant 0 : i32
      %dma_wait3A_329 = tpu.memref_slice %arg11[%add3A_21, %dma_wait3A_328] : memref<16384x16xf32, #tpu.memory_space<hbm>> -> memref<128x16xf32, #tpu.memory_space<hbm>>
      %dma_wait3A_330 = arith.constant 0 : i32
      %dma_wait3A_331 = tpu.memref_slice %arg11[%add3A_21, %dma_wait3A_330] : memref<16384x16xf32, #tpu.memory_space<hbm>> -> memref<128x16xf32, #tpu.memory_space<hbm>>
      tpu.wait_dma2 semaphore(%run_scoped3A : memref<!tpu.dma_semaphore, #tpu.memory_space<semaphore_mem>>) src(%arg25 : memref<128x16xf32, #tpu.memory_space<vmem>>) dst(%dma_wait3A_331 : memref<128x16xf32, #tpu.memory_space<hbm>>)
      tpu.yield
    }) : () -> ()
    %mul3A_79 = arith.constant 512 : i32
    %mul3A_80 = arith.muli %add3A, %mul3A_79 : i32
    %add3A_81 = arith.constant 128 : i32
    %add3A_82 = arith.addi %mul3A_80, %add3A_81 : i32
    "tpu.region"() ({
      %run_scoped3A = tpu.sem_alloc : memref<!tpu.dma_semaphore, #tpu.memory_space<semaphore_mem>>
      %dma_start3A_324 = tpu.memref_slice %arg2[%add3A_82] : memref<16384xi32, #tpu.memory_space<hbm>> -> memref<128xi32, #tpu.memory_space<hbm>>
      %dma_start3A_325 = tpu.memref_slice %arg2[%add3A_82] : memref<16384xi32, #tpu.memory_space<hbm>> -> memref<128xi32, #tpu.memory_space<hbm>>
      tpu.enqueue_dma source(%dma_start3A_325 : memref<128xi32, #tpu.memory_space<hbm>>) target(%arg13 : memref<128xi32, #tpu.memory_space<vmem>>) target_semaphore(%run_scoped3A : memref<!tpu.dma_semaphore, #tpu.memory_space<semaphore_mem>>)
      %dma_wait3A_326 = tpu.memref_slice %arg2[%add3A_82] : memref<16384xi32, #tpu.memory_space<hbm>> -> memref<128xi32, #tpu.memory_space<hbm>>
      %dma_wait3A_327 = tpu.memref_slice %arg2[%add3A_82] : memref<16384xi32, #tpu.memory_space<hbm>> -> memref<128xi32, #tpu.memory_space<hbm>>
      tpu.wait_dma2 semaphore(%run_scoped3A : memref<!tpu.dma_semaphore, #tpu.memory_space<semaphore_mem>>) src(%dma_wait3A_327 : memref<128xi32, #tpu.memory_space<hbm>>) dst(%arg13 : memref<128xi32, #tpu.memory_space<vmem>>)
      tpu.yield
    }) : () -> ()
    "tpu.region"() ({
      %run_scoped3A = tpu.sem_alloc : memref<!tpu.dma_semaphore, #tpu.memory_space<semaphore_mem>>
      %dma_start3A_324 = tpu.memref_slice %arg3[%add3A_82] : memref<16384xi32, #tpu.memory_space<hbm>> -> memref<128xi32, #tpu.memory_space<hbm>>
      %dma_start3A_325 = tpu.memref_slice %arg3[%add3A_82] : memref<16384xi32, #tpu.memory_space<hbm>> -> memref<128xi32, #tpu.memory_space<hbm>>
      tpu.enqueue_dma source(%dma_start3A_325 : memref<128xi32, #tpu.memory_space<hbm>>) target(%arg14 : memref<128xi32, #tpu.memory_space<vmem>>) target_semaphore(%run_scoped3A : memref<!tpu.dma_semaphore, #tpu.memory_space<semaphore_mem>>)
      %dma_wait3A_326 = tpu.memref_slice %arg3[%add3A_82] : memref<16384xi32, #tpu.memory_space<hbm>> -> memref<128xi32, #tpu.memory_space<hbm>>
      %dma_wait3A_327 = tpu.memref_slice %arg3[%add3A_82] : memref<16384xi32, #tpu.memory_space<hbm>> -> memref<128xi32, #tpu.memory_space<hbm>>
      tpu.wait_dma2 semaphore(%run_scoped3A : memref<!tpu.dma_semaphore, #tpu.memory_space<semaphore_mem>>) src(%dma_wait3A_327 : memref<128xi32, #tpu.memory_space<hbm>>) dst(%arg14 : memref<128xi32, #tpu.memory_space<vmem>>)
      tpu.yield
    }) : () -> ()
    "tpu.region"() ({
      %run_scoped3A = tpu.sem_alloc : memref<!tpu.dma_semaphore, #tpu.memory_space<semaphore_mem>>
      %dma_start3A_324 = tpu.memref_slice %arg4[%add3A_82] : memref<16384xi32, #tpu.memory_space<hbm>> -> memref<128xi32, #tpu.memory_space<hbm>>
      %dma_start3A_325 = tpu.memref_slice %arg4[%add3A_82] : memref<16384xi32, #tpu.memory_space<hbm>> -> memref<128xi32, #tpu.memory_space<hbm>>
      tpu.enqueue_dma source(%dma_start3A_325 : memref<128xi32, #tpu.memory_space<hbm>>) target(%arg15 : memref<128xi32, #tpu.memory_space<vmem>>) target_semaphore(%run_scoped3A : memref<!tpu.dma_semaphore, #tpu.memory_space<semaphore_mem>>)
      %dma_wait3A_326 = tpu.memref_slice %arg4[%add3A_82] : memref<16384xi32, #tpu.memory_space<hbm>> -> memref<128xi32, #tpu.memory_space<hbm>>
      %dma_wait3A_327 = tpu.memref_slice %arg4[%add3A_82] : memref<16384xi32, #tpu.memory_space<hbm>> -> memref<128xi32, #tpu.memory_space<hbm>>
      tpu.wait_dma2 semaphore(%run_scoped3A : memref<!tpu.dma_semaphore, #tpu.memory_space<semaphore_mem>>) src(%dma_wait3A_327 : memref<128xi32, #tpu.memory_space<hbm>>) dst(%arg15 : memref<128xi32, #tpu.memory_space<vmem>>)
      tpu.yield
    }) : () -> ()
    %dma_start3A_83 = arith.constant 0 : i32
    %dma_start3A_84 = arith.constant 0 : i32
    %dma_start3A_85 = tpu.memref_slice %arg5[%dma_start3A_83, %dma_start3A_84] : memref<100000x64xf32, #tpu.memory_space<hbm>> -> memref<100000x64xf32, #tpu.memory_space<hbm>>
    tpu.enqueue_indirect_dma source(%dma_start3A_85 : memref<100000x64xf32, #tpu.memory_space<hbm>>) target(%arg16 : memref<128x64xf32, #tpu.memory_space<vmem>>) offsets(%arg13 : memref<128xi32, #tpu.memory_space<vmem>>) semaphore(%arg27 : memref<!tpu.dma_semaphore, #tpu.memory_space<semaphore_mem>>)
    %dma_start3A_86 = arith.constant 0 : i32
    %dma_start3A_87 = arith.constant 0 : i32
    %dma_start3A_88 = tpu.memref_slice %arg6[%dma_start3A_86, %dma_start3A_87] : memref<100000x64xf32, #tpu.memory_space<hbm>> -> memref<100000x64xf32, #tpu.memory_space<hbm>>
    tpu.enqueue_indirect_dma source(%dma_start3A_88 : memref<100000x64xf32, #tpu.memory_space<hbm>>) target(%arg17 : memref<128x64xf32, #tpu.memory_space<vmem>>) offsets(%arg13 : memref<128xi32, #tpu.memory_space<vmem>>) semaphore(%arg27 : memref<!tpu.dma_semaphore, #tpu.memory_space<semaphore_mem>>)
    %dma_start3A_89 = arith.constant 0 : i32
    %dma_start3A_90 = arith.constant 0 : i32
    %dma_start3A_91 = tpu.memref_slice %arg7[%dma_start3A_89, %dma_start3A_90] : memref<100000x128xf32, #tpu.memory_space<hbm>> -> memref<100000x128xf32, #tpu.memory_space<hbm>>
    tpu.enqueue_indirect_dma source(%dma_start3A_91 : memref<100000x128xf32, #tpu.memory_space<hbm>>) target(%arg18 : memref<128x128xf32, #tpu.memory_space<vmem>>) offsets(%arg13 : memref<128xi32, #tpu.memory_space<vmem>>) semaphore(%arg27 : memref<!tpu.dma_semaphore, #tpu.memory_space<semaphore_mem>>)
    %dma_start3A_92 = arith.constant 0 : i32
    %dma_start3A_93 = arith.constant 0 : i32
    %dma_start3A_94 = tpu.memref_slice %arg8[%dma_start3A_92, %dma_start3A_93] : memref<1000x64xf32, #tpu.memory_space<hbm>> -> memref<1000x64xf32, #tpu.memory_space<hbm>>
    tpu.enqueue_indirect_dma source(%dma_start3A_94 : memref<1000x64xf32, #tpu.memory_space<hbm>>) target(%arg19 : memref<128x64xf32, #tpu.memory_space<vmem>>) offsets(%arg14 : memref<128xi32, #tpu.memory_space<vmem>>) semaphore(%arg27 : memref<!tpu.dma_semaphore, #tpu.memory_space<semaphore_mem>>)
    %dma_start3A_95 = arith.constant 0 : i32
    %dma_start3A_96 = arith.constant 0 : i32
    %dma_start3A_97 = tpu.memref_slice %arg9[%dma_start3A_95, %dma_start3A_96] : memref<1000x64xf32, #tpu.memory_space<hbm>> -> memref<1000x64xf32, #tpu.memory_space<hbm>>
    tpu.enqueue_indirect_dma source(%dma_start3A_97 : memref<1000x64xf32, #tpu.memory_space<hbm>>) target(%arg20 : memref<128x64xf32, #tpu.memory_space<vmem>>) offsets(%arg14 : memref<128xi32, #tpu.memory_space<vmem>>) semaphore(%arg27 : memref<!tpu.dma_semaphore, #tpu.memory_space<semaphore_mem>>)
    %dma_start3A_98 = arith.constant 0 : i32
    %dma_start3A_99 = arith.constant 0 : i32
    %dma_start3A_100 = tpu.memref_slice %arg10[%dma_start3A_98, %dma_start3A_99] : memref<1000x128xf32, #tpu.memory_space<hbm>> -> memref<1000x128xf32, #tpu.memory_space<hbm>>
    tpu.enqueue_indirect_dma source(%dma_start3A_100 : memref<1000x128xf32, #tpu.memory_space<hbm>>) target(%arg21 : memref<128x128xf32, #tpu.memory_space<vmem>>) offsets(%arg14 : memref<128xi32, #tpu.memory_space<vmem>>) semaphore(%arg27 : memref<!tpu.dma_semaphore, #tpu.memory_space<semaphore_mem>>)
    %dma_start3A_101 = arith.constant 0 : i32
    %dma_start3A_102 = arith.constant 0 : i32
    %dma_start3A_103 = tpu.memref_slice %arg5[%dma_start3A_101, %dma_start3A_102] : memref<100000x64xf32, #tpu.memory_space<hbm>> -> memref<100000x64xf32, #tpu.memory_space<hbm>>
    tpu.enqueue_indirect_dma source(%dma_start3A_103 : memref<100000x64xf32, #tpu.memory_space<hbm>>) target(%arg22 : memref<128x64xf32, #tpu.memory_space<vmem>>) offsets(%arg15 : memref<128xi32, #tpu.memory_space<vmem>>) semaphore(%arg27 : memref<!tpu.dma_semaphore, #tpu.memory_space<semaphore_mem>>)
    %dma_start3A_104 = arith.constant 0 : i32
    %dma_start3A_105 = arith.constant 0 : i32
    %dma_start3A_106 = tpu.memref_slice %arg6[%dma_start3A_104, %dma_start3A_105] : memref<100000x64xf32, #tpu.memory_space<hbm>> -> memref<100000x64xf32, #tpu.memory_space<hbm>>
    tpu.enqueue_indirect_dma source(%dma_start3A_106 : memref<100000x64xf32, #tpu.memory_space<hbm>>) target(%arg23 : memref<128x64xf32, #tpu.memory_space<vmem>>) offsets(%arg15 : memref<128xi32, #tpu.memory_space<vmem>>) semaphore(%arg27 : memref<!tpu.dma_semaphore, #tpu.memory_space<semaphore_mem>>)
    %dma_start3A_107 = arith.constant 0 : i32
    %dma_start3A_108 = arith.constant 0 : i32
    %dma_start3A_109 = tpu.memref_slice %arg7[%dma_start3A_107, %dma_start3A_108] : memref<100000x128xf32, #tpu.memory_space<hbm>> -> memref<100000x128xf32, #tpu.memory_space<hbm>>
    tpu.enqueue_indirect_dma source(%dma_start3A_109 : memref<100000x128xf32, #tpu.memory_space<hbm>>) target(%arg24 : memref<128x128xf32, #tpu.memory_space<vmem>>) offsets(%arg15 : memref<128xi32, #tpu.memory_space<vmem>>) semaphore(%arg27 : memref<!tpu.dma_semaphore, #tpu.memory_space<semaphore_mem>>)
    %dma_wait3A_110 = arith.constant 0 : i32
    %dma_wait3A_111 = arith.constant 0 : i32
    %dma_wait3A_112 = tpu.memref_slice %arg5[%dma_wait3A_110, %dma_wait3A_111] : memref<100000x64xf32, #tpu.memory_space<hbm>> -> memref<100000x64xf32, #tpu.memory_space<hbm>>
    tpu.wait_indirect_dma semaphore(%arg27 : memref<!tpu.dma_semaphore, #tpu.memory_space<semaphore_mem>>) src(%dma_wait3A_112 : memref<100000x64xf32, #tpu.memory_space<hbm>>) dst(%arg16 : memref<128x64xf32, #tpu.memory_space<vmem>>)
    %dma_wait3A_113 = arith.constant 0 : i32
    %dma_wait3A_114 = arith.constant 0 : i32
    %dma_wait3A_115 = tpu.memref_slice %arg6[%dma_wait3A_113, %dma_wait3A_114] : memref<100000x64xf32, #tpu.memory_space<hbm>> -> memref<100000x64xf32, #tpu.memory_space<hbm>>
    tpu.wait_indirect_dma semaphore(%arg27 : memref<!tpu.dma_semaphore, #tpu.memory_space<semaphore_mem>>) src(%dma_wait3A_115 : memref<100000x64xf32, #tpu.memory_space<hbm>>) dst(%arg17 : memref<128x64xf32, #tpu.memory_space<vmem>>)
    %dma_wait3A_116 = arith.constant 0 : i32
    %dma_wait3A_117 = arith.constant 0 : i32
    %dma_wait3A_118 = tpu.memref_slice %arg7[%dma_wait3A_116, %dma_wait3A_117] : memref<100000x128xf32, #tpu.memory_space<hbm>> -> memref<100000x128xf32, #tpu.memory_space<hbm>>
    tpu.wait_indirect_dma semaphore(%arg27 : memref<!tpu.dma_semaphore, #tpu.memory_space<semaphore_mem>>) src(%dma_wait3A_118 : memref<100000x128xf32, #tpu.memory_space<hbm>>) dst(%arg18 : memref<128x128xf32, #tpu.memory_space<vmem>>)
    %dma_wait3A_119 = arith.constant 0 : i32
    %dma_wait3A_120 = arith.constant 0 : i32
    %dma_wait3A_121 = tpu.memref_slice %arg8[%dma_wait3A_119, %dma_wait3A_120] : memref<1000x64xf32, #tpu.memory_space<hbm>> -> memref<1000x64xf32, #tpu.memory_space<hbm>>
    tpu.wait_indirect_dma semaphore(%arg27 : memref<!tpu.dma_semaphore, #tpu.memory_space<semaphore_mem>>) src(%dma_wait3A_121 : memref<1000x64xf32, #tpu.memory_space<hbm>>) dst(%arg19 : memref<128x64xf32, #tpu.memory_space<vmem>>)
    %dma_wait3A_122 = arith.constant 0 : i32
    %dma_wait3A_123 = arith.constant 0 : i32
    %dma_wait3A_124 = tpu.memref_slice %arg9[%dma_wait3A_122, %dma_wait3A_123] : memref<1000x64xf32, #tpu.memory_space<hbm>> -> memref<1000x64xf32, #tpu.memory_space<hbm>>
    tpu.wait_indirect_dma semaphore(%arg27 : memref<!tpu.dma_semaphore, #tpu.memory_space<semaphore_mem>>) src(%dma_wait3A_124 : memref<1000x64xf32, #tpu.memory_space<hbm>>) dst(%arg20 : memref<128x64xf32, #tpu.memory_space<vmem>>)
    %dma_wait3A_125 = arith.constant 0 : i32
    %dma_wait3A_126 = arith.constant 0 : i32
    %dma_wait3A_127 = tpu.memref_slice %arg10[%dma_wait3A_125, %dma_wait3A_126] : memref<1000x128xf32, #tpu.memory_space<hbm>> -> memref<1000x128xf32, #tpu.memory_space<hbm>>
    tpu.wait_indirect_dma semaphore(%arg27 : memref<!tpu.dma_semaphore, #tpu.memory_space<semaphore_mem>>) src(%dma_wait3A_127 : memref<1000x128xf32, #tpu.memory_space<hbm>>) dst(%arg21 : memref<128x128xf32, #tpu.memory_space<vmem>>)
    %dma_wait3A_128 = arith.constant 0 : i32
    %dma_wait3A_129 = arith.constant 0 : i32
    %dma_wait3A_130 = tpu.memref_slice %arg5[%dma_wait3A_128, %dma_wait3A_129] : memref<100000x64xf32, #tpu.memory_space<hbm>> -> memref<100000x64xf32, #tpu.memory_space<hbm>>
    tpu.wait_indirect_dma semaphore(%arg27 : memref<!tpu.dma_semaphore, #tpu.memory_space<semaphore_mem>>) src(%dma_wait3A_130 : memref<100000x64xf32, #tpu.memory_space<hbm>>) dst(%arg22 : memref<128x64xf32, #tpu.memory_space<vmem>>)
    %dma_wait3A_131 = arith.constant 0 : i32
    %dma_wait3A_132 = arith.constant 0 : i32
    %dma_wait3A_133 = tpu.memref_slice %arg6[%dma_wait3A_131, %dma_wait3A_132] : memref<100000x64xf32, #tpu.memory_space<hbm>> -> memref<100000x64xf32, #tpu.memory_space<hbm>>
    tpu.wait_indirect_dma semaphore(%arg27 : memref<!tpu.dma_semaphore, #tpu.memory_space<semaphore_mem>>) src(%dma_wait3A_133 : memref<100000x64xf32, #tpu.memory_space<hbm>>) dst(%arg23 : memref<128x64xf32, #tpu.memory_space<vmem>>)
    %dma_wait3A_134 = arith.constant 0 : i32
    %dma_wait3A_135 = arith.constant 0 : i32
    %dma_wait3A_136 = tpu.memref_slice %arg7[%dma_wait3A_134, %dma_wait3A_135] : memref<100000x128xf32, #tpu.memory_space<hbm>> -> memref<100000x128xf32, #tpu.memory_space<hbm>>
    tpu.wait_indirect_dma semaphore(%arg27 : memref<!tpu.dma_semaphore, #tpu.memory_space<semaphore_mem>>) src(%dma_wait3A_136 : memref<100000x128xf32, #tpu.memory_space<hbm>>) dst(%arg24 : memref<128x128xf32, #tpu.memory_space<vmem>>)
    %scan3A_137 = arith.constant 0 : i32
    %scan3A_138 = arith.constant 128 : i32
    %scan3A_139 = arith.addi %scan3A_137, %scan3A_138 : i32
    %scan3A_140 = arith.constant 1 : i32
    %scan3A_141:9 = scf.for %scan3A_324 = %scan3A_137 to %scan3A_139 step %scan3A_140 iter_args(%scan3A_325 = %scan3A_77#0, %scan3A_326 = %scan3A_77#1, %scan3A_327 = %scan3A_77#2, %scan3A_328 = %scan3A_77#3, %scan3A_329 = %scan3A_77#4, %scan3A_330 = %scan3A_77#5, %scan3A_331 = %scan3A_77#6, %scan3A_332 = %scan3A_77#7, %scan3A_333 = %scan3A_77#8) -> (vector<16xf32>, vector<16xf32>, vector<16xf32>, vector<16xf32>, vector<16xf32>, vector<16xf32>, vector<16xf32>, vector<16xf32>, vector<16xf32>)  : i32 {
      %broadcast_in_dim3A_334 = arith.constant 0.000000e+00 : f32
      %broadcast_in_dim3A_335 = vector.broadcast %broadcast_in_dim3A_334 : f32 to vector<16xf32>
      %get3A = arith.index_cast %scan3A_324 : i32 to index
      %get3A_336 = arith.constant 0 : index
      %get3A_337 = tpu.vector_load %arg19[%get3A, %get3A_336] {strides = array<i32>} : memref<128x64xf32, #tpu.memory_space<vmem>>, vector<1x16xf32>,
      %get3A_338 = vector.shape_cast %get3A_337 : vector<1x16xf32> to vector<16xf32>
      %get3A_339 = arith.index_cast %scan3A_324 : i32 to index
      %get3A_340 = arith.constant 0 : index
      %get3A_341 = tpu.vector_load %arg20[%get3A_339, %get3A_340] {strides = array<i32>} : memref<128x64xf32, #tpu.memory_space<vmem>>, vector<1x16xf32>,
      %get3A_342 = vector.shape_cast %get3A_341 : vector<1x16xf32> to vector<16xf32>
      %get3A_343 = arith.index_cast %scan3A_324 : i32 to index
      %get3A_344 = arith.constant 0 : index
      %get3A_345 = tpu.vector_load %arg16[%get3A_343, %get3A_344] {strides = array<i32>} : memref<128x64xf32, #tpu.memory_space<vmem>>, vector<1x16xf32>,
      %get3A_346 = vector.shape_cast %get3A_345 : vector<1x16xf32> to vector<16xf32>
      %get3A_347 = arith.index_cast %scan3A_324 : i32 to index
      %get3A_348 = arith.constant 0 : index
      %get3A_349 = tpu.vector_load %arg17[%get3A_347, %get3A_348] {strides = array<i32>} : memref<128x64xf32, #tpu.memory_space<vmem>>, vector<1x16xf32>,
      %get3A_350 = vector.shape_cast %get3A_349 : vector<1x16xf32> to vector<16xf32>
      %get3A_351 = arith.index_cast %scan3A_324 : i32 to index
      %get3A_352 = arith.constant 0 : index
      %get3A_353 = tpu.vector_load %arg22[%get3A_351, %get3A_352] {strides = array<i32>} : memref<128x64xf32, #tpu.memory_space<vmem>>, vector<1x16xf32>,
      %get3A_354 = vector.shape_cast %get3A_353 : vector<1x16xf32> to vector<16xf32>
      %get3A_355 = arith.index_cast %scan3A_324 : i32 to index
      %get3A_356 = arith.constant 0 : index
      %get3A_357 = tpu.vector_load %arg23[%get3A_355, %get3A_356] {strides = array<i32>} : memref<128x64xf32, #tpu.memory_space<vmem>>, vector<1x16xf32>,
      %get3A_358 = vector.shape_cast %get3A_357 : vector<1x16xf32> to vector<16xf32>
      %mul3A_359 = arith.mulf %get3A_338, %get3A_346 : vector<16xf32>
      %mul3A_360 = arith.mulf %get3A_342, %get3A_350 : vector<16xf32>
      %sub3A = arith.subf %mul3A_359, %mul3A_360 : vector<16xf32>
      %mul3A_361 = arith.mulf %get3A_338, %get3A_350 : vector<16xf32>
      %mul3A_362 = arith.mulf %get3A_342, %get3A_346 : vector<16xf32>
      %add3A_363 = arith.addf %mul3A_361, %mul3A_362 : vector<16xf32>
      %mul3A_364 = arith.mulf %sub3A, %get3A_354 : vector<16xf32>
      %add3A_365 = arith.addf %broadcast_in_dim3A_335, %mul3A_364 : vector<16xf32>
      %mul3A_366 = arith.mulf %add3A_363, %get3A_358 : vector<16xf32>
      %add3A_367 = arith.addf %add3A_365, %mul3A_366 : vector<16xf32>
      %mul3A_368 = arith.mulf %get3A_346, %get3A_346 : vector<16xf32>
      %add3A_369 = arith.addf %scan3A_325, %mul3A_368 : vector<16xf32>
      %mul3A_370 = arith.mulf %get3A_350, %get3A_350 : vector<16xf32>
      %add3A_371 = arith.addf %scan3A_326, %mul3A_370 : vector<16xf32>
      %mul3A_372 = arith.mulf %get3A_354, %get3A_354 : vector<16xf32>
      %add3A_373 = arith.addf %scan3A_328, %mul3A_372 : vector<16xf32>
      %mul3A_374 = arith.mulf %get3A_358, %get3A_358 : vector<16xf32>
      %add3A_375 = arith.addf %scan3A_329, %mul3A_374 : vector<16xf32>
      %mul3A_376 = arith.mulf %get3A_338, %get3A_338 : vector<16xf32>
      %add3A_377 = arith.addf %scan3A_331, %mul3A_376 : vector<16xf32>
      %mul3A_378 = arith.mulf %get3A_342, %get3A_342 : vector<16xf32>
      %add3A_379 = arith.addf %scan3A_332, %mul3A_378 : vector<16xf32>
      %get3A_380 = arith.index_cast %scan3A_324 : i32 to index
      %get3A_381 = arith.constant 16 : index
      %get3A_382 = tpu.vector_load %arg19[%get3A_380, %get3A_381] {strides = array<i32>} : memref<128x64xf32, #tpu.memory_space<vmem>>, vector<1x16xf32>,
      %get3A_383 = vector.shape_cast %get3A_382 : vector<1x16xf32> to vector<16xf32>
      %get3A_384 = arith.index_cast %scan3A_324 : i32 to index
      %get3A_385 = arith.constant 16 : index
      %get3A_386 = tpu.vector_load %arg20[%get3A_384, %get3A_385] {strides = array<i32>} : memref<128x64xf32, #tpu.memory_space<vmem>>, vector<1x16xf32>,
      %get3A_387 = vector.shape_cast %get3A_386 : vector<1x16xf32> to vector<16xf32>
      %get3A_388 = arith.index_cast %scan3A_324 : i32 to index
      %get3A_389 = arith.constant 16 : index
      %get3A_390 = tpu.vector_load %arg16[%get3A_388, %get3A_389] {strides = array<i32>} : memref<128x64xf32, #tpu.memory_space<vmem>>, vector<1x16xf32>,
      %get3A_391 = vector.shape_cast %get3A_390 : vector<1x16xf32> to vector<16xf32>
      %get3A_392 = arith.index_cast %scan3A_324 : i32 to index
      %get3A_393 = arith.constant 16 : index
      %get3A_394 = tpu.vector_load %arg17[%get3A_392, %get3A_393] {strides = array<i32>} : memref<128x64xf32, #tpu.memory_space<vmem>>, vector<1x16xf32>,
      %get3A_395 = vector.shape_cast %get3A_394 : vector<1x16xf32> to vector<16xf32>
      %get3A_396 = arith.index_cast %scan3A_324 : i32 to index
      %get3A_397 = arith.constant 16 : index
      %get3A_398 = tpu.vector_load %arg22[%get3A_396, %get3A_397] {strides = array<i32>} : memref<128x64xf32, #tpu.memory_space<vmem>>, vector<1x16xf32>,
      %get3A_399 = vector.shape_cast %get3A_398 : vector<1x16xf32> to vector<16xf32>
      %get3A_400 = arith.index_cast %scan3A_324 : i32 to index
      %get3A_401 = arith.constant 16 : index
      %get3A_402 = tpu.vector_load %arg23[%get3A_400, %get3A_401] {strides = array<i32>} : memref<128x64xf32, #tpu.memory_space<vmem>>, vector<1x16xf32>,
      %get3A_403 = vector.shape_cast %get3A_402 : vector<1x16xf32> to vector<16xf32>
      %mul3A_404 = arith.mulf %get3A_383, %get3A_391 : vector<16xf32>
      %mul3A_405 = arith.mulf %get3A_387, %get3A_395 : vector<16xf32>
      %sub3A_406 = arith.subf %mul3A_404, %mul3A_405 : vector<16xf32>
      %mul3A_407 = arith.mulf %get3A_383, %get3A_395 : vector<16xf32>
      %mul3A_408 = arith.mulf %get3A_387, %get3A_391 : vector<16xf32>
      %add3A_409 = arith.addf %mul3A_407, %mul3A_408 : vector<16xf32>
      %mul3A_410 = arith.mulf %sub3A_406, %get3A_399 : vector<16xf32>
      %add3A_411 = arith.addf %add3A_367, %mul3A_410 : vector<16xf32>
      %mul3A_412 = arith.mulf %add3A_409, %get3A_403 : vector<16xf32>
      %add3A_413 = arith.addf %add3A_411, %mul3A_412 : vector<16xf32>
      %mul3A_414 = arith.mulf %get3A_391, %get3A_391 : vector<16xf32>
      %add3A_415 = arith.addf %add3A_369, %mul3A_414 : vector<16xf32>
      %mul3A_416 = arith.mulf %get3A_395, %get3A_395 : vector<16xf32>
      %add3A_417 = arith.addf %add3A_371, %mul3A_416 : vector<16xf32>
      %mul3A_418 = arith.mulf %get3A_399, %get3A_399 : vector<16xf32>
      %add3A_419 = arith.addf %add3A_373, %mul3A_418 : vector<16xf32>
      %mul3A_420 = arith.mulf %get3A_403, %get3A_403 : vector<16xf32>
      %add3A_421 = arith.addf %add3A_375, %mul3A_420 : vector<16xf32>
      %mul3A_422 = arith.mulf %get3A_383, %get3A_383 : vector<16xf32>
      %add3A_423 = arith.addf %add3A_377, %mul3A_422 : vector<16xf32>
      %mul3A_424 = arith.mulf %get3A_387, %get3A_387 : vector<16xf32>
      %add3A_425 = arith.addf %add3A_379, %mul3A_424 : vector<16xf32>
      %get3A_426 = arith.index_cast %scan3A_324 : i32 to index
      %get3A_427 = arith.constant 32 : index
      %get3A_428 = tpu.vector_load %arg19[%get3A_426, %get3A_427] {strides = array<i32>} : memref<128x64xf32, #tpu.memory_space<vmem>>, vector<1x16xf32>,
      %get3A_429 = vector.shape_cast %get3A_428 : vector<1x16xf32> to vector<16xf32>
      %get3A_430 = arith.index_cast %scan3A_324 : i32 to index
      %get3A_431 = arith.constant 32 : index
      %get3A_432 = tpu.vector_load %arg20[%get3A_430, %get3A_431] {strides = array<i32>} : memref<128x64xf32, #tpu.memory_space<vmem>>, vector<1x16xf32>,
      %get3A_433 = vector.shape_cast %get3A_432 : vector<1x16xf32> to vector<16xf32>
      %get3A_434 = arith.index_cast %scan3A_324 : i32 to index
      %get3A_435 = arith.constant 32 : index
      %get3A_436 = tpu.vector_load %arg16[%get3A_434, %get3A_435] {strides = array<i32>} : memref<128x64xf32, #tpu.memory_space<vmem>>, vector<1x16xf32>,
      %get3A_437 = vector.shape_cast %get3A_436 : vector<1x16xf32> to vector<16xf32>
      %get3A_438 = arith.index_cast %scan3A_324 : i32 to index
      %get3A_439 = arith.constant 32 : index
      %get3A_440 = tpu.vector_load %arg17[%get3A_438, %get3A_439] {strides = array<i32>} : memref<128x64xf32, #tpu.memory_space<vmem>>, vector<1x16xf32>,
      %get3A_441 = vector.shape_cast %get3A_440 : vector<1x16xf32> to vector<16xf32>
      %get3A_442 = arith.index_cast %scan3A_324 : i32 to index
      %get3A_443 = arith.constant 32 : index
      %get3A_444 = tpu.vector_load %arg22[%get3A_442, %get3A_443] {strides = array<i32>} : memref<128x64xf32, #tpu.memory_space<vmem>>, vector<1x16xf32>,
      %get3A_445 = vector.shape_cast %get3A_444 : vector<1x16xf32> to vector<16xf32>
      %get3A_446 = arith.index_cast %scan3A_324 : i32 to index
      %get3A_447 = arith.constant 32 : index
      %get3A_448 = tpu.vector_load %arg23[%get3A_446, %get3A_447] {strides = array<i32>} : memref<128x64xf32, #tpu.memory_space<vmem>>, vector<1x16xf32>,
      %get3A_449 = vector.shape_cast %get3A_448 : vector<1x16xf32> to vector<16xf32>
      %mul3A_450 = arith.mulf %get3A_429, %get3A_437 : vector<16xf32>
      %mul3A_451 = arith.mulf %get3A_433, %get3A_441 : vector<16xf32>
      %sub3A_452 = arith.subf %mul3A_450, %mul3A_451 : vector<16xf32>
      %mul3A_453 = arith.mulf %get3A_429, %get3A_441 : vector<16xf32>
      %mul3A_454 = arith.mulf %get3A_433, %get3A_437 : vector<16xf32>
      %add3A_455 = arith.addf %mul3A_453, %mul3A_454 : vector<16xf32>
      %mul3A_456 = arith.mulf %sub3A_452, %get3A_445 : vector<16xf32>
      %add3A_457 = arith.addf %add3A_413, %mul3A_456 : vector<16xf32>
      %mul3A_458 = arith.mulf %add3A_455, %get3A_449 : vector<16xf32>
      %add3A_459 = arith.addf %add3A_457, %mul3A_458 : vector<16xf32>
      %mul3A_460 = arith.mulf %get3A_437, %get3A_437 : vector<16xf32>
      %add3A_461 = arith.addf %add3A_415, %mul3A_460 : vector<16xf32>
      %mul3A_462 = arith.mulf %get3A_441, %get3A_441 : vector<16xf32>
      %add3A_463 = arith.addf %add3A_417, %mul3A_462 : vector<16xf32>
      %mul3A_464 = arith.mulf %get3A_445, %get3A_445 : vector<16xf32>
      %add3A_465 = arith.addf %add3A_419, %mul3A_464 : vector<16xf32>
      %mul3A_466 = arith.mulf %get3A_449, %get3A_449 : vector<16xf32>
      %add3A_467 = arith.addf %add3A_421, %mul3A_466 : vector<16xf32>
      %mul3A_468 = arith.mulf %get3A_429, %get3A_429 : vector<16xf32>
      %add3A_469 = arith.addf %add3A_423, %mul3A_468 : vector<16xf32>
      %mul3A_470 = arith.mulf %get3A_433, %get3A_433 : vector<16xf32>
      %add3A_471 = arith.addf %add3A_425, %mul3A_470 : vector<16xf32>
      %get3A_472 = arith.index_cast %scan3A_324 : i32 to index
      %get3A_473 = arith.constant 48 : index
      %get3A_474 = tpu.vector_load %arg19[%get3A_472, %get3A_473] {strides = array<i32>} : memref<128x64xf32, #tpu.memory_space<vmem>>, vector<1x16xf32>,
      %get3A_475 = vector.shape_cast %get3A_474 : vector<1x16xf32> to vector<16xf32>
      %get3A_476 = arith.index_cast %scan3A_324 : i32 to index
      %get3A_477 = arith.constant 48 : index
      %get3A_478 = tpu.vector_load %arg20[%get3A_476, %get3A_477] {strides = array<i32>} : memref<128x64xf32, #tpu.memory_space<vmem>>, vector<1x16xf32>,
      %get3A_479 = vector.shape_cast %get3A_478 : vector<1x16xf32> to vector<16xf32>
      %get3A_480 = arith.index_cast %scan3A_324 : i32 to index
      %get3A_481 = arith.constant 48 : index
      %get3A_482 = tpu.vector_load %arg16[%get3A_480, %get3A_481] {strides = array<i32>} : memref<128x64xf32, #tpu.memory_space<vmem>>, vector<1x16xf32>,
      %get3A_483 = vector.shape_cast %get3A_482 : vector<1x16xf32> to vector<16xf32>
      %get3A_484 = arith.index_cast %scan3A_324 : i32 to index
      %get3A_485 = arith.constant 48 : index
      %get3A_486 = tpu.vector_load %arg17[%get3A_484, %get3A_485] {strides = array<i32>} : memref<128x64xf32, #tpu.memory_space<vmem>>, vector<1x16xf32>,
      %get3A_487 = vector.shape_cast %get3A_486 : vector<1x16xf32> to vector<16xf32>
      %get3A_488 = arith.index_cast %scan3A_324 : i32 to index
      %get3A_489 = arith.constant 48 : index
      %get3A_490 = tpu.vector_load %arg22[%get3A_488, %get3A_489] {strides = array<i32>} : memref<128x64xf32, #tpu.memory_space<vmem>>, vector<1x16xf32>,
      %get3A_491 = vector.shape_cast %get3A_490 : vector<1x16xf32> to vector<16xf32>
      %get3A_492 = arith.index_cast %scan3A_324 : i32 to index
      %get3A_493 = arith.constant 48 : index
      %get3A_494 = tpu.vector_load %arg23[%get3A_492, %get3A_493] {strides = array<i32>} : memref<128x64xf32, #tpu.memory_space<vmem>>, vector<1x16xf32>,
      %get3A_495 = vector.shape_cast %get3A_494 : vector<1x16xf32> to vector<16xf32>
      %mul3A_496 = arith.mulf %get3A_475, %get3A_483 : vector<16xf32>
      %mul3A_497 = arith.mulf %get3A_479, %get3A_487 : vector<16xf32>
      %sub3A_498 = arith.subf %mul3A_496, %mul3A_497 : vector<16xf32>
      %mul3A_499 = arith.mulf %get3A_475, %get3A_487 : vector<16xf32>
      %mul3A_500 = arith.mulf %get3A_479, %get3A_483 : vector<16xf32>
      %add3A_501 = arith.addf %mul3A_499, %mul3A_500 : vector<16xf32>
      %mul3A_502 = arith.mulf %sub3A_498, %get3A_491 : vector<16xf32>
      %add3A_503 = arith.addf %add3A_459, %mul3A_502 : vector<16xf32>
      %mul3A_504 = arith.mulf %add3A_501, %get3A_495 : vector<16xf32>
      %add3A_505 = arith.addf %add3A_503, %mul3A_504 : vector<16xf32>
      %mul3A_506 = arith.mulf %get3A_483, %get3A_483 : vector<16xf32>
      %add3A_507 = arith.addf %add3A_461, %mul3A_506 : vector<16xf32>
      %mul3A_508 = arith.mulf %get3A_487, %get3A_487 : vector<16xf32>
      %add3A_509 = arith.addf %add3A_463, %mul3A_508 : vector<16xf32>
      %mul3A_510 = arith.mulf %get3A_491, %get3A_491 : vector<16xf32>
      %add3A_511 = arith.addf %add3A_465, %mul3A_510 : vector<16xf32>
      %mul3A_512 = arith.mulf %get3A_495, %get3A_495 : vector<16xf32>
      %add3A_513 = arith.addf %add3A_467, %mul3A_512 : vector<16xf32>
      %mul3A_514 = arith.mulf %get3A_475, %get3A_475 : vector<16xf32>
      %add3A_515 = arith.addf %add3A_469, %mul3A_514 : vector<16xf32>
      %mul3A_516 = arith.mulf %get3A_479, %get3A_479 : vector<16xf32>
      %add3A_517 = arith.addf %add3A_471, %mul3A_516 : vector<16xf32>
      %get3A_518 = arith.index_cast %scan3A_324 : i32 to index
      %get3A_519 = arith.constant 0 : index
      %get3A_520 = tpu.vector_load %arg21[%get3A_518, %get3A_519] {strides = array<i32>} : memref<128x128xf32, #tpu.memory_space<vmem>>, vector<1x16xf32>,
      %get3A_521 = vector.shape_cast %get3A_520 : vector<1x16xf32> to vector<16xf32>
      %get3A_522 = arith.index_cast %scan3A_324 : i32 to index
      %get3A_523 = arith.constant 0 : index
      %get3A_524 = tpu.vector_load %arg18[%get3A_522, %get3A_523] {strides = array<i32>} : memref<128x128xf32, #tpu.memory_space<vmem>>, vector<1x16xf32>,
      %get3A_525 = vector.shape_cast %get3A_524 : vector<1x16xf32> to vector<16xf32>
      %get3A_526 = arith.index_cast %scan3A_324 : i32 to index
      %get3A_527 = arith.constant 0 : index
      %get3A_528 = tpu.vector_load %arg24[%get3A_526, %get3A_527] {strides = array<i32>} : memref<128x128xf32, #tpu.memory_space<vmem>>, vector<1x16xf32>,
      %get3A_529 = vector.shape_cast %get3A_528 : vector<1x16xf32> to vector<16xf32>
      %mul3A_530 = arith.mulf %get3A_521, %get3A_525 : vector<16xf32>
      %mul3A_531 = arith.mulf %mul3A_530, %get3A_529 : vector<16xf32>
      %add3A_532 = arith.addf %add3A_505, %mul3A_531 : vector<16xf32>
      %mul3A_533 = arith.mulf %get3A_525, %get3A_525 : vector<16xf32>
      %add3A_534 = arith.addf %scan3A_327, %mul3A_533 : vector<16xf32>
      %mul3A_535 = arith.mulf %get3A_529, %get3A_529 : vector<16xf32>
      %add3A_536 = arith.addf %scan3A_330, %mul3A_535 : vector<16xf32>
      %mul3A_537 = arith.mulf %get3A_521, %get3A_521 : vector<16xf32>
      %add3A_538 = arith.addf %scan3A_333, %mul3A_537 : vector<16xf32>
      %get3A_539 = arith.index_cast %scan3A_324 : i32 to index
      %get3A_540 = arith.constant 16 : index
      %get3A_541 = tpu.vector_load %arg21[%get3A_539, %get3A_540] {strides = array<i32>} : memref<128x128xf32, #tpu.memory_space<vmem>>, vector<1x16xf32>,
      %get3A_542 = vector.shape_cast %get3A_541 : vector<1x16xf32> to vector<16xf32>
      %get3A_543 = arith.index_cast %scan3A_324 : i32 to index
      %get3A_544 = arith.constant 16 : index
      %get3A_545 = tpu.vector_load %arg18[%get3A_543, %get3A_544] {strides = array<i32>} : memref<128x128xf32, #tpu.memory_space<vmem>>, vector<1x16xf32>,
      %get3A_546 = vector.shape_cast %get3A_545 : vector<1x16xf32> to vector<16xf32>
      %get3A_547 = arith.index_cast %scan3A_324 : i32 to index
      %get3A_548 = arith.constant 16 : index
      %get3A_549 = tpu.vector_load %arg24[%get3A_547, %get3A_548] {strides = array<i32>} : memref<128x128xf32, #tpu.memory_space<vmem>>, vector<1x16xf32>,
      %get3A_550 = vector.shape_cast %get3A_549 : vector<1x16xf32> to vector<16xf32>
      %mul3A_551 = arith.mulf %get3A_542, %get3A_546 : vector<16xf32>
      %mul3A_552 = arith.mulf %mul3A_551, %get3A_550 : vector<16xf32>
      %add3A_553 = arith.addf %add3A_532, %mul3A_552 : vector<16xf32>
      %mul3A_554 = arith.mulf %get3A_546, %get3A_546 : vector<16xf32>
      %add3A_555 = arith.addf %add3A_534, %mul3A_554 : vector<16xf32>
      %mul3A_556 = arith.mulf %get3A_550, %get3A_550 : vector<16xf32>
      %add3A_557 = arith.addf %add3A_536, %mul3A_556 : vector<16xf32>
      %mul3A_558 = arith.mulf %get3A_542, %get3A_542 : vector<16xf32>
      %add3A_559 = arith.addf %add3A_538, %mul3A_558 : vector<16xf32>
      %get3A_560 = arith.index_cast %scan3A_324 : i32 to index
      %get3A_561 = arith.constant 32 : index
      %get3A_562 = tpu.vector_load %arg21[%get3A_560, %get3A_561] {strides = array<i32>} : memref<128x128xf32, #tpu.memory_space<vmem>>, vector<1x16xf32>,
      %get3A_563 = vector.shape_cast %get3A_562 : vector<1x16xf32> to vector<16xf32>
      %get3A_564 = arith.index_cast %scan3A_324 : i32 to index
      %get3A_565 = arith.constant 32 : index
      %get3A_566 = tpu.vector_load %arg18[%get3A_564, %get3A_565] {strides = array<i32>} : memref<128x128xf32, #tpu.memory_space<vmem>>, vector<1x16xf32>,
      %get3A_567 = vector.shape_cast %get3A_566 : vector<1x16xf32> to vector<16xf32>
      %get3A_568 = arith.index_cast %scan3A_324 : i32 to index
      %get3A_569 = arith.constant 32 : index
      %get3A_570 = tpu.vector_load %arg24[%get3A_568, %get3A_569] {strides = array<i32>} : memref<128x128xf32, #tpu.memory_space<vmem>>, vector<1x16xf32>,
      %get3A_571 = vector.shape_cast %get3A_570 : vector<1x16xf32> to vector<16xf32>
      %mul3A_572 = arith.mulf %get3A_563, %get3A_567 : vector<16xf32>
      %mul3A_573 = arith.mulf %mul3A_572, %get3A_571 : vector<16xf32>
      %add3A_574 = arith.addf %add3A_553, %mul3A_573 : vector<16xf32>
      %mul3A_575 = arith.mulf %get3A_567, %get3A_567 : vector<16xf32>
      %add3A_576 = arith.addf %add3A_555, %mul3A_575 : vector<16xf32>
      %mul3A_577 = arith.mulf %get3A_571, %get3A_571 : vector<16xf32>
      %add3A_578 = arith.addf %add3A_557, %mul3A_577 : vector<16xf32>
      %mul3A_579 = arith.mulf %get3A_563, %get3A_563 : vector<16xf32>
      %add3A_580 = arith.addf %add3A_559, %mul3A_579 : vector<16xf32>
      %get3A_581 = arith.index_cast %scan3A_324 : i32 to index
      %get3A_582 = arith.constant 48 : index
      %get3A_583 = tpu.vector_load %arg21[%get3A_581, %get3A_582] {strides = array<i32>} : memref<128x128xf32, #tpu.memory_space<vmem>>, vector<1x16xf32>,
      %get3A_584 = vector.shape_cast %get3A_583 : vector<1x16xf32> to vector<16xf32>
      %get3A_585 = arith.index_cast %scan3A_324 : i32 to index
      %get3A_586 = arith.constant 48 : index
      %get3A_587 = tpu.vector_load %arg18[%get3A_585, %get3A_586] {strides = array<i32>} : memref<128x128xf32, #tpu.memory_space<vmem>>, vector<1x16xf32>,
      %get3A_588 = vector.shape_cast %get3A_587 : vector<1x16xf32> to vector<16xf32>
      %get3A_589 = arith.index_cast %scan3A_324 : i32 to index
      %get3A_590 = arith.constant 48 : index
      %get3A_591 = tpu.vector_load %arg24[%get3A_589, %get3A_590] {strides = array<i32>} : memref<128x128xf32, #tpu.memory_space<vmem>>, vector<1x16xf32>,
      %get3A_592 = vector.shape_cast %get3A_591 : vector<1x16xf32> to vector<16xf32>
      %mul3A_593 = arith.mulf %get3A_584, %get3A_588 : vector<16xf32>
      %mul3A_594 = arith.mulf %mul3A_593, %get3A_592 : vector<16xf32>
      %add3A_595 = arith.addf %add3A_574, %mul3A_594 : vector<16xf32>
      %mul3A_596 = arith.mulf %get3A_588, %get3A_588 : vector<16xf32>
      %add3A_597 = arith.addf %add3A_576, %mul3A_596 : vector<16xf32>
      %mul3A_598 = arith.mulf %get3A_592, %get3A_592 : vector<16xf32>
      %add3A_599 = arith.addf %add3A_578, %mul3A_598 : vector<16xf32>
      %mul3A_600 = arith.mulf %get3A_584, %get3A_584 : vector<16xf32>
      %add3A_601 = arith.addf %add3A_580, %mul3A_600 : vector<16xf32>
      %get3A_602 = arith.index_cast %scan3A_324 : i32 to index
      %get3A_603 = arith.constant 64 : index
      %get3A_604 = tpu.vector_load %arg21[%get3A_602, %get3A_603] {strides = array<i32>} : memref<128x128xf32, #tpu.memory_space<vmem>>, vector<1x16xf32>,
      %get3A_605 = vector.shape_cast %get3A_604 : vector<1x16xf32> to vector<16xf32>
      %get3A_606 = arith.index_cast %scan3A_324 : i32 to index
      %get3A_607 = arith.constant 64 : index
      %get3A_608 = tpu.vector_load %arg18[%get3A_606, %get3A_607] {strides = array<i32>} : memref<128x128xf32, #tpu.memory_space<vmem>>, vector<1x16xf32>,
      %get3A_609 = vector.shape_cast %get3A_608 : vector<1x16xf32> to vector<16xf32>
      %get3A_610 = arith.index_cast %scan3A_324 : i32 to index
      %get3A_611 = arith.constant 64 : index
      %get3A_612 = tpu.vector_load %arg24[%get3A_610, %get3A_611] {strides = array<i32>} : memref<128x128xf32, #tpu.memory_space<vmem>>, vector<1x16xf32>,
      %get3A_613 = vector.shape_cast %get3A_612 : vector<1x16xf32> to vector<16xf32>
      %mul3A_614 = arith.mulf %get3A_605, %get3A_609 : vector<16xf32>
      %mul3A_615 = arith.mulf %mul3A_614, %get3A_613 : vector<16xf32>
      %add3A_616 = arith.addf %add3A_595, %mul3A_615 : vector<16xf32>
      %mul3A_617 = arith.mulf %get3A_609, %get3A_609 : vector<16xf32>
      %add3A_618 = arith.addf %add3A_597, %mul3A_617 : vector<16xf32>
      %mul3A_619 = arith.mulf %get3A_613, %get3A_613 : vector<16xf32>
      %add3A_620 = arith.addf %add3A_599, %mul3A_619 : vector<16xf32>
      %mul3A_621 = arith.mulf %get3A_605, %get3A_605 : vector<16xf32>
      %add3A_622 = arith.addf %add3A_601, %mul3A_621 : vector<16xf32>
      %get3A_623 = arith.index_cast %scan3A_324 : i32 to index
      %get3A_624 = arith.constant 80 : index
      %get3A_625 = tpu.vector_load %arg21[%get3A_623, %get3A_624] {strides = array<i32>} : memref<128x128xf32, #tpu.memory_space<vmem>>, vector<1x16xf32>,
      %get3A_626 = vector.shape_cast %get3A_625 : vector<1x16xf32> to vector<16xf32>
      %get3A_627 = arith.index_cast %scan3A_324 : i32 to index
      %get3A_628 = arith.constant 80 : index
      %get3A_629 = tpu.vector_load %arg18[%get3A_627, %get3A_628] {strides = array<i32>} : memref<128x128xf32, #tpu.memory_space<vmem>>, vector<1x16xf32>,
      %get3A_630 = vector.shape_cast %get3A_629 : vector<1x16xf32> to vector<16xf32>
      %get3A_631 = arith.index_cast %scan3A_324 : i32 to index
      %get3A_632 = arith.constant 80 : index
      %get3A_633 = tpu.vector_load %arg24[%get3A_631, %get3A_632] {strides = array<i32>} : memref<128x128xf32, #tpu.memory_space<vmem>>, vector<1x16xf32>,
      %get3A_634 = vector.shape_cast %get3A_633 : vector<1x16xf32> to vector<16xf32>
      %mul3A_635 = arith.mulf %get3A_626, %get3A_630 : vector<16xf32>
      %mul3A_636 = arith.mulf %mul3A_635, %get3A_634 : vector<16xf32>
      %add3A_637 = arith.addf %add3A_616, %mul3A_636 : vector<16xf32>
      %mul3A_638 = arith.mulf %get3A_630, %get3A_630 : vector<16xf32>
      %add3A_639 = arith.addf %add3A_618, %mul3A_638 : vector<16xf32>
      %mul3A_640 = arith.mulf %get3A_634, %get3A_634 : vector<16xf32>
      %add3A_641 = arith.addf %add3A_620, %mul3A_640 : vector<16xf32>
      %mul3A_642 = arith.mulf %get3A_626, %get3A_626 : vector<16xf32>
      %add3A_643 = arith.addf %add3A_622, %mul3A_642 : vector<16xf32>
      %get3A_644 = arith.index_cast %scan3A_324 : i32 to index
      %get3A_645 = arith.constant 96 : index
      %get3A_646 = tpu.vector_load %arg21[%get3A_644, %get3A_645] {strides = array<i32>} : memref<128x128xf32, #tpu.memory_space<vmem>>, vector<1x16xf32>,
      %get3A_647 = vector.shape_cast %get3A_646 : vector<1x16xf32> to vector<16xf32>
      %get3A_648 = arith.index_cast %scan3A_324 : i32 to index
      %get3A_649 = arith.constant 96 : index
      %get3A_650 = tpu.vector_load %arg18[%get3A_648, %get3A_649] {strides = array<i32>} : memref<128x128xf32, #tpu.memory_space<vmem>>, vector<1x16xf32>,
      %get3A_651 = vector.shape_cast %get3A_650 : vector<1x16xf32> to vector<16xf32>
      %get3A_652 = arith.index_cast %scan3A_324 : i32 to index
      %get3A_653 = arith.constant 96 : index
      %get3A_654 = tpu.vector_load %arg24[%get3A_652, %get3A_653] {strides = array<i32>} : memref<128x128xf32, #tpu.memory_space<vmem>>, vector<1x16xf32>,
      %get3A_655 = vector.shape_cast %get3A_654 : vector<1x16xf32> to vector<16xf32>
      %mul3A_656 = arith.mulf %get3A_647, %get3A_651 : vector<16xf32>
      %mul3A_657 = arith.mulf %mul3A_656, %get3A_655 : vector<16xf32>
      %add3A_658 = arith.addf %add3A_637, %mul3A_657 : vector<16xf32>
      %mul3A_659 = arith.mulf %get3A_651, %get3A_651 : vector<16xf32>
      %add3A_660 = arith.addf %add3A_639, %mul3A_659 : vector<16xf32>
      %mul3A_661 = arith.mulf %get3A_655, %get3A_655 : vector<16xf32>
      %add3A_662 = arith.addf %add3A_641, %mul3A_661 : vector<16xf32>
      %mul3A_663 = arith.mulf %get3A_647, %get3A_647 : vector<16xf32>
      %add3A_664 = arith.addf %add3A_643, %mul3A_663 : vector<16xf32>
      %get3A_665 = arith.index_cast %scan3A_324 : i32 to index
      %get3A_666 = arith.constant 112 : index
      %get3A_667 = tpu.vector_load %arg21[%get3A_665, %get3A_666] {strides = array<i32>} : memref<128x128xf32, #tpu.memory_space<vmem>>, vector<1x16xf32>,
      %get3A_668 = vector.shape_cast %get3A_667 : vector<1x16xf32> to vector<16xf32>
      %get3A_669 = arith.index_cast %scan3A_324 : i32 to index
      %get3A_670 = arith.constant 112 : index
      %get3A_671 = tpu.vector_load %arg18[%get3A_669, %get3A_670] {strides = array<i32>} : memref<128x128xf32, #tpu.memory_space<vmem>>, vector<1x16xf32>,
      %get3A_672 = vector.shape_cast %get3A_671 : vector<1x16xf32> to vector<16xf32>
      %get3A_673 = arith.index_cast %scan3A_324 : i32 to index
      %get3A_674 = arith.constant 112 : index
      %get3A_675 = tpu.vector_load %arg24[%get3A_673, %get3A_674] {strides = array<i32>} : memref<128x128xf32, #tpu.memory_space<vmem>>, vector<1x16xf32>,
      %get3A_676 = vector.shape_cast %get3A_675 : vector<1x16xf32> to vector<16xf32>
      %mul3A_677 = arith.mulf %get3A_668, %get3A_672 : vector<16xf32>
      %mul3A_678 = arith.mulf %mul3A_677, %get3A_676 : vector<16xf32>
      %add3A_679 = arith.addf %add3A_658, %mul3A_678 : vector<16xf32>
      %mul3A_680 = arith.mulf %get3A_672, %get3A_672 : vector<16xf32>
      %add3A_681 = arith.addf %add3A_660, %mul3A_680 : vector<16xf32>
      %mul3A_682 = arith.mulf %get3A_676, %get3A_676 : vector<16xf32>
      %add3A_683 = arith.addf %add3A_662, %mul3A_682 : vector<16xf32>
      %mul3A_684 = arith.mulf %get3A_668, %get3A_668 : vector<16xf32>
      %add3A_685 = arith.addf %add3A_664, %mul3A_684 : vector<16xf32>
      %swap3A_686 = arith.index_cast %scan3A_324 : i32 to index
      %swap3A_687 = arith.constant 0 : index
      %swap3A_688 = tpu.vector_load %arg25[%swap3A_686, %swap3A_687] {strides = array<i32>} : memref<128x16xf32, #tpu.memory_space<vmem>>, vector<1x16xf32>,
      %swap3A_689 = vector.shape_cast %swap3A_688 : vector<1x16xf32> to vector<16xf32>
      %swap3A_690 = vector.shape_cast %add3A_679 : vector<16xf32> to vector<1x16xf32>
      tpu.vector_store %arg25[%swap3A_686, %swap3A_687], %swap3A_690 {strides = array<i32>} : memref<128x16xf32, #tpu.memory_space<vmem>>, vector<1x16xf32>,
      scf.yield %add3A_507, %add3A_509, %add3A_681, %add3A_511, %add3A_513, %add3A_683, %add3A_515, %add3A_517, %add3A_685 : vector<16xf32>, vector<16xf32>, vector<16xf32>, vector<16xf32>, vector<16xf32>, vector<16xf32>, vector<16xf32>, vector<16xf32>, vector<16xf32>
    }
    %scan3A_142 = arith.constant 128 : i32
    "tpu.region"() ({
      %run_scoped3A = tpu.sem_alloc : memref<!tpu.dma_semaphore, #tpu.memory_space<semaphore_mem>>
      %dma_start3A_324 = arith.constant 0 : i32
      %dma_start3A_325 = tpu.memref_slice %arg11[%add3A_82, %dma_start3A_324] : memref<16384x16xf32, #tpu.memory_space<hbm>> -> memref<128x16xf32, #tpu.memory_space<hbm>>
      %dma_start3A_326 = arith.constant 0 : i32
      %dma_start3A_327 = tpu.memref_slice %arg11[%add3A_82, %dma_start3A_326] : memref<16384x16xf32, #tpu.memory_space<hbm>> -> memref<128x16xf32, #tpu.memory_space<hbm>>
      tpu.enqueue_dma source(%arg25 : memref<128x16xf32, #tpu.memory_space<vmem>>) target(%dma_start3A_327 : memref<128x16xf32, #tpu.memory_space<hbm>>) target_semaphore(%run_scoped3A : memref<!tpu.dma_semaphore, #tpu.memory_space<semaphore_mem>>)
      %dma_wait3A_328 = arith.constant 0 : i32
      %dma_wait3A_329 = tpu.memref_slice %arg11[%add3A_82, %dma_wait3A_328] : memref<16384x16xf32, #tpu.memory_space<hbm>> -> memref<128x16xf32, #tpu.memory_space<hbm>>
      %dma_wait3A_330 = arith.constant 0 : i32
      %dma_wait3A_331 = tpu.memref_slice %arg11[%add3A_82, %dma_wait3A_330] : memref<16384x16xf32, #tpu.memory_space<hbm>> -> memref<128x16xf32, #tpu.memory_space<hbm>>
      tpu.wait_dma2 semaphore(%run_scoped3A : memref<!tpu.dma_semaphore, #tpu.memory_space<semaphore_mem>>) src(%arg25 : memref<128x16xf32, #tpu.memory_space<vmem>>) dst(%dma_wait3A_331 : memref<128x16xf32, #tpu.memory_space<hbm>>)
      tpu.yield
    }) : () -> ()
    %mul3A_143 = arith.constant 512 : i32
    %mul3A_144 = arith.muli %add3A, %mul3A_143 : i32
    %add3A_145 = arith.constant 256 : i32
    %add3A_146 = arith.addi %mul3A_144, %add3A_145 : i32
    "tpu.region"() ({
      %run_scoped3A = tpu.sem_alloc : memref<!tpu.dma_semaphore, #tpu.memory_space<semaphore_mem>>
      %dma_start3A_324 = tpu.memref_slice %arg2[%add3A_146] : memref<16384xi32, #tpu.memory_space<hbm>> -> memref<128xi32, #tpu.memory_space<hbm>>
      %dma_start3A_325 = tpu.memref_slice %arg2[%add3A_146] : memref<16384xi32, #tpu.memory_space<hbm>> -> memref<128xi32, #tpu.memory_space<hbm>>
      tpu.enqueue_dma source(%dma_start3A_325 : memref<128xi32, #tpu.memory_space<hbm>>) target(%arg13 : memref<128xi32, #tpu.memory_space<vmem>>) target_semaphore(%run_scoped3A : memref<!tpu.dma_semaphore, #tpu.memory_space<semaphore_mem>>)
      %dma_wait3A_326 = tpu.memref_slice %arg2[%add3A_146] : memref<16384xi32, #tpu.memory_space<hbm>> -> memref<128xi32, #tpu.memory_space<hbm>>
      %dma_wait3A_327 = tpu.memref_slice %arg2[%add3A_146] : memref<16384xi32, #tpu.memory_space<hbm>> -> memref<128xi32, #tpu.memory_space<hbm>>
      tpu.wait_dma2 semaphore(%run_scoped3A : memref<!tpu.dma_semaphore, #tpu.memory_space<semaphore_mem>>) src(%dma_wait3A_327 : memref<128xi32, #tpu.memory_space<hbm>>) dst(%arg13 : memref<128xi32, #tpu.memory_space<vmem>>)
      tpu.yield
    }) : () -> ()
    "tpu.region"() ({
      %run_scoped3A = tpu.sem_alloc : memref<!tpu.dma_semaphore, #tpu.memory_space<semaphore_mem>>
      %dma_start3A_324 = tpu.memref_slice %arg3[%add3A_146] : memref<16384xi32, #tpu.memory_space<hbm>> -> memref<128xi32, #tpu.memory_space<hbm>>
      %dma_start3A_325 = tpu.memref_slice %arg3[%add3A_146] : memref<16384xi32, #tpu.memory_space<hbm>> -> memref<128xi32, #tpu.memory_space<hbm>>
      tpu.enqueue_dma source(%dma_start3A_325 : memref<128xi32, #tpu.memory_space<hbm>>) target(%arg14 : memref<128xi32, #tpu.memory_space<vmem>>) target_semaphore(%run_scoped3A : memref<!tpu.dma_semaphore, #tpu.memory_space<semaphore_mem>>)
      %dma_wait3A_326 = tpu.memref_slice %arg3[%add3A_146] : memref<16384xi32, #tpu.memory_space<hbm>> -> memref<128xi32, #tpu.memory_space<hbm>>
      %dma_wait3A_327 = tpu.memref_slice %arg3[%add3A_146] : memref<16384xi32, #tpu.memory_space<hbm>> -> memref<128xi32, #tpu.memory_space<hbm>>
      tpu.wait_dma2 semaphore(%run_scoped3A : memref<!tpu.dma_semaphore, #tpu.memory_space<semaphore_mem>>) src(%dma_wait3A_327 : memref<128xi32, #tpu.memory_space<hbm>>) dst(%arg14 : memref<128xi32, #tpu.memory_space<vmem>>)
      tpu.yield
    }) : () -> ()
    "tpu.region"() ({
      %run_scoped3A = tpu.sem_alloc : memref<!tpu.dma_semaphore, #tpu.memory_space<semaphore_mem>>
      %dma_start3A_324 = tpu.memref_slice %arg4[%add3A_146] : memref<16384xi32, #tpu.memory_space<hbm>> -> memref<128xi32, #tpu.memory_space<hbm>>
      %dma_start3A_325 = tpu.memref_slice %arg4[%add3A_146] : memref<16384xi32, #tpu.memory_space<hbm>> -> memref<128xi32, #tpu.memory_space<hbm>>
      tpu.enqueue_dma source(%dma_start3A_325 : memref<128xi32, #tpu.memory_space<hbm>>) target(%arg15 : memref<128xi32, #tpu.memory_space<vmem>>) target_semaphore(%run_scoped3A : memref<!tpu.dma_semaphore, #tpu.memory_space<semaphore_mem>>)
      %dma_wait3A_326 = tpu.memref_slice %arg4[%add3A_146] : memref<16384xi32, #tpu.memory_space<hbm>> -> memref<128xi32, #tpu.memory_space<hbm>>
      %dma_wait3A_327 = tpu.memref_slice %arg4[%add3A_146] : memref<16384xi32, #tpu.memory_space<hbm>> -> memref<128xi32, #tpu.memory_space<hbm>>
      tpu.wait_dma2 semaphore(%run_scoped3A : memref<!tpu.dma_semaphore, #tpu.memory_space<semaphore_mem>>) src(%dma_wait3A_327 : memref<128xi32, #tpu.memory_space<hbm>>) dst(%arg15 : memref<128xi32, #tpu.memory_space<vmem>>)
      tpu.yield
    }) : () -> ()
    %dma_start3A_147 = arith.constant 0 : i32
    %dma_start3A_148 = arith.constant 0 : i32
    %dma_start3A_149 = tpu.memref_slice %arg5[%dma_start3A_147, %dma_start3A_148] : memref<100000x64xf32, #tpu.memory_space<hbm>> -> memref<100000x64xf32, #tpu.memory_space<hbm>>
    tpu.enqueue_indirect_dma source(%dma_start3A_149 : memref<100000x64xf32, #tpu.memory_space<hbm>>) target(%arg16 : memref<128x64xf32, #tpu.memory_space<vmem>>) offsets(%arg13 : memref<128xi32, #tpu.memory_space<vmem>>) semaphore(%arg27 : memref<!tpu.dma_semaphore, #tpu.memory_space<semaphore_mem>>)
    %dma_start3A_150 = arith.constant 0 : i32
    %dma_start3A_151 = arith.constant 0 : i32
    %dma_start3A_152 = tpu.memref_slice %arg6[%dma_start3A_150, %dma_start3A_151] : memref<100000x64xf32, #tpu.memory_space<hbm>> -> memref<100000x64xf32, #tpu.memory_space<hbm>>
    tpu.enqueue_indirect_dma source(%dma_start3A_152 : memref<100000x64xf32, #tpu.memory_space<hbm>>) target(%arg17 : memref<128x64xf32, #tpu.memory_space<vmem>>) offsets(%arg13 : memref<128xi32, #tpu.memory_space<vmem>>) semaphore(%arg27 : memref<!tpu.dma_semaphore, #tpu.memory_space<semaphore_mem>>)
    %dma_start3A_153 = arith.constant 0 : i32
    %dma_start3A_154 = arith.constant 0 : i32
    %dma_start3A_155 = tpu.memref_slice %arg7[%dma_start3A_153, %dma_start3A_154] : memref<100000x128xf32, #tpu.memory_space<hbm>> -> memref<100000x128xf32, #tpu.memory_space<hbm>>
    tpu.enqueue_indirect_dma source(%dma_start3A_155 : memref<100000x128xf32, #tpu.memory_space<hbm>>) target(%arg18 : memref<128x128xf32, #tpu.memory_space<vmem>>) offsets(%arg13 : memref<128xi32, #tpu.memory_space<vmem>>) semaphore(%arg27 : memref<!tpu.dma_semaphore, #tpu.memory_space<semaphore_mem>>)
    %dma_start3A_156 = arith.constant 0 : i32
    %dma_start3A_157 = arith.constant 0 : i32
    %dma_start3A_158 = tpu.memref_slice %arg8[%dma_start3A_156, %dma_start3A_157] : memref<1000x64xf32, #tpu.memory_space<hbm>> -> memref<1000x64xf32, #tpu.memory_space<hbm>>
    tpu.enqueue_indirect_dma source(%dma_start3A_158 : memref<1000x64xf32, #tpu.memory_space<hbm>>) target(%arg19 : memref<128x64xf32, #tpu.memory_space<vmem>>) offsets(%arg14 : memref<128xi32, #tpu.memory_space<vmem>>) semaphore(%arg27 : memref<!tpu.dma_semaphore, #tpu.memory_space<semaphore_mem>>)
    %dma_start3A_159 = arith.constant 0 : i32
    %dma_start3A_160 = arith.constant 0 : i32
    %dma_start3A_161 = tpu.memref_slice %arg9[%dma_start3A_159, %dma_start3A_160] : memref<1000x64xf32, #tpu.memory_space<hbm>> -> memref<1000x64xf32, #tpu.memory_space<hbm>>
    tpu.enqueue_indirect_dma source(%dma_start3A_161 : memref<1000x64xf32, #tpu.memory_space<hbm>>) target(%arg20 : memref<128x64xf32, #tpu.memory_space<vmem>>) offsets(%arg14 : memref<128xi32, #tpu.memory_space<vmem>>) semaphore(%arg27 : memref<!tpu.dma_semaphore, #tpu.memory_space<semaphore_mem>>)
    %dma_start3A_162 = arith.constant 0 : i32
    %dma_start3A_163 = arith.constant 0 : i32
    %dma_start3A_164 = tpu.memref_slice %arg10[%dma_start3A_162, %dma_start3A_163] : memref<1000x128xf32, #tpu.memory_space<hbm>> -> memref<1000x128xf32, #tpu.memory_space<hbm>>
    tpu.enqueue_indirect_dma source(%dma_start3A_164 : memref<1000x128xf32, #tpu.memory_space<hbm>>) target(%arg21 : memref<128x128xf32, #tpu.memory_space<vmem>>) offsets(%arg14 : memref<128xi32, #tpu.memory_space<vmem>>) semaphore(%arg27 : memref<!tpu.dma_semaphore, #tpu.memory_space<semaphore_mem>>)
    %dma_start3A_165 = arith.constant 0 : i32
    %dma_start3A_166 = arith.constant 0 : i32
    %dma_start3A_167 = tpu.memref_slice %arg5[%dma_start3A_165, %dma_start3A_166] : memref<100000x64xf32, #tpu.memory_space<hbm>> -> memref<100000x64xf32, #tpu.memory_space<hbm>>
    tpu.enqueue_indirect_dma source(%dma_start3A_167 : memref<100000x64xf32, #tpu.memory_space<hbm>>) target(%arg22 : memref<128x64xf32, #tpu.memory_space<vmem>>) offsets(%arg15 : memref<128xi32, #tpu.memory_space<vmem>>) semaphore(%arg27 : memref<!tpu.dma_semaphore, #tpu.memory_space<semaphore_mem>>)
    %dma_start3A_168 = arith.constant 0 : i32
    %dma_start3A_169 = arith.constant 0 : i32
    %dma_start3A_170 = tpu.memref_slice %arg6[%dma_start3A_168, %dma_start3A_169] : memref<100000x64xf32, #tpu.memory_space<hbm>> -> memref<100000x64xf32, #tpu.memory_space<hbm>>
    tpu.enqueue_indirect_dma source(%dma_start3A_170 : memref<100000x64xf32, #tpu.memory_space<hbm>>) target(%arg23 : memref<128x64xf32, #tpu.memory_space<vmem>>) offsets(%arg15 : memref<128xi32, #tpu.memory_space<vmem>>) semaphore(%arg27 : memref<!tpu.dma_semaphore, #tpu.memory_space<semaphore_mem>>)
    %dma_start3A_171 = arith.constant 0 : i32
    %dma_start3A_172 = arith.constant 0 : i32
    %dma_start3A_173 = tpu.memref_slice %arg7[%dma_start3A_171, %dma_start3A_172] : memref<100000x128xf32, #tpu.memory_space<hbm>> -> memref<100000x128xf32, #tpu.memory_space<hbm>>
    tpu.enqueue_indirect_dma source(%dma_start3A_173 : memref<100000x128xf32, #tpu.memory_space<hbm>>) target(%arg24 : memref<128x128xf32, #tpu.memory_space<vmem>>) offsets(%arg15 : memref<128xi32, #tpu.memory_space<vmem>>) semaphore(%arg27 : memref<!tpu.dma_semaphore, #tpu.memory_space<semaphore_mem>>)
    %dma_wait3A_174 = arith.constant 0 : i32
    %dma_wait3A_175 = arith.constant 0 : i32
    %dma_wait3A_176 = tpu.memref_slice %arg5[%dma_wait3A_174, %dma_wait3A_175] : memref<100000x64xf32, #tpu.memory_space<hbm>> -> memref<100000x64xf32, #tpu.memory_space<hbm>>
    tpu.wait_indirect_dma semaphore(%arg27 : memref<!tpu.dma_semaphore, #tpu.memory_space<semaphore_mem>>) src(%dma_wait3A_176 : memref<100000x64xf32, #tpu.memory_space<hbm>>) dst(%arg16 : memref<128x64xf32, #tpu.memory_space<vmem>>)
    %dma_wait3A_177 = arith.constant 0 : i32
    %dma_wait3A_178 = arith.constant 0 : i32
    %dma_wait3A_179 = tpu.memref_slice %arg6[%dma_wait3A_177, %dma_wait3A_178] : memref<100000x64xf32, #tpu.memory_space<hbm>> -> memref<100000x64xf32, #tpu.memory_space<hbm>>
    tpu.wait_indirect_dma semaphore(%arg27 : memref<!tpu.dma_semaphore, #tpu.memory_space<semaphore_mem>>) src(%dma_wait3A_179 : memref<100000x64xf32, #tpu.memory_space<hbm>>) dst(%arg17 : memref<128x64xf32, #tpu.memory_space<vmem>>)
    %dma_wait3A_180 = arith.constant 0 : i32
    %dma_wait3A_181 = arith.constant 0 : i32
    %dma_wait3A_182 = tpu.memref_slice %arg7[%dma_wait3A_180, %dma_wait3A_181] : memref<100000x128xf32, #tpu.memory_space<hbm>> -> memref<100000x128xf32, #tpu.memory_space<hbm>>
    tpu.wait_indirect_dma semaphore(%arg27 : memref<!tpu.dma_semaphore, #tpu.memory_space<semaphore_mem>>) src(%dma_wait3A_182 : memref<100000x128xf32, #tpu.memory_space<hbm>>) dst(%arg18 : memref<128x128xf32, #tpu.memory_space<vmem>>)
    %dma_wait3A_183 = arith.constant 0 : i32
    %dma_wait3A_184 = arith.constant 0 : i32
    %dma_wait3A_185 = tpu.memref_slice %arg8[%dma_wait3A_183, %dma_wait3A_184] : memref<1000x64xf32, #tpu.memory_space<hbm>> -> memref<1000x64xf32, #tpu.memory_space<hbm>>
    tpu.wait_indirect_dma semaphore(%arg27 : memref<!tpu.dma_semaphore, #tpu.memory_space<semaphore_mem>>) src(%dma_wait3A_185 : memref<1000x64xf32, #tpu.memory_space<hbm>>) dst(%arg19 : memref<128x64xf32, #tpu.memory_space<vmem>>)
    %dma_wait3A_186 = arith.constant 0 : i32
    %dma_wait3A_187 = arith.constant 0 : i32
    %dma_wait3A_188 = tpu.memref_slice %arg9[%dma_wait3A_186, %dma_wait3A_187] : memref<1000x64xf32, #tpu.memory_space<hbm>> -> memref<1000x64xf32, #tpu.memory_space<hbm>>
    tpu.wait_indirect_dma semaphore(%arg27 : memref<!tpu.dma_semaphore, #tpu.memory_space<semaphore_mem>>) src(%dma_wait3A_188 : memref<1000x64xf32, #tpu.memory_space<hbm>>) dst(%arg20 : memref<128x64xf32, #tpu.memory_space<vmem>>)
    %dma_wait3A_189 = arith.constant 0 : i32
    %dma_wait3A_190 = arith.constant 0 : i32
    %dma_wait3A_191 = tpu.memref_slice %arg10[%dma_wait3A_189, %dma_wait3A_190] : memref<1000x128xf32, #tpu.memory_space<hbm>> -> memref<1000x128xf32, #tpu.memory_space<hbm>>
    tpu.wait_indirect_dma semaphore(%arg27 : memref<!tpu.dma_semaphore, #tpu.memory_space<semaphore_mem>>) src(%dma_wait3A_191 : memref<1000x128xf32, #tpu.memory_space<hbm>>) dst(%arg21 : memref<128x128xf32, #tpu.memory_space<vmem>>)
    %dma_wait3A_192 = arith.constant 0 : i32
    %dma_wait3A_193 = arith.constant 0 : i32
    %dma_wait3A_194 = tpu.memref_slice %arg5[%dma_wait3A_192, %dma_wait3A_193] : memref<100000x64xf32, #tpu.memory_space<hbm>> -> memref<100000x64xf32, #tpu.memory_space<hbm>>
    tpu.wait_indirect_dma semaphore(%arg27 : memref<!tpu.dma_semaphore, #tpu.memory_space<semaphore_mem>>) src(%dma_wait3A_194 : memref<100000x64xf32, #tpu.memory_space<hbm>>) dst(%arg22 : memref<128x64xf32, #tpu.memory_space<vmem>>)
    %dma_wait3A_195 = arith.constant 0 : i32
    %dma_wait3A_196 = arith.constant 0 : i32
    %dma_wait3A_197 = tpu.memref_slice %arg6[%dma_wait3A_195, %dma_wait3A_196] : memref<100000x64xf32, #tpu.memory_space<hbm>> -> memref<100000x64xf32, #tpu.memory_space<hbm>>
    tpu.wait_indirect_dma semaphore(%arg27 : memref<!tpu.dma_semaphore, #tpu.memory_space<semaphore_mem>>) src(%dma_wait3A_197 : memref<100000x64xf32, #tpu.memory_space<hbm>>) dst(%arg23 : memref<128x64xf32, #tpu.memory_space<vmem>>)
    %dma_wait3A_198 = arith.constant 0 : i32
    %dma_wait3A_199 = arith.constant 0 : i32
    %dma_wait3A_200 = tpu.memref_slice %arg7[%dma_wait3A_198, %dma_wait3A_199] : memref<100000x128xf32, #tpu.memory_space<hbm>> -> memref<100000x128xf32, #tpu.memory_space<hbm>>
    tpu.wait_indirect_dma semaphore(%arg27 : memref<!tpu.dma_semaphore, #tpu.memory_space<semaphore_mem>>) src(%dma_wait3A_200 : memref<100000x128xf32, #tpu.memory_space<hbm>>) dst(%arg24 : memref<128x128xf32, #tpu.memory_space<vmem>>)
    %scan3A_201 = arith.constant 0 : i32
    %scan3A_202 = arith.constant 128 : i32
    %scan3A_203 = arith.addi %scan3A_201, %scan3A_202 : i32
    %scan3A_204 = arith.constant 1 : i32
    %scan3A_205:9 = scf.for %scan3A_324 = %scan3A_201 to %scan3A_203 step %scan3A_204 iter_args(%scan3A_325 = %scan3A_141#0, %scan3A_326 = %scan3A_141#1, %scan3A_327 = %scan3A_141#2, %scan3A_328 = %scan3A_141#3, %scan3A_329 = %scan3A_141#4, %scan3A_330 = %scan3A_141#5, %scan3A_331 = %scan3A_141#6, %scan3A_332 = %scan3A_141#7, %scan3A_333 = %scan3A_141#8) -> (vector<16xf32>, vector<16xf32>, vector<16xf32>, vector<16xf32>, vector<16xf32>, vector<16xf32>, vector<16xf32>, vector<16xf32>, vector<16xf32>)  : i32 {
      %broadcast_in_dim3A_334 = arith.constant 0.000000e+00 : f32
      %broadcast_in_dim3A_335 = vector.broadcast %broadcast_in_dim3A_334 : f32 to vector<16xf32>
      %get3A = arith.index_cast %scan3A_324 : i32 to index
      %get3A_336 = arith.constant 0 : index
      %get3A_337 = tpu.vector_load %arg19[%get3A, %get3A_336] {strides = array<i32>} : memref<128x64xf32, #tpu.memory_space<vmem>>, vector<1x16xf32>,
      %get3A_338 = vector.shape_cast %get3A_337 : vector<1x16xf32> to vector<16xf32>
      %get3A_339 = arith.index_cast %scan3A_324 : i32 to index
      %get3A_340 = arith.constant 0 : index
      %get3A_341 = tpu.vector_load %arg20[%get3A_339, %get3A_340] {strides = array<i32>} : memref<128x64xf32, #tpu.memory_space<vmem>>, vector<1x16xf32>,
      %get3A_342 = vector.shape_cast %get3A_341 : vector<1x16xf32> to vector<16xf32>
      %get3A_343 = arith.index_cast %scan3A_324 : i32 to index
      %get3A_344 = arith.constant 0 : index
      %get3A_345 = tpu.vector_load %arg16[%get3A_343, %get3A_344] {strides = array<i32>} : memref<128x64xf32, #tpu.memory_space<vmem>>, vector<1x16xf32>,
      %get3A_346 = vector.shape_cast %get3A_345 : vector<1x16xf32> to vector<16xf32>
      %get3A_347 = arith.index_cast %scan3A_324 : i32 to index
      %get3A_348 = arith.constant 0 : index
      %get3A_349 = tpu.vector_load %arg17[%get3A_347, %get3A_348] {strides = array<i32>} : memref<128x64xf32, #tpu.memory_space<vmem>>, vector<1x16xf32>,
      %get3A_350 = vector.shape_cast %get3A_349 : vector<1x16xf32> to vector<16xf32>
      %get3A_351 = arith.index_cast %scan3A_324 : i32 to index
      %get3A_352 = arith.constant 0 : index
      %get3A_353 = tpu.vector_load %arg22[%get3A_351, %get3A_352] {strides = array<i32>} : memref<128x64xf32, #tpu.memory_space<vmem>>, vector<1x16xf32>,
      %get3A_354 = vector.shape_cast %get3A_353 : vector<1x16xf32> to vector<16xf32>
      %get3A_355 = arith.index_cast %scan3A_324 : i32 to index
      %get3A_356 = arith.constant 0 : index
      %get3A_357 = tpu.vector_load %arg23[%get3A_355, %get3A_356] {strides = array<i32>} : memref<128x64xf32, #tpu.memory_space<vmem>>, vector<1x16xf32>,
      %get3A_358 = vector.shape_cast %get3A_357 : vector<1x16xf32> to vector<16xf32>
      %mul3A_359 = arith.mulf %get3A_338, %get3A_346 : vector<16xf32>
      %mul3A_360 = arith.mulf %get3A_342, %get3A_350 : vector<16xf32>
      %sub3A = arith.subf %mul3A_359, %mul3A_360 : vector<16xf32>
      %mul3A_361 = arith.mulf %get3A_338, %get3A_350 : vector<16xf32>
      %mul3A_362 = arith.mulf %get3A_342, %get3A_346 : vector<16xf32>
      %add3A_363 = arith.addf %mul3A_361, %mul3A_362 : vector<16xf32>
      %mul3A_364 = arith.mulf %sub3A, %get3A_354 : vector<16xf32>
      %add3A_365 = arith.addf %broadcast_in_dim3A_335, %mul3A_364 : vector<16xf32>
      %mul3A_366 = arith.mulf %add3A_363, %get3A_358 : vector<16xf32>
      %add3A_367 = arith.addf %add3A_365, %mul3A_366 : vector<16xf32>
      %mul3A_368 = arith.mulf %get3A_346, %get3A_346 : vector<16xf32>
      %add3A_369 = arith.addf %scan3A_325, %mul3A_368 : vector<16xf32>
      %mul3A_370 = arith.mulf %get3A_350, %get3A_350 : vector<16xf32>
      %add3A_371 = arith.addf %scan3A_326, %mul3A_370 : vector<16xf32>
      %mul3A_372 = arith.mulf %get3A_354, %get3A_354 : vector<16xf32>
      %add3A_373 = arith.addf %scan3A_328, %mul3A_372 : vector<16xf32>
      %mul3A_374 = arith.mulf %get3A_358, %get3A_358 : vector<16xf32>
      %add3A_375 = arith.addf %scan3A_329, %mul3A_374 : vector<16xf32>
      %mul3A_376 = arith.mulf %get3A_338, %get3A_338 : vector<16xf32>
      %add3A_377 = arith.addf %scan3A_331, %mul3A_376 : vector<16xf32>
      %mul3A_378 = arith.mulf %get3A_342, %get3A_342 : vector<16xf32>
      %add3A_379 = arith.addf %scan3A_332, %mul3A_378 : vector<16xf32>
      %get3A_380 = arith.index_cast %scan3A_324 : i32 to index
      %get3A_381 = arith.constant 16 : index
      %get3A_382 = tpu.vector_load %arg19[%get3A_380, %get3A_381] {strides = array<i32>} : memref<128x64xf32, #tpu.memory_space<vmem>>, vector<1x16xf32>,
      %get3A_383 = vector.shape_cast %get3A_382 : vector<1x16xf32> to vector<16xf32>
      %get3A_384 = arith.index_cast %scan3A_324 : i32 to index
      %get3A_385 = arith.constant 16 : index
      %get3A_386 = tpu.vector_load %arg20[%get3A_384, %get3A_385] {strides = array<i32>} : memref<128x64xf32, #tpu.memory_space<vmem>>, vector<1x16xf32>,
      %get3A_387 = vector.shape_cast %get3A_386 : vector<1x16xf32> to vector<16xf32>
      %get3A_388 = arith.index_cast %scan3A_324 : i32 to index
      %get3A_389 = arith.constant 16 : index
      %get3A_390 = tpu.vector_load %arg16[%get3A_388, %get3A_389] {strides = array<i32>} : memref<128x64xf32, #tpu.memory_space<vmem>>, vector<1x16xf32>,
      %get3A_391 = vector.shape_cast %get3A_390 : vector<1x16xf32> to vector<16xf32>
      %get3A_392 = arith.index_cast %scan3A_324 : i32 to index
      %get3A_393 = arith.constant 16 : index
      %get3A_394 = tpu.vector_load %arg17[%get3A_392, %get3A_393] {strides = array<i32>} : memref<128x64xf32, #tpu.memory_space<vmem>>, vector<1x16xf32>,
      %get3A_395 = vector.shape_cast %get3A_394 : vector<1x16xf32> to vector<16xf32>
      %get3A_396 = arith.index_cast %scan3A_324 : i32 to index
      %get3A_397 = arith.constant 16 : index
      %get3A_398 = tpu.vector_load %arg22[%get3A_396, %get3A_397] {strides = array<i32>} : memref<128x64xf32, #tpu.memory_space<vmem>>, vector<1x16xf32>,
      %get3A_399 = vector.shape_cast %get3A_398 : vector<1x16xf32> to vector<16xf32>
      %get3A_400 = arith.index_cast %scan3A_324 : i32 to index
      %get3A_401 = arith.constant 16 : index
      %get3A_402 = tpu.vector_load %arg23[%get3A_400, %get3A_401] {strides = array<i32>} : memref<128x64xf32, #tpu.memory_space<vmem>>, vector<1x16xf32>,
      %get3A_403 = vector.shape_cast %get3A_402 : vector<1x16xf32> to vector<16xf32>
      %mul3A_404 = arith.mulf %get3A_383, %get3A_391 : vector<16xf32>
      %mul3A_405 = arith.mulf %get3A_387, %get3A_395 : vector<16xf32>
      %sub3A_406 = arith.subf %mul3A_404, %mul3A_405 : vector<16xf32>
      %mul3A_407 = arith.mulf %get3A_383, %get3A_395 : vector<16xf32>
      %mul3A_408 = arith.mulf %get3A_387, %get3A_391 : vector<16xf32>
      %add3A_409 = arith.addf %mul3A_407, %mul3A_408 : vector<16xf32>
      %mul3A_410 = arith.mulf %sub3A_406, %get3A_399 : vector<16xf32>
      %add3A_411 = arith.addf %add3A_367, %mul3A_410 : vector<16xf32>
      %mul3A_412 = arith.mulf %add3A_409, %get3A_403 : vector<16xf32>
      %add3A_413 = arith.addf %add3A_411, %mul3A_412 : vector<16xf32>
      %mul3A_414 = arith.mulf %get3A_391, %get3A_391 : vector<16xf32>
      %add3A_415 = arith.addf %add3A_369, %mul3A_414 : vector<16xf32>
      %mul3A_416 = arith.mulf %get3A_395, %get3A_395 : vector<16xf32>
      %add3A_417 = arith.addf %add3A_371, %mul3A_416 : vector<16xf32>
      %mul3A_418 = arith.mulf %get3A_399, %get3A_399 : vector<16xf32>
      %add3A_419 = arith.addf %add3A_373, %mul3A_418 : vector<16xf32>
      %mul3A_420 = arith.mulf %get3A_403, %get3A_403 : vector<16xf32>
      %add3A_421 = arith.addf %add3A_375, %mul3A_420 : vector<16xf32>
      %mul3A_422 = arith.mulf %get3A_383, %get3A_383 : vector<16xf32>
      %add3A_423 = arith.addf %add3A_377, %mul3A_422 : vector<16xf32>
      %mul3A_424 = arith.mulf %get3A_387, %get3A_387 : vector<16xf32>
      %add3A_425 = arith.addf %add3A_379, %mul3A_424 : vector<16xf32>
      %get3A_426 = arith.index_cast %scan3A_324 : i32 to index
      %get3A_427 = arith.constant 32 : index
      %get3A_428 = tpu.vector_load %arg19[%get3A_426, %get3A_427] {strides = array<i32>} : memref<128x64xf32, #tpu.memory_space<vmem>>, vector<1x16xf32>,
      %get3A_429 = vector.shape_cast %get3A_428 : vector<1x16xf32> to vector<16xf32>
      %get3A_430 = arith.index_cast %scan3A_324 : i32 to index
      %get3A_431 = arith.constant 32 : index
      %get3A_432 = tpu.vector_load %arg20[%get3A_430, %get3A_431] {strides = array<i32>} : memref<128x64xf32, #tpu.memory_space<vmem>>, vector<1x16xf32>,
      %get3A_433 = vector.shape_cast %get3A_432 : vector<1x16xf32> to vector<16xf32>
      %get3A_434 = arith.index_cast %scan3A_324 : i32 to index
      %get3A_435 = arith.constant 32 : index
      %get3A_436 = tpu.vector_load %arg16[%get3A_434, %get3A_435] {strides = array<i32>} : memref<128x64xf32, #tpu.memory_space<vmem>>, vector<1x16xf32>,
      %get3A_437 = vector.shape_cast %get3A_436 : vector<1x16xf32> to vector<16xf32>
      %get3A_438 = arith.index_cast %scan3A_324 : i32 to index
      %get3A_439 = arith.constant 32 : index
      %get3A_440 = tpu.vector_load %arg17[%get3A_438, %get3A_439] {strides = array<i32>} : memref<128x64xf32, #tpu.memory_space<vmem>>, vector<1x16xf32>,
      %get3A_441 = vector.shape_cast %get3A_440 : vector<1x16xf32> to vector<16xf32>
      %get3A_442 = arith.index_cast %scan3A_324 : i32 to index
      %get3A_443 = arith.constant 32 : index
      %get3A_444 = tpu.vector_load %arg22[%get3A_442, %get3A_443] {strides = array<i32>} : memref<128x64xf32, #tpu.memory_space<vmem>>, vector<1x16xf32>,
      %get3A_445 = vector.shape_cast %get3A_444 : vector<1x16xf32> to vector<16xf32>
      %get3A_446 = arith.index_cast %scan3A_324 : i32 to index
      %get3A_447 = arith.constant 32 : index
      %get3A_448 = tpu.vector_load %arg23[%get3A_446, %get3A_447] {strides = array<i32>} : memref<128x64xf32, #tpu.memory_space<vmem>>, vector<1x16xf32>,
      %get3A_449 = vector.shape_cast %get3A_448 : vector<1x16xf32> to vector<16xf32>
      %mul3A_450 = arith.mulf %get3A_429, %get3A_437 : vector<16xf32>
      %mul3A_451 = arith.mulf %get3A_433, %get3A_441 : vector<16xf32>
      %sub3A_452 = arith.subf %mul3A_450, %mul3A_451 : vector<16xf32>
      %mul3A_453 = arith.mulf %get3A_429, %get3A_441 : vector<16xf32>
      %mul3A_454 = arith.mulf %get3A_433, %get3A_437 : vector<16xf32>
      %add3A_455 = arith.addf %mul3A_453, %mul3A_454 : vector<16xf32>
      %mul3A_456 = arith.mulf %sub3A_452, %get3A_445 : vector<16xf32>
      %add3A_457 = arith.addf %add3A_413, %mul3A_456 : vector<16xf32>
      %mul3A_458 = arith.mulf %add3A_455, %get3A_449 : vector<16xf32>
      %add3A_459 = arith.addf %add3A_457, %mul3A_458 : vector<16xf32>
      %mul3A_460 = arith.mulf %get3A_437, %get3A_437 : vector<16xf32>
      %add3A_461 = arith.addf %add3A_415, %mul3A_460 : vector<16xf32>
      %mul3A_462 = arith.mulf %get3A_441, %get3A_441 : vector<16xf32>
      %add3A_463 = arith.addf %add3A_417, %mul3A_462 : vector<16xf32>
      %mul3A_464 = arith.mulf %get3A_445, %get3A_445 : vector<16xf32>
      %add3A_465 = arith.addf %add3A_419, %mul3A_464 : vector<16xf32>
      %mul3A_466 = arith.mulf %get3A_449, %get3A_449 : vector<16xf32>
      %add3A_467 = arith.addf %add3A_421, %mul3A_466 : vector<16xf32>
      %mul3A_468 = arith.mulf %get3A_429, %get3A_429 : vector<16xf32>
      %add3A_469 = arith.addf %add3A_423, %mul3A_468 : vector<16xf32>
      %mul3A_470 = arith.mulf %get3A_433, %get3A_433 : vector<16xf32>
      %add3A_471 = arith.addf %add3A_425, %mul3A_470 : vector<16xf32>
      %get3A_472 = arith.index_cast %scan3A_324 : i32 to index
      %get3A_473 = arith.constant 48 : index
      %get3A_474 = tpu.vector_load %arg19[%get3A_472, %get3A_473] {strides = array<i32>} : memref<128x64xf32, #tpu.memory_space<vmem>>, vector<1x16xf32>,
      %get3A_475 = vector.shape_cast %get3A_474 : vector<1x16xf32> to vector<16xf32>
      %get3A_476 = arith.index_cast %scan3A_324 : i32 to index
      %get3A_477 = arith.constant 48 : index
      %get3A_478 = tpu.vector_load %arg20[%get3A_476, %get3A_477] {strides = array<i32>} : memref<128x64xf32, #tpu.memory_space<vmem>>, vector<1x16xf32>,
      %get3A_479 = vector.shape_cast %get3A_478 : vector<1x16xf32> to vector<16xf32>
      %get3A_480 = arith.index_cast %scan3A_324 : i32 to index
      %get3A_481 = arith.constant 48 : index
      %get3A_482 = tpu.vector_load %arg16[%get3A_480, %get3A_481] {strides = array<i32>} : memref<128x64xf32, #tpu.memory_space<vmem>>, vector<1x16xf32>,
      %get3A_483 = vector.shape_cast %get3A_482 : vector<1x16xf32> to vector<16xf32>
      %get3A_484 = arith.index_cast %scan3A_324 : i32 to index
      %get3A_485 = arith.constant 48 : index
      %get3A_486 = tpu.vector_load %arg17[%get3A_484, %get3A_485] {strides = array<i32>} : memref<128x64xf32, #tpu.memory_space<vmem>>, vector<1x16xf32>,
      %get3A_487 = vector.shape_cast %get3A_486 : vector<1x16xf32> to vector<16xf32>
      %get3A_488 = arith.index_cast %scan3A_324 : i32 to index
      %get3A_489 = arith.constant 48 : index
      %get3A_490 = tpu.vector_load %arg22[%get3A_488, %get3A_489] {strides = array<i32>} : memref<128x64xf32, #tpu.memory_space<vmem>>, vector<1x16xf32>,
      %get3A_491 = vector.shape_cast %get3A_490 : vector<1x16xf32> to vector<16xf32>
      %get3A_492 = arith.index_cast %scan3A_324 : i32 to index
      %get3A_493 = arith.constant 48 : index
      %get3A_494 = tpu.vector_load %arg23[%get3A_492, %get3A_493] {strides = array<i32>} : memref<128x64xf32, #tpu.memory_space<vmem>>, vector<1x16xf32>,
      %get3A_495 = vector.shape_cast %get3A_494 : vector<1x16xf32> to vector<16xf32>
      %mul3A_496 = arith.mulf %get3A_475, %get3A_483 : vector<16xf32>
      %mul3A_497 = arith.mulf %get3A_479, %get3A_487 : vector<16xf32>
      %sub3A_498 = arith.subf %mul3A_496, %mul3A_497 : vector<16xf32>
      %mul3A_499 = arith.mulf %get3A_475, %get3A_487 : vector<16xf32>
      %mul3A_500 = arith.mulf %get3A_479, %get3A_483 : vector<16xf32>
      %add3A_501 = arith.addf %mul3A_499, %mul3A_500 : vector<16xf32>
      %mul3A_502 = arith.mulf %sub3A_498, %get3A_491 : vector<16xf32>
      %add3A_503 = arith.addf %add3A_459, %mul3A_502 : vector<16xf32>
      %mul3A_504 = arith.mulf %add3A_501, %get3A_495 : vector<16xf32>
      %add3A_505 = arith.addf %add3A_503, %mul3A_504 : vector<16xf32>
      %mul3A_506 = arith.mulf %get3A_483, %get3A_483 : vector<16xf32>
      %add3A_507 = arith.addf %add3A_461, %mul3A_506 : vector<16xf32>
      %mul3A_508 = arith.mulf %get3A_487, %get3A_487 : vector<16xf32>
      %add3A_509 = arith.addf %add3A_463, %mul3A_508 : vector<16xf32>
      %mul3A_510 = arith.mulf %get3A_491, %get3A_491 : vector<16xf32>
      %add3A_511 = arith.addf %add3A_465, %mul3A_510 : vector<16xf32>
      %mul3A_512 = arith.mulf %get3A_495, %get3A_495 : vector<16xf32>
      %add3A_513 = arith.addf %add3A_467, %mul3A_512 : vector<16xf32>
      %mul3A_514 = arith.mulf %get3A_475, %get3A_475 : vector<16xf32>
      %add3A_515 = arith.addf %add3A_469, %mul3A_514 : vector<16xf32>
      %mul3A_516 = arith.mulf %get3A_479, %get3A_479 : vector<16xf32>
      %add3A_517 = arith.addf %add3A_471, %mul3A_516 : vector<16xf32>
      %get3A_518 = arith.index_cast %scan3A_324 : i32 to index
      %get3A_519 = arith.constant 0 : index
      %get3A_520 = tpu.vector_load %arg21[%get3A_518, %get3A_519] {strides = array<i32>} : memref<128x128xf32, #tpu.memory_space<vmem>>, vector<1x16xf32>,
      %get3A_521 = vector.shape_cast %get3A_520 : vector<1x16xf32> to vector<16xf32>
      %get3A_522 = arith.index_cast %scan3A_324 : i32 to index
      %get3A_523 = arith.constant 0 : index
      %get3A_524 = tpu.vector_load %arg18[%get3A_522, %get3A_523] {strides = array<i32>} : memref<128x128xf32, #tpu.memory_space<vmem>>, vector<1x16xf32>,
      %get3A_525 = vector.shape_cast %get3A_524 : vector<1x16xf32> to vector<16xf32>
      %get3A_526 = arith.index_cast %scan3A_324 : i32 to index
      %get3A_527 = arith.constant 0 : index
      %get3A_528 = tpu.vector_load %arg24[%get3A_526, %get3A_527] {strides = array<i32>} : memref<128x128xf32, #tpu.memory_space<vmem>>, vector<1x16xf32>,
      %get3A_529 = vector.shape_cast %get3A_528 : vector<1x16xf32> to vector<16xf32>
      %mul3A_530 = arith.mulf %get3A_521, %get3A_525 : vector<16xf32>
      %mul3A_531 = arith.mulf %mul3A_530, %get3A_529 : vector<16xf32>
      %add3A_532 = arith.addf %add3A_505, %mul3A_531 : vector<16xf32>
      %mul3A_533 = arith.mulf %get3A_525, %get3A_525 : vector<16xf32>
      %add3A_534 = arith.addf %scan3A_327, %mul3A_533 : vector<16xf32>
      %mul3A_535 = arith.mulf %get3A_529, %get3A_529 : vector<16xf32>
      %add3A_536 = arith.addf %scan3A_330, %mul3A_535 : vector<16xf32>
      %mul3A_537 = arith.mulf %get3A_521, %get3A_521 : vector<16xf32>
      %add3A_538 = arith.addf %scan3A_333, %mul3A_537 : vector<16xf32>
      %get3A_539 = arith.index_cast %scan3A_324 : i32 to index
      %get3A_540 = arith.constant 16 : index
      %get3A_541 = tpu.vector_load %arg21[%get3A_539, %get3A_540] {strides = array<i32>} : memref<128x128xf32, #tpu.memory_space<vmem>>, vector<1x16xf32>,
      %get3A_542 = vector.shape_cast %get3A_541 : vector<1x16xf32> to vector<16xf32>
      %get3A_543 = arith.index_cast %scan3A_324 : i32 to index
      %get3A_544 = arith.constant 16 : index
      %get3A_545 = tpu.vector_load %arg18[%get3A_543, %get3A_544] {strides = array<i32>} : memref<128x128xf32, #tpu.memory_space<vmem>>, vector<1x16xf32>,
      %get3A_546 = vector.shape_cast %get3A_545 : vector<1x16xf32> to vector<16xf32>
      %get3A_547 = arith.index_cast %scan3A_324 : i32 to index
      %get3A_548 = arith.constant 16 : index
      %get3A_549 = tpu.vector_load %arg24[%get3A_547, %get3A_548] {strides = array<i32>} : memref<128x128xf32, #tpu.memory_space<vmem>>, vector<1x16xf32>,
      %get3A_550 = vector.shape_cast %get3A_549 : vector<1x16xf32> to vector<16xf32>
      %mul3A_551 = arith.mulf %get3A_542, %get3A_546 : vector<16xf32>
      %mul3A_552 = arith.mulf %mul3A_551, %get3A_550 : vector<16xf32>
      %add3A_553 = arith.addf %add3A_532, %mul3A_552 : vector<16xf32>
      %mul3A_554 = arith.mulf %get3A_546, %get3A_546 : vector<16xf32>
      %add3A_555 = arith.addf %add3A_534, %mul3A_554 : vector<16xf32>
      %mul3A_556 = arith.mulf %get3A_550, %get3A_550 : vector<16xf32>
      %add3A_557 = arith.addf %add3A_536, %mul3A_556 : vector<16xf32>
      %mul3A_558 = arith.mulf %get3A_542, %get3A_542 : vector<16xf32>
      %add3A_559 = arith.addf %add3A_538, %mul3A_558 : vector<16xf32>
      %get3A_560 = arith.index_cast %scan3A_324 : i32 to index
      %get3A_561 = arith.constant 32 : index
      %get3A_562 = tpu.vector_load %arg21[%get3A_560, %get3A_561] {strides = array<i32>} : memref<128x128xf32, #tpu.memory_space<vmem>>, vector<1x16xf32>,
      %get3A_563 = vector.shape_cast %get3A_562 : vector<1x16xf32> to vector<16xf32>
      %get3A_564 = arith.index_cast %scan3A_324 : i32 to index
      %get3A_565 = arith.constant 32 : index
      %get3A_566 = tpu.vector_load %arg18[%get3A_564, %get3A_565] {strides = array<i32>} : memref<128x128xf32, #tpu.memory_space<vmem>>, vector<1x16xf32>,
      %get3A_567 = vector.shape_cast %get3A_566 : vector<1x16xf32> to vector<16xf32>
      %get3A_568 = arith.index_cast %scan3A_324 : i32 to index
      %get3A_569 = arith.constant 32 : index
      %get3A_570 = tpu.vector_load %arg24[%get3A_568, %get3A_569] {strides = array<i32>} : memref<128x128xf32, #tpu.memory_space<vmem>>, vector<1x16xf32>,
      %get3A_571 = vector.shape_cast %get3A_570 : vector<1x16xf32> to vector<16xf32>
      %mul3A_572 = arith.mulf %get3A_563, %get3A_567 : vector<16xf32>
      %mul3A_573 = arith.mulf %mul3A_572, %get3A_571 : vector<16xf32>
      %add3A_574 = arith.addf %add3A_553, %mul3A_573 : vector<16xf32>
      %mul3A_575 = arith.mulf %get3A_567, %get3A_567 : vector<16xf32>
      %add3A_576 = arith.addf %add3A_555, %mul3A_575 : vector<16xf32>
      %mul3A_577 = arith.mulf %get3A_571, %get3A_571 : vector<16xf32>
      %add3A_578 = arith.addf %add3A_557, %mul3A_577 : vector<16xf32>
      %mul3A_579 = arith.mulf %get3A_563, %get3A_563 : vector<16xf32>
      %add3A_580 = arith.addf %add3A_559, %mul3A_579 : vector<16xf32>
      %get3A_581 = arith.index_cast %scan3A_324 : i32 to index
      %get3A_582 = arith.constant 48 : index
      %get3A_583 = tpu.vector_load %arg21[%get3A_581, %get3A_582] {strides = array<i32>} : memref<128x128xf32, #tpu.memory_space<vmem>>, vector<1x16xf32>,
      %get3A_584 = vector.shape_cast %get3A_583 : vector<1x16xf32> to vector<16xf32>
      %get3A_585 = arith.index_cast %scan3A_324 : i32 to index
      %get3A_586 = arith.constant 48 : index
      %get3A_587 = tpu.vector_load %arg18[%get3A_585, %get3A_586] {strides = array<i32>} : memref<128x128xf32, #tpu.memory_space<vmem>>, vector<1x16xf32>,
      %get3A_588 = vector.shape_cast %get3A_587 : vector<1x16xf32> to vector<16xf32>
      %get3A_589 = arith.index_cast %scan3A_324 : i32 to index
      %get3A_590 = arith.constant 48 : index
      %get3A_591 = tpu.vector_load %arg24[%get3A_589, %get3A_590] {strides = array<i32>} : memref<128x128xf32, #tpu.memory_space<vmem>>, vector<1x16xf32>,
      %get3A_592 = vector.shape_cast %get3A_591 : vector<1x16xf32> to vector<16xf32>
      %mul3A_593 = arith.mulf %get3A_584, %get3A_588 : vector<16xf32>
      %mul3A_594 = arith.mulf %mul3A_593, %get3A_592 : vector<16xf32>
      %add3A_595 = arith.addf %add3A_574, %mul3A_594 : vector<16xf32>
      %mul3A_596 = arith.mulf %get3A_588, %get3A_588 : vector<16xf32>
      %add3A_597 = arith.addf %add3A_576, %mul3A_596 : vector<16xf32>
      %mul3A_598 = arith.mulf %get3A_592, %get3A_592 : vector<16xf32>
      %add3A_599 = arith.addf %add3A_578, %mul3A_598 : vector<16xf32>
      %mul3A_600 = arith.mulf %get3A_584, %get3A_584 : vector<16xf32>
      %add3A_601 = arith.addf %add3A_580, %mul3A_600 : vector<16xf32>
      %get3A_602 = arith.index_cast %scan3A_324 : i32 to index
      %get3A_603 = arith.constant 64 : index
      %get3A_604 = tpu.vector_load %arg21[%get3A_602, %get3A_603] {strides = array<i32>} : memref<128x128xf32, #tpu.memory_space<vmem>>, vector<1x16xf32>,
      %get3A_605 = vector.shape_cast %get3A_604 : vector<1x16xf32> to vector<16xf32>
      %get3A_606 = arith.index_cast %scan3A_324 : i32 to index
      %get3A_607 = arith.constant 64 : index
      %get3A_608 = tpu.vector_load %arg18[%get3A_606, %get3A_607] {strides = array<i32>} : memref<128x128xf32, #tpu.memory_space<vmem>>, vector<1x16xf32>,
      %get3A_609 = vector.shape_cast %get3A_608 : vector<1x16xf32> to vector<16xf32>
      %get3A_610 = arith.index_cast %scan3A_324 : i32 to index
      %get3A_611 = arith.constant 64 : index
      %get3A_612 = tpu.vector_load %arg24[%get3A_610, %get3A_611] {strides = array<i32>} : memref<128x128xf32, #tpu.memory_space<vmem>>, vector<1x16xf32>,
      %get3A_613 = vector.shape_cast %get3A_612 : vector<1x16xf32> to vector<16xf32>
      %mul3A_614 = arith.mulf %get3A_605, %get3A_609 : vector<16xf32>
      %mul3A_615 = arith.mulf %mul3A_614, %get3A_613 : vector<16xf32>
      %add3A_616 = arith.addf %add3A_595, %mul3A_615 : vector<16xf32>
      %mul3A_617 = arith.mulf %get3A_609, %get3A_609 : vector<16xf32>
      %add3A_618 = arith.addf %add3A_597, %mul3A_617 : vector<16xf32>
      %mul3A_619 = arith.mulf %get3A_613, %get3A_613 : vector<16xf32>
      %add3A_620 = arith.addf %add3A_599, %mul3A_619 : vector<16xf32>
      %mul3A_621 = arith.mulf %get3A_605, %get3A_605 : vector<16xf32>
      %add3A_622 = arith.addf %add3A_601, %mul3A_621 : vector<16xf32>
      %get3A_623 = arith.index_cast %scan3A_324 : i32 to index
      %get3A_624 = arith.constant 80 : index
      %get3A_625 = tpu.vector_load %arg21[%get3A_623, %get3A_624] {strides = array<i32>} : memref<128x128xf32, #tpu.memory_space<vmem>>, vector<1x16xf32>,
      %get3A_626 = vector.shape_cast %get3A_625 : vector<1x16xf32> to vector<16xf32>
      %get3A_627 = arith.index_cast %scan3A_324 : i32 to index
      %get3A_628 = arith.constant 80 : index
      %get3A_629 = tpu.vector_load %arg18[%get3A_627, %get3A_628] {strides = array<i32>} : memref<128x128xf32, #tpu.memory_space<vmem>>, vector<1x16xf32>,
      %get3A_630 = vector.shape_cast %get3A_629 : vector<1x16xf32> to vector<16xf32>
      %get3A_631 = arith.index_cast %scan3A_324 : i32 to index
      %get3A_632 = arith.constant 80 : index
      %get3A_633 = tpu.vector_load %arg24[%get3A_631, %get3A_632] {strides = array<i32>} : memref<128x128xf32, #tpu.memory_space<vmem>>, vector<1x16xf32>,
      %get3A_634 = vector.shape_cast %get3A_633 : vector<1x16xf32> to vector<16xf32>
      %mul3A_635 = arith.mulf %get3A_626, %get3A_630 : vector<16xf32>
      %mul3A_636 = arith.mulf %mul3A_635, %get3A_634 : vector<16xf32>
      %add3A_637 = arith.addf %add3A_616, %mul3A_636 : vector<16xf32>
      %mul3A_638 = arith.mulf %get3A_630, %get3A_630 : vector<16xf32>
      %add3A_639 = arith.addf %add3A_618, %mul3A_638 : vector<16xf32>
      %mul3A_640 = arith.mulf %get3A_634, %get3A_634 : vector<16xf32>
      %add3A_641 = arith.addf %add3A_620, %mul3A_640 : vector<16xf32>
      %mul3A_642 = arith.mulf %get3A_626, %get3A_626 : vector<16xf32>
      %add3A_643 = arith.addf %add3A_622, %mul3A_642 : vector<16xf32>
      %get3A_644 = arith.index_cast %scan3A_324 : i32 to index
      %get3A_645 = arith.constant 96 : index
      %get3A_646 = tpu.vector_load %arg21[%get3A_644, %get3A_645] {strides = array<i32>} : memref<128x128xf32, #tpu.memory_space<vmem>>, vector<1x16xf32>,
      %get3A_647 = vector.shape_cast %get3A_646 : vector<1x16xf32> to vector<16xf32>
      %get3A_648 = arith.index_cast %scan3A_324 : i32 to index
      %get3A_649 = arith.constant 96 : index
      %get3A_650 = tpu.vector_load %arg18[%get3A_648, %get3A_649] {strides = array<i32>} : memref<128x128xf32, #tpu.memory_space<vmem>>, vector<1x16xf32>,
      %get3A_651 = vector.shape_cast %get3A_650 : vector<1x16xf32> to vector<16xf32>
      %get3A_652 = arith.index_cast %scan3A_324 : i32 to index
      %get3A_653 = arith.constant 96 : index
      %get3A_654 = tpu.vector_load %arg24[%get3A_652, %get3A_653] {strides = array<i32>} : memref<128x128xf32, #tpu.memory_space<vmem>>, vector<1x16xf32>,
      %get3A_655 = vector.shape_cast %get3A_654 : vector<1x16xf32> to vector<16xf32>
      %mul3A_656 = arith.mulf %get3A_647, %get3A_651 : vector<16xf32>
      %mul3A_657 = arith.mulf %mul3A_656, %get3A_655 : vector<16xf32>
      %add3A_658 = arith.addf %add3A_637, %mul3A_657 : vector<16xf32>
      %mul3A_659 = arith.mulf %get3A_651, %get3A_651 : vector<16xf32>
      %add3A_660 = arith.addf %add3A_639, %mul3A_659 : vector<16xf32>
      %mul3A_661 = arith.mulf %get3A_655, %get3A_655 : vector<16xf32>
      %add3A_662 = arith.addf %add3A_641, %mul3A_661 : vector<16xf32>
      %mul3A_663 = arith.mulf %get3A_647, %get3A_647 : vector<16xf32>
      %add3A_664 = arith.addf %add3A_643, %mul3A_663 : vector<16xf32>
      %get3A_665 = arith.index_cast %scan3A_324 : i32 to index
      %get3A_666 = arith.constant 112 : index
      %get3A_667 = tpu.vector_load %arg21[%get3A_665, %get3A_666] {strides = array<i32>} : memref<128x128xf32, #tpu.memory_space<vmem>>, vector<1x16xf32>,
      %get3A_668 = vector.shape_cast %get3A_667 : vector<1x16xf32> to vector<16xf32>
      %get3A_669 = arith.index_cast %scan3A_324 : i32 to index
      %get3A_670 = arith.constant 112 : index
      %get3A_671 = tpu.vector_load %arg18[%get3A_669, %get3A_670] {strides = array<i32>} : memref<128x128xf32, #tpu.memory_space<vmem>>, vector<1x16xf32>,
      %get3A_672 = vector.shape_cast %get3A_671 : vector<1x16xf32> to vector<16xf32>
      %get3A_673 = arith.index_cast %scan3A_324 : i32 to index
      %get3A_674 = arith.constant 112 : index
      %get3A_675 = tpu.vector_load %arg24[%get3A_673, %get3A_674] {strides = array<i32>} : memref<128x128xf32, #tpu.memory_space<vmem>>, vector<1x16xf32>,
      %get3A_676 = vector.shape_cast %get3A_675 : vector<1x16xf32> to vector<16xf32>
      %mul3A_677 = arith.mulf %get3A_668, %get3A_672 : vector<16xf32>
      %mul3A_678 = arith.mulf %mul3A_677, %get3A_676 : vector<16xf32>
      %add3A_679 = arith.addf %add3A_658, %mul3A_678 : vector<16xf32>
      %mul3A_680 = arith.mulf %get3A_672, %get3A_672 : vector<16xf32>
      %add3A_681 = arith.addf %add3A_660, %mul3A_680 : vector<16xf32>
      %mul3A_682 = arith.mulf %get3A_676, %get3A_676 : vector<16xf32>
      %add3A_683 = arith.addf %add3A_662, %mul3A_682 : vector<16xf32>
      %mul3A_684 = arith.mulf %get3A_668, %get3A_668 : vector<16xf32>
      %add3A_685 = arith.addf %add3A_664, %mul3A_684 : vector<16xf32>
      %swap3A_686 = arith.index_cast %scan3A_324 : i32 to index
      %swap3A_687 = arith.constant 0 : index
      %swap3A_688 = tpu.vector_load %arg25[%swap3A_686, %swap3A_687] {strides = array<i32>} : memref<128x16xf32, #tpu.memory_space<vmem>>, vector<1x16xf32>,
      %swap3A_689 = vector.shape_cast %swap3A_688 : vector<1x16xf32> to vector<16xf32>
      %swap3A_690 = vector.shape_cast %add3A_679 : vector<16xf32> to vector<1x16xf32>
      tpu.vector_store %arg25[%swap3A_686, %swap3A_687], %swap3A_690 {strides = array<i32>} : memref<128x16xf32, #tpu.memory_space<vmem>>, vector<1x16xf32>,
      scf.yield %add3A_507, %add3A_509, %add3A_681, %add3A_511, %add3A_513, %add3A_683, %add3A_515, %add3A_517, %add3A_685 : vector<16xf32>, vector<16xf32>, vector<16xf32>, vector<16xf32>, vector<16xf32>, vector<16xf32>, vector<16xf32>, vector<16xf32>, vector<16xf32>
    }
    %scan3A_206 = arith.constant 128 : i32
    "tpu.region"() ({
      %run_scoped3A = tpu.sem_alloc : memref<!tpu.dma_semaphore, #tpu.memory_space<semaphore_mem>>
      %dma_start3A_324 = arith.constant 0 : i32
      %dma_start3A_325 = tpu.memref_slice %arg11[%add3A_146, %dma_start3A_324] : memref<16384x16xf32, #tpu.memory_space<hbm>> -> memref<128x16xf32, #tpu.memory_space<hbm>>
      %dma_start3A_326 = arith.constant 0 : i32
      %dma_start3A_327 = tpu.memref_slice %arg11[%add3A_146, %dma_start3A_326] : memref<16384x16xf32, #tpu.memory_space<hbm>> -> memref<128x16xf32, #tpu.memory_space<hbm>>
      tpu.enqueue_dma source(%arg25 : memref<128x16xf32, #tpu.memory_space<vmem>>) target(%dma_start3A_327 : memref<128x16xf32, #tpu.memory_space<hbm>>) target_semaphore(%run_scoped3A : memref<!tpu.dma_semaphore, #tpu.memory_space<semaphore_mem>>)
      %dma_wait3A_328 = arith.constant 0 : i32
      %dma_wait3A_329 = tpu.memref_slice %arg11[%add3A_146, %dma_wait3A_328] : memref<16384x16xf32, #tpu.memory_space<hbm>> -> memref<128x16xf32, #tpu.memory_space<hbm>>
      %dma_wait3A_330 = arith.constant 0 : i32
      %dma_wait3A_331 = tpu.memref_slice %arg11[%add3A_146, %dma_wait3A_330] : memref<16384x16xf32, #tpu.memory_space<hbm>> -> memref<128x16xf32, #tpu.memory_space<hbm>>
      tpu.wait_dma2 semaphore(%run_scoped3A : memref<!tpu.dma_semaphore, #tpu.memory_space<semaphore_mem>>) src(%arg25 : memref<128x16xf32, #tpu.memory_space<vmem>>) dst(%dma_wait3A_331 : memref<128x16xf32, #tpu.memory_space<hbm>>)
      tpu.yield
    }) : () -> ()
    %mul3A_207 = arith.constant 512 : i32
    %mul3A_208 = arith.muli %add3A, %mul3A_207 : i32
    %add3A_209 = arith.constant 384 : i32
    %add3A_210 = arith.addi %mul3A_208, %add3A_209 : i32
    "tpu.region"() ({
      %run_scoped3A = tpu.sem_alloc : memref<!tpu.dma_semaphore, #tpu.memory_space<semaphore_mem>>
      %dma_start3A_324 = tpu.memref_slice %arg2[%add3A_210] : memref<16384xi32, #tpu.memory_space<hbm>> -> memref<128xi32, #tpu.memory_space<hbm>>
      %dma_start3A_325 = tpu.memref_slice %arg2[%add3A_210] : memref<16384xi32, #tpu.memory_space<hbm>> -> memref<128xi32, #tpu.memory_space<hbm>>
      tpu.enqueue_dma source(%dma_start3A_325 : memref<128xi32, #tpu.memory_space<hbm>>) target(%arg13 : memref<128xi32, #tpu.memory_space<vmem>>) target_semaphore(%run_scoped3A : memref<!tpu.dma_semaphore, #tpu.memory_space<semaphore_mem>>)
      %dma_wait3A_326 = tpu.memref_slice %arg2[%add3A_210] : memref<16384xi32, #tpu.memory_space<hbm>> -> memref<128xi32, #tpu.memory_space<hbm>>
      %dma_wait3A_327 = tpu.memref_slice %arg2[%add3A_210] : memref<16384xi32, #tpu.memory_space<hbm>> -> memref<128xi32, #tpu.memory_space<hbm>>
      tpu.wait_dma2 semaphore(%run_scoped3A : memref<!tpu.dma_semaphore, #tpu.memory_space<semaphore_mem>>) src(%dma_wait3A_327 : memref<128xi32, #tpu.memory_space<hbm>>) dst(%arg13 : memref<128xi32, #tpu.memory_space<vmem>>)
      tpu.yield
    }) : () -> ()
    "tpu.region"() ({
      %run_scoped3A = tpu.sem_alloc : memref<!tpu.dma_semaphore, #tpu.memory_space<semaphore_mem>>
      %dma_start3A_324 = tpu.memref_slice %arg3[%add3A_210] : memref<16384xi32, #tpu.memory_space<hbm>> -> memref<128xi32, #tpu.memory_space<hbm>>
      %dma_start3A_325 = tpu.memref_slice %arg3[%add3A_210] : memref<16384xi32, #tpu.memory_space<hbm>> -> memref<128xi32, #tpu.memory_space<hbm>>
      tpu.enqueue_dma source(%dma_start3A_325 : memref<128xi32, #tpu.memory_space<hbm>>) target(%arg14 : memref<128xi32, #tpu.memory_space<vmem>>) target_semaphore(%run_scoped3A : memref<!tpu.dma_semaphore, #tpu.memory_space<semaphore_mem>>)
      %dma_wait3A_326 = tpu.memref_slice %arg3[%add3A_210] : memref<16384xi32, #tpu.memory_space<hbm>> -> memref<128xi32, #tpu.memory_space<hbm>>
      %dma_wait3A_327 = tpu.memref_slice %arg3[%add3A_210] : memref<16384xi32, #tpu.memory_space<hbm>> -> memref<128xi32, #tpu.memory_space<hbm>>
      tpu.wait_dma2 semaphore(%run_scoped3A : memref<!tpu.dma_semaphore, #tpu.memory_space<semaphore_mem>>) src(%dma_wait3A_327 : memref<128xi32, #tpu.memory_space<hbm>>) dst(%arg14 : memref<128xi32, #tpu.memory_space<vmem>>)
      tpu.yield
    }) : () -> ()
    "tpu.region"() ({
      %run_scoped3A = tpu.sem_alloc : memref<!tpu.dma_semaphore, #tpu.memory_space<semaphore_mem>>
      %dma_start3A_324 = tpu.memref_slice %arg4[%add3A_210] : memref<16384xi32, #tpu.memory_space<hbm>> -> memref<128xi32, #tpu.memory_space<hbm>>
      %dma_start3A_325 = tpu.memref_slice %arg4[%add3A_210] : memref<16384xi32, #tpu.memory_space<hbm>> -> memref<128xi32, #tpu.memory_space<hbm>>
      tpu.enqueue_dma source(%dma_start3A_325 : memref<128xi32, #tpu.memory_space<hbm>>) target(%arg15 : memref<128xi32, #tpu.memory_space<vmem>>) target_semaphore(%run_scoped3A : memref<!tpu.dma_semaphore, #tpu.memory_space<semaphore_mem>>)
      %dma_wait3A_326 = tpu.memref_slice %arg4[%add3A_210] : memref<16384xi32, #tpu.memory_space<hbm>> -> memref<128xi32, #tpu.memory_space<hbm>>
      %dma_wait3A_327 = tpu.memref_slice %arg4[%add3A_210] : memref<16384xi32, #tpu.memory_space<hbm>> -> memref<128xi32, #tpu.memory_space<hbm>>
      tpu.wait_dma2 semaphore(%run_scoped3A : memref<!tpu.dma_semaphore, #tpu.memory_space<semaphore_mem>>) src(%dma_wait3A_327 : memref<128xi32, #tpu.memory_space<hbm>>) dst(%arg15 : memref<128xi32, #tpu.memory_space<vmem>>)
      tpu.yield
    }) : () -> ()
    %dma_start3A_211 = arith.constant 0 : i32
    %dma_start3A_212 = arith.constant 0 : i32
    %dma_start3A_213 = tpu.memref_slice %arg5[%dma_start3A_211, %dma_start3A_212] : memref<100000x64xf32, #tpu.memory_space<hbm>> -> memref<100000x64xf32, #tpu.memory_space<hbm>>
    tpu.enqueue_indirect_dma source(%dma_start3A_213 : memref<100000x64xf32, #tpu.memory_space<hbm>>) target(%arg16 : memref<128x64xf32, #tpu.memory_space<vmem>>) offsets(%arg13 : memref<128xi32, #tpu.memory_space<vmem>>) semaphore(%arg27 : memref<!tpu.dma_semaphore, #tpu.memory_space<semaphore_mem>>)
    %dma_start3A_214 = arith.constant 0 : i32
    %dma_start3A_215 = arith.constant 0 : i32
    %dma_start3A_216 = tpu.memref_slice %arg6[%dma_start3A_214, %dma_start3A_215] : memref<100000x64xf32, #tpu.memory_space<hbm>> -> memref<100000x64xf32, #tpu.memory_space<hbm>>
    tpu.enqueue_indirect_dma source(%dma_start3A_216 : memref<100000x64xf32, #tpu.memory_space<hbm>>) target(%arg17 : memref<128x64xf32, #tpu.memory_space<vmem>>) offsets(%arg13 : memref<128xi32, #tpu.memory_space<vmem>>) semaphore(%arg27 : memref<!tpu.dma_semaphore, #tpu.memory_space<semaphore_mem>>)
    %dma_start3A_217 = arith.constant 0 : i32
    %dma_start3A_218 = arith.constant 0 : i32
    %dma_start3A_219 = tpu.memref_slice %arg7[%dma_start3A_217, %dma_start3A_218] : memref<100000x128xf32, #tpu.memory_space<hbm>> -> memref<100000x128xf32, #tpu.memory_space<hbm>>
    tpu.enqueue_indirect_dma source(%dma_start3A_219 : memref<100000x128xf32, #tpu.memory_space<hbm>>) target(%arg18 : memref<128x128xf32, #tpu.memory_space<vmem>>) offsets(%arg13 : memref<128xi32, #tpu.memory_space<vmem>>) semaphore(%arg27 : memref<!tpu.dma_semaphore, #tpu.memory_space<semaphore_mem>>)
    %dma_start3A_220 = arith.constant 0 : i32
    %dma_start3A_221 = arith.constant 0 : i32
    %dma_start3A_222 = tpu.memref_slice %arg8[%dma_start3A_220, %dma_start3A_221] : memref<1000x64xf32, #tpu.memory_space<hbm>> -> memref<1000x64xf32, #tpu.memory_space<hbm>>
    tpu.enqueue_indirect_dma source(%dma_start3A_222 : memref<1000x64xf32, #tpu.memory_space<hbm>>) target(%arg19 : memref<128x64xf32, #tpu.memory_space<vmem>>) offsets(%arg14 : memref<128xi32, #tpu.memory_space<vmem>>) semaphore(%arg27 : memref<!tpu.dma_semaphore, #tpu.memory_space<semaphore_mem>>)
    %dma_start3A_223 = arith.constant 0 : i32
    %dma_start3A_224 = arith.constant 0 : i32
    %dma_start3A_225 = tpu.memref_slice %arg9[%dma_start3A_223, %dma_start3A_224] : memref<1000x64xf32, #tpu.memory_space<hbm>> -> memref<1000x64xf32, #tpu.memory_space<hbm>>
    tpu.enqueue_indirect_dma source(%dma_start3A_225 : memref<1000x64xf32, #tpu.memory_space<hbm>>) target(%arg20 : memref<128x64xf32, #tpu.memory_space<vmem>>) offsets(%arg14 : memref<128xi32, #tpu.memory_space<vmem>>) semaphore(%arg27 : memref<!tpu.dma_semaphore, #tpu.memory_space<semaphore_mem>>)
    %dma_start3A_226 = arith.constant 0 : i32
    %dma_start3A_227 = arith.constant 0 : i32
    %dma_start3A_228 = tpu.memref_slice %arg10[%dma_start3A_226, %dma_start3A_227] : memref<1000x128xf32, #tpu.memory_space<hbm>> -> memref<1000x128xf32, #tpu.memory_space<hbm>>
    tpu.enqueue_indirect_dma source(%dma_start3A_228 : memref<1000x128xf32, #tpu.memory_space<hbm>>) target(%arg21 : memref<128x128xf32, #tpu.memory_space<vmem>>) offsets(%arg14 : memref<128xi32, #tpu.memory_space<vmem>>) semaphore(%arg27 : memref<!tpu.dma_semaphore, #tpu.memory_space<semaphore_mem>>)
    %dma_start3A_229 = arith.constant 0 : i32
    %dma_start3A_230 = arith.constant 0 : i32
    %dma_start3A_231 = tpu.memref_slice %arg5[%dma_start3A_229, %dma_start3A_230] : memref<100000x64xf32, #tpu.memory_space<hbm>> -> memref<100000x64xf32, #tpu.memory_space<hbm>>
    tpu.enqueue_indirect_dma source(%dma_start3A_231 : memref<100000x64xf32, #tpu.memory_space<hbm>>) target(%arg22 : memref<128x64xf32, #tpu.memory_space<vmem>>) offsets(%arg15 : memref<128xi32, #tpu.memory_space<vmem>>) semaphore(%arg27 : memref<!tpu.dma_semaphore, #tpu.memory_space<semaphore_mem>>)
    %dma_start3A_232 = arith.constant 0 : i32
    %dma_start3A_233 = arith.constant 0 : i32
    %dma_start3A_234 = tpu.memref_slice %arg6[%dma_start3A_232, %dma_start3A_233] : memref<100000x64xf32, #tpu.memory_space<hbm>> -> memref<100000x64xf32, #tpu.memory_space<hbm>>
    tpu.enqueue_indirect_dma source(%dma_start3A_234 : memref<100000x64xf32, #tpu.memory_space<hbm>>) target(%arg23 : memref<128x64xf32, #tpu.memory_space<vmem>>) offsets(%arg15 : memref<128xi32, #tpu.memory_space<vmem>>) semaphore(%arg27 : memref<!tpu.dma_semaphore, #tpu.memory_space<semaphore_mem>>)
    %dma_start3A_235 = arith.constant 0 : i32
    %dma_start3A_236 = arith.constant 0 : i32
    %dma_start3A_237 = tpu.memref_slice %arg7[%dma_start3A_235, %dma_start3A_236] : memref<100000x128xf32, #tpu.memory_space<hbm>> -> memref<100000x128xf32, #tpu.memory_space<hbm>>
    tpu.enqueue_indirect_dma source(%dma_start3A_237 : memref<100000x128xf32, #tpu.memory_space<hbm>>) target(%arg24 : memref<128x128xf32, #tpu.memory_space<vmem>>) offsets(%arg15 : memref<128xi32, #tpu.memory_space<vmem>>) semaphore(%arg27 : memref<!tpu.dma_semaphore, #tpu.memory_space<semaphore_mem>>)
    %dma_wait3A_238 = arith.constant 0 : i32
    %dma_wait3A_239 = arith.constant 0 : i32
    %dma_wait3A_240 = tpu.memref_slice %arg5[%dma_wait3A_238, %dma_wait3A_239] : memref<100000x64xf32, #tpu.memory_space<hbm>> -> memref<100000x64xf32, #tpu.memory_space<hbm>>
    tpu.wait_indirect_dma semaphore(%arg27 : memref<!tpu.dma_semaphore, #tpu.memory_space<semaphore_mem>>) src(%dma_wait3A_240 : memref<100000x64xf32, #tpu.memory_space<hbm>>) dst(%arg16 : memref<128x64xf32, #tpu.memory_space<vmem>>)
    %dma_wait3A_241 = arith.constant 0 : i32
    %dma_wait3A_242 = arith.constant 0 : i32
    %dma_wait3A_243 = tpu.memref_slice %arg6[%dma_wait3A_241, %dma_wait3A_242] : memref<100000x64xf32, #tpu.memory_space<hbm>> -> memref<100000x64xf32, #tpu.memory_space<hbm>>
    tpu.wait_indirect_dma semaphore(%arg27 : memref<!tpu.dma_semaphore, #tpu.memory_space<semaphore_mem>>) src(%dma_wait3A_243 : memref<100000x64xf32, #tpu.memory_space<hbm>>) dst(%arg17 : memref<128x64xf32, #tpu.memory_space<vmem>>)
    %dma_wait3A_244 = arith.constant 0 : i32
    %dma_wait3A_245 = arith.constant 0 : i32
    %dma_wait3A_246 = tpu.memref_slice %arg7[%dma_wait3A_244, %dma_wait3A_245] : memref<100000x128xf32, #tpu.memory_space<hbm>> -> memref<100000x128xf32, #tpu.memory_space<hbm>>
    tpu.wait_indirect_dma semaphore(%arg27 : memref<!tpu.dma_semaphore, #tpu.memory_space<semaphore_mem>>) src(%dma_wait3A_246 : memref<100000x128xf32, #tpu.memory_space<hbm>>) dst(%arg18 : memref<128x128xf32, #tpu.memory_space<vmem>>)
    %dma_wait3A_247 = arith.constant 0 : i32
    %dma_wait3A_248 = arith.constant 0 : i32
    %dma_wait3A_249 = tpu.memref_slice %arg8[%dma_wait3A_247, %dma_wait3A_248] : memref<1000x64xf32, #tpu.memory_space<hbm>> -> memref<1000x64xf32, #tpu.memory_space<hbm>>
    tpu.wait_indirect_dma semaphore(%arg27 : memref<!tpu.dma_semaphore, #tpu.memory_space<semaphore_mem>>) src(%dma_wait3A_249 : memref<1000x64xf32, #tpu.memory_space<hbm>>) dst(%arg19 : memref<128x64xf32, #tpu.memory_space<vmem>>)
    %dma_wait3A_250 = arith.constant 0 : i32
    %dma_wait3A_251 = arith.constant 0 : i32
    %dma_wait3A_252 = tpu.memref_slice %arg9[%dma_wait3A_250, %dma_wait3A_251] : memref<1000x64xf32, #tpu.memory_space<hbm>> -> memref<1000x64xf32, #tpu.memory_space<hbm>>
    tpu.wait_indirect_dma semaphore(%arg27 : memref<!tpu.dma_semaphore, #tpu.memory_space<semaphore_mem>>) src(%dma_wait3A_252 : memref<1000x64xf32, #tpu.memory_space<hbm>>) dst(%arg20 : memref<128x64xf32, #tpu.memory_space<vmem>>)
    %dma_wait3A_253 = arith.constant 0 : i32
    %dma_wait3A_254 = arith.constant 0 : i32
    %dma_wait3A_255 = tpu.memref_slice %arg10[%dma_wait3A_253, %dma_wait3A_254] : memref<1000x128xf32, #tpu.memory_space<hbm>> -> memref<1000x128xf32, #tpu.memory_space<hbm>>
    tpu.wait_indirect_dma semaphore(%arg27 : memref<!tpu.dma_semaphore, #tpu.memory_space<semaphore_mem>>) src(%dma_wait3A_255 : memref<1000x128xf32, #tpu.memory_space<hbm>>) dst(%arg21 : memref<128x128xf32, #tpu.memory_space<vmem>>)
    %dma_wait3A_256 = arith.constant 0 : i32
    %dma_wait3A_257 = arith.constant 0 : i32
    %dma_wait3A_258 = tpu.memref_slice %arg5[%dma_wait3A_256, %dma_wait3A_257] : memref<100000x64xf32, #tpu.memory_space<hbm>> -> memref<100000x64xf32, #tpu.memory_space<hbm>>
    tpu.wait_indirect_dma semaphore(%arg27 : memref<!tpu.dma_semaphore, #tpu.memory_space<semaphore_mem>>) src(%dma_wait3A_258 : memref<100000x64xf32, #tpu.memory_space<hbm>>) dst(%arg22 : memref<128x64xf32, #tpu.memory_space<vmem>>)
    %dma_wait3A_259 = arith.constant 0 : i32
    %dma_wait3A_260 = arith.constant 0 : i32
    %dma_wait3A_261 = tpu.memref_slice %arg6[%dma_wait3A_259, %dma_wait3A_260] : memref<100000x64xf32, #tpu.memory_space<hbm>> -> memref<100000x64xf32, #tpu.memory_space<hbm>>
    tpu.wait_indirect_dma semaphore(%arg27 : memref<!tpu.dma_semaphore, #tpu.memory_space<semaphore_mem>>) src(%dma_wait3A_261 : memref<100000x64xf32, #tpu.memory_space<hbm>>) dst(%arg23 : memref<128x64xf32, #tpu.memory_space<vmem>>)
    %dma_wait3A_262 = arith.constant 0 : i32
    %dma_wait3A_263 = arith.constant 0 : i32
    %dma_wait3A_264 = tpu.memref_slice %arg7[%dma_wait3A_262, %dma_wait3A_263] : memref<100000x128xf32, #tpu.memory_space<hbm>> -> memref<100000x128xf32, #tpu.memory_space<hbm>>
    tpu.wait_indirect_dma semaphore(%arg27 : memref<!tpu.dma_semaphore, #tpu.memory_space<semaphore_mem>>) src(%dma_wait3A_264 : memref<100000x128xf32, #tpu.memory_space<hbm>>) dst(%arg24 : memref<128x128xf32, #tpu.memory_space<vmem>>)
    %scan3A_265 = arith.constant 0 : i32
    %scan3A_266 = arith.constant 128 : i32
    %scan3A_267 = arith.addi %scan3A_265, %scan3A_266 : i32
    %scan3A_268 = arith.constant 1 : i32
    %scan3A_269:9 = scf.for %scan3A_324 = %scan3A_265 to %scan3A_267 step %scan3A_268 iter_args(%scan3A_325 = %scan3A_205#0, %scan3A_326 = %scan3A_205#1, %scan3A_327 = %scan3A_205#2, %scan3A_328 = %scan3A_205#3, %scan3A_329 = %scan3A_205#4, %scan3A_330 = %scan3A_205#5, %scan3A_331 = %scan3A_205#6, %scan3A_332 = %scan3A_205#7, %scan3A_333 = %scan3A_205#8) -> (vector<16xf32>, vector<16xf32>, vector<16xf32>, vector<16xf32>, vector<16xf32>, vector<16xf32>, vector<16xf32>, vector<16xf32>, vector<16xf32>)  : i32 {
      %broadcast_in_dim3A_334 = arith.constant 0.000000e+00 : f32
      %broadcast_in_dim3A_335 = vector.broadcast %broadcast_in_dim3A_334 : f32 to vector<16xf32>
      %get3A = arith.index_cast %scan3A_324 : i32 to index
      %get3A_336 = arith.constant 0 : index
      %get3A_337 = tpu.vector_load %arg19[%get3A, %get3A_336] {strides = array<i32>} : memref<128x64xf32, #tpu.memory_space<vmem>>, vector<1x16xf32>,
      %get3A_338 = vector.shape_cast %get3A_337 : vector<1x16xf32> to vector<16xf32>
      %get3A_339 = arith.index_cast %scan3A_324 : i32 to index
      %get3A_340 = arith.constant 0 : index
      %get3A_341 = tpu.vector_load %arg20[%get3A_339, %get3A_340] {strides = array<i32>} : memref<128x64xf32, #tpu.memory_space<vmem>>, vector<1x16xf32>,
      %get3A_342 = vector.shape_cast %get3A_341 : vector<1x16xf32> to vector<16xf32>
      %get3A_343 = arith.index_cast %scan3A_324 : i32 to index
      %get3A_344 = arith.constant 0 : index
      %get3A_345 = tpu.vector_load %arg16[%get3A_343, %get3A_344] {strides = array<i32>} : memref<128x64xf32, #tpu.memory_space<vmem>>, vector<1x16xf32>,
      %get3A_346 = vector.shape_cast %get3A_345 : vector<1x16xf32> to vector<16xf32>
      %get3A_347 = arith.index_cast %scan3A_324 : i32 to index
      %get3A_348 = arith.constant 0 : index
      %get3A_349 = tpu.vector_load %arg17[%get3A_347, %get3A_348] {strides = array<i32>} : memref<128x64xf32, #tpu.memory_space<vmem>>, vector<1x16xf32>,
      %get3A_350 = vector.shape_cast %get3A_349 : vector<1x16xf32> to vector<16xf32>
      %get3A_351 = arith.index_cast %scan3A_324 : i32 to index
      %get3A_352 = arith.constant 0 : index
      %get3A_353 = tpu.vector_load %arg22[%get3A_351, %get3A_352] {strides = array<i32>} : memref<128x64xf32, #tpu.memory_space<vmem>>, vector<1x16xf32>,
      %get3A_354 = vector.shape_cast %get3A_353 : vector<1x16xf32> to vector<16xf32>
      %get3A_355 = arith.index_cast %scan3A_324 : i32 to index
      %get3A_356 = arith.constant 0 : index
      %get3A_357 = tpu.vector_load %arg23[%get3A_355, %get3A_356] {strides = array<i32>} : memref<128x64xf32, #tpu.memory_space<vmem>>, vector<1x16xf32>,
      %get3A_358 = vector.shape_cast %get3A_357 : vector<1x16xf32> to vector<16xf32>
      %mul3A_359 = arith.mulf %get3A_338, %get3A_346 : vector<16xf32>
      %mul3A_360 = arith.mulf %get3A_342, %get3A_350 : vector<16xf32>
      %sub3A = arith.subf %mul3A_359, %mul3A_360 : vector<16xf32>
      %mul3A_361 = arith.mulf %get3A_338, %get3A_350 : vector<16xf32>
      %mul3A_362 = arith.mulf %get3A_342, %get3A_346 : vector<16xf32>
      %add3A_363 = arith.addf %mul3A_361, %mul3A_362 : vector<16xf32>
      %mul3A_364 = arith.mulf %sub3A, %get3A_354 : vector<16xf32>
      %add3A_365 = arith.addf %broadcast_in_dim3A_335, %mul3A_364 : vector<16xf32>
      %mul3A_366 = arith.mulf %add3A_363, %get3A_358 : vector<16xf32>
      %add3A_367 = arith.addf %add3A_365, %mul3A_366 : vector<16xf32>
      %mul3A_368 = arith.mulf %get3A_346, %get3A_346 : vector<16xf32>
      %add3A_369 = arith.addf %scan3A_325, %mul3A_368 : vector<16xf32>
      %mul3A_370 = arith.mulf %get3A_350, %get3A_350 : vector<16xf32>
      %add3A_371 = arith.addf %scan3A_326, %mul3A_370 : vector<16xf32>
      %mul3A_372 = arith.mulf %get3A_354, %get3A_354 : vector<16xf32>
      %add3A_373 = arith.addf %scan3A_328, %mul3A_372 : vector<16xf32>
      %mul3A_374 = arith.mulf %get3A_358, %get3A_358 : vector<16xf32>
      %add3A_375 = arith.addf %scan3A_329, %mul3A_374 : vector<16xf32>
      %mul3A_376 = arith.mulf %get3A_338, %get3A_338 : vector<16xf32>
      %add3A_377 = arith.addf %scan3A_331, %mul3A_376 : vector<16xf32>
      %mul3A_378 = arith.mulf %get3A_342, %get3A_342 : vector<16xf32>
      %add3A_379 = arith.addf %scan3A_332, %mul3A_378 : vector<16xf32>
      %get3A_380 = arith.index_cast %scan3A_324 : i32 to index
      %get3A_381 = arith.constant 16 : index
      %get3A_382 = tpu.vector_load %arg19[%get3A_380, %get3A_381] {strides = array<i32>} : memref<128x64xf32, #tpu.memory_space<vmem>>, vector<1x16xf32>,
      %get3A_383 = vector.shape_cast %get3A_382 : vector<1x16xf32> to vector<16xf32>
      %get3A_384 = arith.index_cast %scan3A_324 : i32 to index
      %get3A_385 = arith.constant 16 : index
      %get3A_386 = tpu.vector_load %arg20[%get3A_384, %get3A_385] {strides = array<i32>} : memref<128x64xf32, #tpu.memory_space<vmem>>, vector<1x16xf32>,
      %get3A_387 = vector.shape_cast %get3A_386 : vector<1x16xf32> to vector<16xf32>
      %get3A_388 = arith.index_cast %scan3A_324 : i32 to index
      %get3A_389 = arith.constant 16 : index
      %get3A_390 = tpu.vector_load %arg16[%get3A_388, %get3A_389] {strides = array<i32>} : memref<128x64xf32, #tpu.memory_space<vmem>>, vector<1x16xf32>,
      %get3A_391 = vector.shape_cast %get3A_390 : vector<1x16xf32> to vector<16xf32>
      %get3A_392 = arith.index_cast %scan3A_324 : i32 to index
      %get3A_393 = arith.constant 16 : index
      %get3A_394 = tpu.vector_load %arg17[%get3A_392, %get3A_393] {strides = array<i32>} : memref<128x64xf32, #tpu.memory_space<vmem>>, vector<1x16xf32>,
      %get3A_395 = vector.shape_cast %get3A_394 : vector<1x16xf32> to vector<16xf32>
      %get3A_396 = arith.index_cast %scan3A_324 : i32 to index
      %get3A_397 = arith.constant 16 : index
      %get3A_398 = tpu.vector_load %arg22[%get3A_396, %get3A_397] {strides = array<i32>} : memref<128x64xf32, #tpu.memory_space<vmem>>, vector<1x16xf32>,
      %get3A_399 = vector.shape_cast %get3A_398 : vector<1x16xf32> to vector<16xf32>
      %get3A_400 = arith.index_cast %scan3A_324 : i32 to index
      %get3A_401 = arith.constant 16 : index
      %get3A_402 = tpu.vector_load %arg23[%get3A_400, %get3A_401] {strides = array<i32>} : memref<128x64xf32, #tpu.memory_space<vmem>>, vector<1x16xf32>,
      %get3A_403 = vector.shape_cast %get3A_402 : vector<1x16xf32> to vector<16xf32>
      %mul3A_404 = arith.mulf %get3A_383, %get3A_391 : vector<16xf32>
      %mul3A_405 = arith.mulf %get3A_387, %get3A_395 : vector<16xf32>
      %sub3A_406 = arith.subf %mul3A_404, %mul3A_405 : vector<16xf32>
      %mul3A_407 = arith.mulf %get3A_383, %get3A_395 : vector<16xf32>
      %mul3A_408 = arith.mulf %get3A_387, %get3A_391 : vector<16xf32>
      %add3A_409 = arith.addf %mul3A_407, %mul3A_408 : vector<16xf32>
      %mul3A_410 = arith.mulf %sub3A_406, %get3A_399 : vector<16xf32>
      %add3A_411 = arith.addf %add3A_367, %mul3A_410 : vector<16xf32>
      %mul3A_412 = arith.mulf %add3A_409, %get3A_403 : vector<16xf32>
      %add3A_413 = arith.addf %add3A_411, %mul3A_412 : vector<16xf32>
      %mul3A_414 = arith.mulf %get3A_391, %get3A_391 : vector<16xf32>
      %add3A_415 = arith.addf %add3A_369, %mul3A_414 : vector<16xf32>
      %mul3A_416 = arith.mulf %get3A_395, %get3A_395 : vector<16xf32>
      %add3A_417 = arith.addf %add3A_371, %mul3A_416 : vector<16xf32>
      %mul3A_418 = arith.mulf %get3A_399, %get3A_399 : vector<16xf32>
      %add3A_419 = arith.addf %add3A_373, %mul3A_418 : vector<16xf32>
      %mul3A_420 = arith.mulf %get3A_403, %get3A_403 : vector<16xf32>
      %add3A_421 = arith.addf %add3A_375, %mul3A_420 : vector<16xf32>
      %mul3A_422 = arith.mulf %get3A_383, %get3A_383 : vector<16xf32>
      %add3A_423 = arith.addf %add3A_377, %mul3A_422 : vector<16xf32>
      %mul3A_424 = arith.mulf %get3A_387, %get3A_387 : vector<16xf32>
      %add3A_425 = arith.addf %add3A_379, %mul3A_424 : vector<16xf32>
      %get3A_426 = arith.index_cast %scan3A_324 : i32 to index
      %get3A_427 = arith.constant 32 : index
      %get3A_428 = tpu.vector_load %arg19[%get3A_426, %get3A_427] {strides = array<i32>} : memref<128x64xf32, #tpu.memory_space<vmem>>, vector<1x16xf32>,
      %get3A_429 = vector.shape_cast %get3A_428 : vector<1x16xf32> to vector<16xf32>
      %get3A_430 = arith.index_cast %scan3A_324 : i32 to index
      %get3A_431 = arith.constant 32 : index
      %get3A_432 = tpu.vector_load %arg20[%get3A_430, %get3A_431] {strides = array<i32>} : memref<128x64xf32, #tpu.memory_space<vmem>>, vector<1x16xf32>,
      %get3A_433 = vector.shape_cast %get3A_432 : vector<1x16xf32> to vector<16xf32>
      %get3A_434 = arith.index_cast %scan3A_324 : i32 to index
      %get3A_435 = arith.constant 32 : index
      %get3A_436 = tpu.vector_load %arg16[%get3A_434, %get3A_435] {strides = array<i32>} : memref<128x64xf32, #tpu.memory_space<vmem>>, vector<1x16xf32>,
      %get3A_437 = vector.shape_cast %get3A_436 : vector<1x16xf32> to vector<16xf32>
      %get3A_438 = arith.index_cast %scan3A_324 : i32 to index
      %get3A_439 = arith.constant 32 : index
      %get3A_440 = tpu.vector_load %arg17[%get3A_438, %get3A_439] {strides = array<i32>} : memref<128x64xf32, #tpu.memory_space<vmem>>, vector<1x16xf32>,
      %get3A_441 = vector.shape_cast %get3A_440 : vector<1x16xf32> to vector<16xf32>
      %get3A_442 = arith.index_cast %scan3A_324 : i32 to index
      %get3A_443 = arith.constant 32 : index
      %get3A_444 = tpu.vector_load %arg22[%get3A_442, %get3A_443] {strides = array<i32>} : memref<128x64xf32, #tpu.memory_space<vmem>>, vector<1x16xf32>,
      %get3A_445 = vector.shape_cast %get3A_444 : vector<1x16xf32> to vector<16xf32>
      %get3A_446 = arith.index_cast %scan3A_324 : i32 to index
      %get3A_447 = arith.constant 32 : index
      %get3A_448 = tpu.vector_load %arg23[%get3A_446, %get3A_447] {strides = array<i32>} : memref<128x64xf32, #tpu.memory_space<vmem>>, vector<1x16xf32>,
      %get3A_449 = vector.shape_cast %get3A_448 : vector<1x16xf32> to vector<16xf32>
      %mul3A_450 = arith.mulf %get3A_429, %get3A_437 : vector<16xf32>
      %mul3A_451 = arith.mulf %get3A_433, %get3A_441 : vector<16xf32>
      %sub3A_452 = arith.subf %mul3A_450, %mul3A_451 : vector<16xf32>
      %mul3A_453 = arith.mulf %get3A_429, %get3A_441 : vector<16xf32>
      %mul3A_454 = arith.mulf %get3A_433, %get3A_437 : vector<16xf32>
      %add3A_455 = arith.addf %mul3A_453, %mul3A_454 : vector<16xf32>
      %mul3A_456 = arith.mulf %sub3A_452, %get3A_445 : vector<16xf32>
      %add3A_457 = arith.addf %add3A_413, %mul3A_456 : vector<16xf32>
      %mul3A_458 = arith.mulf %add3A_455, %get3A_449 : vector<16xf32>
      %add3A_459 = arith.addf %add3A_457, %mul3A_458 : vector<16xf32>
      %mul3A_460 = arith.mulf %get3A_437, %get3A_437 : vector<16xf32>
      %add3A_461 = arith.addf %add3A_415, %mul3A_460 : vector<16xf32>
      %mul3A_462 = arith.mulf %get3A_441, %get3A_441 : vector<16xf32>
      %add3A_463 = arith.addf %add3A_417, %mul3A_462 : vector<16xf32>
      %mul3A_464 = arith.mulf %get3A_445, %get3A_445 : vector<16xf32>
      %add3A_465 = arith.addf %add3A_419, %mul3A_464 : vector<16xf32>
      %mul3A_466 = arith.mulf %get3A_449, %get3A_449 : vector<16xf32>
      %add3A_467 = arith.addf %add3A_421, %mul3A_466 : vector<16xf32>
      %mul3A_468 = arith.mulf %get3A_429, %get3A_429 : vector<16xf32>
      %add3A_469 = arith.addf %add3A_423, %mul3A_468 : vector<16xf32>
      %mul3A_470 = arith.mulf %get3A_433, %get3A_433 : vector<16xf32>
      %add3A_471 = arith.addf %add3A_425, %mul3A_470 : vector<16xf32>
      %get3A_472 = arith.index_cast %scan3A_324 : i32 to index
      %get3A_473 = arith.constant 48 : index
      %get3A_474 = tpu.vector_load %arg19[%get3A_472, %get3A_473] {strides = array<i32>} : memref<128x64xf32, #tpu.memory_space<vmem>>, vector<1x16xf32>,
      %get3A_475 = vector.shape_cast %get3A_474 : vector<1x16xf32> to vector<16xf32>
      %get3A_476 = arith.index_cast %scan3A_324 : i32 to index
      %get3A_477 = arith.constant 48 : index
      %get3A_478 = tpu.vector_load %arg20[%get3A_476, %get3A_477] {strides = array<i32>} : memref<128x64xf32, #tpu.memory_space<vmem>>, vector<1x16xf32>,
      %get3A_479 = vector.shape_cast %get3A_478 : vector<1x16xf32> to vector<16xf32>
      %get3A_480 = arith.index_cast %scan3A_324 : i32 to index
      %get3A_481 = arith.constant 48 : index
      %get3A_482 = tpu.vector_load %arg16[%get3A_480, %get3A_481] {strides = array<i32>} : memref<128x64xf32, #tpu.memory_space<vmem>>, vector<1x16xf32>,
      %get3A_483 = vector.shape_cast %get3A_482 : vector<1x16xf32> to vector<16xf32>
      %get3A_484 = arith.index_cast %scan3A_324 : i32 to index
      %get3A_485 = arith.constant 48 : index
      %get3A_486 = tpu.vector_load %arg17[%get3A_484, %get3A_485] {strides = array<i32>} : memref<128x64xf32, #tpu.memory_space<vmem>>, vector<1x16xf32>,
      %get3A_487 = vector.shape_cast %get3A_486 : vector<1x16xf32> to vector<16xf32>
      %get3A_488 = arith.index_cast %scan3A_324 : i32 to index
      %get3A_489 = arith.constant 48 : index
      %get3A_490 = tpu.vector_load %arg22[%get3A_488, %get3A_489] {strides = array<i32>} : memref<128x64xf32, #tpu.memory_space<vmem>>, vector<1x16xf32>,
      %get3A_491 = vector.shape_cast %get3A_490 : vector<1x16xf32> to vector<16xf32>
      %get3A_492 = arith.index_cast %scan3A_324 : i32 to index
      %get3A_493 = arith.constant 48 : index
      %get3A_494 = tpu.vector_load %arg23[%get3A_492, %get3A_493] {strides = array<i32>} : memref<128x64xf32, #tpu.memory_space<vmem>>, vector<1x16xf32>,
      %get3A_495 = vector.shape_cast %get3A_494 : vector<1x16xf32> to vector<16xf32>
      %mul3A_496 = arith.mulf %get3A_475, %get3A_483 : vector<16xf32>
      %mul3A_497 = arith.mulf %get3A_479, %get3A_487 : vector<16xf32>
      %sub3A_498 = arith.subf %mul3A_496, %mul3A_497 : vector<16xf32>
      %mul3A_499 = arith.mulf %get3A_475, %get3A_487 : vector<16xf32>
      %mul3A_500 = arith.mulf %get3A_479, %get3A_483 : vector<16xf32>
      %add3A_501 = arith.addf %mul3A_499, %mul3A_500 : vector<16xf32>
      %mul3A_502 = arith.mulf %sub3A_498, %get3A_491 : vector<16xf32>
      %add3A_503 = arith.addf %add3A_459, %mul3A_502 : vector<16xf32>
      %mul3A_504 = arith.mulf %add3A_501, %get3A_495 : vector<16xf32>
      %add3A_505 = arith.addf %add3A_503, %mul3A_504 : vector<16xf32>
      %mul3A_506 = arith.mulf %get3A_483, %get3A_483 : vector<16xf32>
      %add3A_507 = arith.addf %add3A_461, %mul3A_506 : vector<16xf32>
      %mul3A_508 = arith.mulf %get3A_487, %get3A_487 : vector<16xf32>
      %add3A_509 = arith.addf %add3A_463, %mul3A_508 : vector<16xf32>
      %mul3A_510 = arith.mulf %get3A_491, %get3A_491 : vector<16xf32>
      %add3A_511 = arith.addf %add3A_465, %mul3A_510 : vector<16xf32>
      %mul3A_512 = arith.mulf %get3A_495, %get3A_495 : vector<16xf32>
      %add3A_513 = arith.addf %add3A_467, %mul3A_512 : vector<16xf32>
      %mul3A_514 = arith.mulf %get3A_475, %get3A_475 : vector<16xf32>
      %add3A_515 = arith.addf %add3A_469, %mul3A_514 : vector<16xf32>
      %mul3A_516 = arith.mulf %get3A_479, %get3A_479 : vector<16xf32>
      %add3A_517 = arith.addf %add3A_471, %mul3A_516 : vector<16xf32>
      %get3A_518 = arith.index_cast %scan3A_324 : i32 to index
      %get3A_519 = arith.constant 0 : index
      %get3A_520 = tpu.vector_load %arg21[%get3A_518, %get3A_519] {strides = array<i32>} : memref<128x128xf32, #tpu.memory_space<vmem>>, vector<1x16xf32>,
      %get3A_521 = vector.shape_cast %get3A_520 : vector<1x16xf32> to vector<16xf32>
      %get3A_522 = arith.index_cast %scan3A_324 : i32 to index
      %get3A_523 = arith.constant 0 : index
      %get3A_524 = tpu.vector_load %arg18[%get3A_522, %get3A_523] {strides = array<i32>} : memref<128x128xf32, #tpu.memory_space<vmem>>, vector<1x16xf32>,
      %get3A_525 = vector.shape_cast %get3A_524 : vector<1x16xf32> to vector<16xf32>
      %get3A_526 = arith.index_cast %scan3A_324 : i32 to index
      %get3A_527 = arith.constant 0 : index
      %get3A_528 = tpu.vector_load %arg24[%get3A_526, %get3A_527] {strides = array<i32>} : memref<128x128xf32, #tpu.memory_space<vmem>>, vector<1x16xf32>,
      %get3A_529 = vector.shape_cast %get3A_528 : vector<1x16xf32> to vector<16xf32>
      %mul3A_530 = arith.mulf %get3A_521, %get3A_525 : vector<16xf32>
      %mul3A_531 = arith.mulf %mul3A_530, %get3A_529 : vector<16xf32>
      %add3A_532 = arith.addf %add3A_505, %mul3A_531 : vector<16xf32>
      %mul3A_533 = arith.mulf %get3A_525, %get3A_525 : vector<16xf32>
      %add3A_534 = arith.addf %scan3A_327, %mul3A_533 : vector<16xf32>
      %mul3A_535 = arith.mulf %get3A_529, %get3A_529 : vector<16xf32>
      %add3A_536 = arith.addf %scan3A_330, %mul3A_535 : vector<16xf32>
      %mul3A_537 = arith.mulf %get3A_521, %get3A_521 : vector<16xf32>
      %add3A_538 = arith.addf %scan3A_333, %mul3A_537 : vector<16xf32>
      %get3A_539 = arith.index_cast %scan3A_324 : i32 to index
      %get3A_540 = arith.constant 16 : index
      %get3A_541 = tpu.vector_load %arg21[%get3A_539, %get3A_540] {strides = array<i32>} : memref<128x128xf32, #tpu.memory_space<vmem>>, vector<1x16xf32>,
      %get3A_542 = vector.shape_cast %get3A_541 : vector<1x16xf32> to vector<16xf32>
      %get3A_543 = arith.index_cast %scan3A_324 : i32 to index
      %get3A_544 = arith.constant 16 : index
      %get3A_545 = tpu.vector_load %arg18[%get3A_543, %get3A_544] {strides = array<i32>} : memref<128x128xf32, #tpu.memory_space<vmem>>, vector<1x16xf32>,
      %get3A_546 = vector.shape_cast %get3A_545 : vector<1x16xf32> to vector<16xf32>
      %get3A_547 = arith.index_cast %scan3A_324 : i32 to index
      %get3A_548 = arith.constant 16 : index
      %get3A_549 = tpu.vector_load %arg24[%get3A_547, %get3A_548] {strides = array<i32>} : memref<128x128xf32, #tpu.memory_space<vmem>>, vector<1x16xf32>,
      %get3A_550 = vector.shape_cast %get3A_549 : vector<1x16xf32> to vector<16xf32>
      %mul3A_551 = arith.mulf %get3A_542, %get3A_546 : vector<16xf32>
      %mul3A_552 = arith.mulf %mul3A_551, %get3A_550 : vector<16xf32>
      %add3A_553 = arith.addf %add3A_532, %mul3A_552 : vector<16xf32>
      %mul3A_554 = arith.mulf %get3A_546, %get3A_546 : vector<16xf32>
      %add3A_555 = arith.addf %add3A_534, %mul3A_554 : vector<16xf32>
      %mul3A_556 = arith.mulf %get3A_550, %get3A_550 : vector<16xf32>
      %add3A_557 = arith.addf %add3A_536, %mul3A_556 : vector<16xf32>
      %mul3A_558 = arith.mulf %get3A_542, %get3A_542 : vector<16xf32>
      %add3A_559 = arith.addf %add3A_538, %mul3A_558 : vector<16xf32>
      %get3A_560 = arith.index_cast %scan3A_324 : i32 to index
      %get3A_561 = arith.constant 32 : index
      %get3A_562 = tpu.vector_load %arg21[%get3A_560, %get3A_561] {strides = array<i32>} : memref<128x128xf32, #tpu.memory_space<vmem>>, vector<1x16xf32>,
      %get3A_563 = vector.shape_cast %get3A_562 : vector<1x16xf32> to vector<16xf32>
      %get3A_564 = arith.index_cast %scan3A_324 : i32 to index
      %get3A_565 = arith.constant 32 : index
      %get3A_566 = tpu.vector_load %arg18[%get3A_564, %get3A_565] {strides = array<i32>} : memref<128x128xf32, #tpu.memory_space<vmem>>, vector<1x16xf32>,
      %get3A_567 = vector.shape_cast %get3A_566 : vector<1x16xf32> to vector<16xf32>
      %get3A_568 = arith.index_cast %scan3A_324 : i32 to index
      %get3A_569 = arith.constant 32 : index
      %get3A_570 = tpu.vector_load %arg24[%get3A_568, %get3A_569] {strides = array<i32>} : memref<128x128xf32, #tpu.memory_space<vmem>>, vector<1x16xf32>,
      %get3A_571 = vector.shape_cast %get3A_570 : vector<1x16xf32> to vector<16xf32>
      %mul3A_572 = arith.mulf %get3A_563, %get3A_567 : vector<16xf32>
      %mul3A_573 = arith.mulf %mul3A_572, %get3A_571 : vector<16xf32>
      %add3A_574 = arith.addf %add3A_553, %mul3A_573 : vector<16xf32>
      %mul3A_575 = arith.mulf %get3A_567, %get3A_567 : vector<16xf32>
      %add3A_576 = arith.addf %add3A_555, %mul3A_575 : vector<16xf32>
      %mul3A_577 = arith.mulf %get3A_571, %get3A_571 : vector<16xf32>
      %add3A_578 = arith.addf %add3A_557, %mul3A_577 : vector<16xf32>
      %mul3A_579 = arith.mulf %get3A_563, %get3A_563 : vector<16xf32>
      %add3A_580 = arith.addf %add3A_559, %mul3A_579 : vector<16xf32>
      %get3A_581 = arith.index_cast %scan3A_324 : i32 to index
      %get3A_582 = arith.constant 48 : index
      %get3A_583 = tpu.vector_load %arg21[%get3A_581, %get3A_582] {strides = array<i32>} : memref<128x128xf32, #tpu.memory_space<vmem>>, vector<1x16xf32>,
      %get3A_584 = vector.shape_cast %get3A_583 : vector<1x16xf32> to vector<16xf32>
      %get3A_585 = arith.index_cast %scan3A_324 : i32 to index
      %get3A_586 = arith.constant 48 : index
      %get3A_587 = tpu.vector_load %arg18[%get3A_585, %get3A_586] {strides = array<i32>} : memref<128x128xf32, #tpu.memory_space<vmem>>, vector<1x16xf32>,
      %get3A_588 = vector.shape_cast %get3A_587 : vector<1x16xf32> to vector<16xf32>
      %get3A_589 = arith.index_cast %scan3A_324 : i32 to index
      %get3A_590 = arith.constant 48 : index
      %get3A_591 = tpu.vector_load %arg24[%get3A_589, %get3A_590] {strides = array<i32>} : memref<128x128xf32, #tpu.memory_space<vmem>>, vector<1x16xf32>,
      %get3A_592 = vector.shape_cast %get3A_591 : vector<1x16xf32> to vector<16xf32>
      %mul3A_593 = arith.mulf %get3A_584, %get3A_588 : vector<16xf32>
      %mul3A_594 = arith.mulf %mul3A_593, %get3A_592 : vector<16xf32>
      %add3A_595 = arith.addf %add3A_574, %mul3A_594 : vector<16xf32>
      %mul3A_596 = arith.mulf %get3A_588, %get3A_588 : vector<16xf32>
      %add3A_597 = arith.addf %add3A_576, %mul3A_596 : vector<16xf32>
      %mul3A_598 = arith.mulf %get3A_592, %get3A_592 : vector<16xf32>
      %add3A_599 = arith.addf %add3A_578, %mul3A_598 : vector<16xf32>
      %mul3A_600 = arith.mulf %get3A_584, %get3A_584 : vector<16xf32>
      %add3A_601 = arith.addf %add3A_580, %mul3A_600 : vector<16xf32>
      %get3A_602 = arith.index_cast %scan3A_324 : i32 to index
      %get3A_603 = arith.constant 64 : index
      %get3A_604 = tpu.vector_load %arg21[%get3A_602, %get3A_603] {strides = array<i32>} : memref<128x128xf32, #tpu.memory_space<vmem>>, vector<1x16xf32>,
      %get3A_605 = vector.shape_cast %get3A_604 : vector<1x16xf32> to vector<16xf32>
      %get3A_606 = arith.index_cast %scan3A_324 : i32 to index
      %get3A_607 = arith.constant 64 : index
      %get3A_608 = tpu.vector_load %arg18[%get3A_606, %get3A_607] {strides = array<i32>} : memref<128x128xf32, #tpu.memory_space<vmem>>, vector<1x16xf32>,
      %get3A_609 = vector.shape_cast %get3A_608 : vector<1x16xf32> to vector<16xf32>
      %get3A_610 = arith.index_cast %scan3A_324 : i32 to index
      %get3A_611 = arith.constant 64 : index
      %get3A_612 = tpu.vector_load %arg24[%get3A_610, %get3A_611] {strides = array<i32>} : memref<128x128xf32, #tpu.memory_space<vmem>>, vector<1x16xf32>,
      %get3A_613 = vector.shape_cast %get3A_612 : vector<1x16xf32> to vector<16xf32>
      %mul3A_614 = arith.mulf %get3A_605, %get3A_609 : vector<16xf32>
      %mul3A_615 = arith.mulf %mul3A_614, %get3A_613 : vector<16xf32>
      %add3A_616 = arith.addf %add3A_595, %mul3A_615 : vector<16xf32>
      %mul3A_617 = arith.mulf %get3A_609, %get3A_609 : vector<16xf32>
      %add3A_618 = arith.addf %add3A_597, %mul3A_617 : vector<16xf32>
      %mul3A_619 = arith.mulf %get3A_613, %get3A_613 : vector<16xf32>
      %add3A_620 = arith.addf %add3A_599, %mul3A_619 : vector<16xf32>
      %mul3A_621 = arith.mulf %get3A_605, %get3A_605 : vector<16xf32>
      %add3A_622 = arith.addf %add3A_601, %mul3A_621 : vector<16xf32>
      %get3A_623 = arith.index_cast %scan3A_324 : i32 to index
      %get3A_624 = arith.constant 80 : index
      %get3A_625 = tpu.vector_load %arg21[%get3A_623, %get3A_624] {strides = array<i32>} : memref<128x128xf32, #tpu.memory_space<vmem>>, vector<1x16xf32>,
      %get3A_626 = vector.shape_cast %get3A_625 : vector<1x16xf32> to vector<16xf32>
      %get3A_627 = arith.index_cast %scan3A_324 : i32 to index
      %get3A_628 = arith.constant 80 : index
      %get3A_629 = tpu.vector_load %arg18[%get3A_627, %get3A_628] {strides = array<i32>} : memref<128x128xf32, #tpu.memory_space<vmem>>, vector<1x16xf32>,
      %get3A_630 = vector.shape_cast %get3A_629 : vector<1x16xf32> to vector<16xf32>
      %get3A_631 = arith.index_cast %scan3A_324 : i32 to index
      %get3A_632 = arith.constant 80 : index
      %get3A_633 = tpu.vector_load %arg24[%get3A_631, %get3A_632] {strides = array<i32>} : memref<128x128xf32, #tpu.memory_space<vmem>>, vector<1x16xf32>,
      %get3A_634 = vector.shape_cast %get3A_633 : vector<1x16xf32> to vector<16xf32>
      %mul3A_635 = arith.mulf %get3A_626, %get3A_630 : vector<16xf32>
      %mul3A_636 = arith.mulf %mul3A_635, %get3A_634 : vector<16xf32>
      %add3A_637 = arith.addf %add3A_616, %mul3A_636 : vector<16xf32>
      %mul3A_638 = arith.mulf %get3A_630, %get3A_630 : vector<16xf32>
      %add3A_639 = arith.addf %add3A_618, %mul3A_638 : vector<16xf32>
      %mul3A_640 = arith.mulf %get3A_634, %get3A_634 : vector<16xf32>
      %add3A_641 = arith.addf %add3A_620, %mul3A_640 : vector<16xf32>
      %mul3A_642 = arith.mulf %get3A_626, %get3A_626 : vector<16xf32>
      %add3A_643 = arith.addf %add3A_622, %mul3A_642 : vector<16xf32>
      %get3A_644 = arith.index_cast %scan3A_324 : i32 to index
      %get3A_645 = arith.constant 96 : index
      %get3A_646 = tpu.vector_load %arg21[%get3A_644, %get3A_645] {strides = array<i32>} : memref<128x128xf32, #tpu.memory_space<vmem>>, vector<1x16xf32>,
      %get3A_647 = vector.shape_cast %get3A_646 : vector<1x16xf32> to vector<16xf32>
      %get3A_648 = arith.index_cast %scan3A_324 : i32 to index
      %get3A_649 = arith.constant 96 : index
      %get3A_650 = tpu.vector_load %arg18[%get3A_648, %get3A_649] {strides = array<i32>} : memref<128x128xf32, #tpu.memory_space<vmem>>, vector<1x16xf32>,
      %get3A_651 = vector.shape_cast %get3A_650 : vector<1x16xf32> to vector<16xf32>
      %get3A_652 = arith.index_cast %scan3A_324 : i32 to index
      %get3A_653 = arith.constant 96 : index
      %get3A_654 = tpu.vector_load %arg24[%get3A_652, %get3A_653] {strides = array<i32>} : memref<128x128xf32, #tpu.memory_space<vmem>>, vector<1x16xf32>,
      %get3A_655 = vector.shape_cast %get3A_654 : vector<1x16xf32> to vector<16xf32>
      %mul3A_656 = arith.mulf %get3A_647, %get3A_651 : vector<16xf32>
      %mul3A_657 = arith.mulf %mul3A_656, %get3A_655 : vector<16xf32>
      %add3A_658 = arith.addf %add3A_637, %mul3A_657 : vector<16xf32>
      %mul3A_659 = arith.mulf %get3A_651, %get3A_651 : vector<16xf32>
      %add3A_660 = arith.addf %add3A_639, %mul3A_659 : vector<16xf32>
      %mul3A_661 = arith.mulf %get3A_655, %get3A_655 : vector<16xf32>
      %add3A_662 = arith.addf %add3A_641, %mul3A_661 : vector<16xf32>
      %mul3A_663 = arith.mulf %get3A_647, %get3A_647 : vector<16xf32>
      %add3A_664 = arith.addf %add3A_643, %mul3A_663 : vector<16xf32>
      %get3A_665 = arith.index_cast %scan3A_324 : i32 to index
      %get3A_666 = arith.constant 112 : index
      %get3A_667 = tpu.vector_load %arg21[%get3A_665, %get3A_666] {strides = array<i32>} : memref<128x128xf32, #tpu.memory_space<vmem>>, vector<1x16xf32>,
      %get3A_668 = vector.shape_cast %get3A_667 : vector<1x16xf32> to vector<16xf32>
      %get3A_669 = arith.index_cast %scan3A_324 : i32 to index
      %get3A_670 = arith.constant 112 : index
      %get3A_671 = tpu.vector_load %arg18[%get3A_669, %get3A_670] {strides = array<i32>} : memref<128x128xf32, #tpu.memory_space<vmem>>, vector<1x16xf32>,
      %get3A_672 = vector.shape_cast %get3A_671 : vector<1x16xf32> to vector<16xf32>
      %get3A_673 = arith.index_cast %scan3A_324 : i32 to index
      %get3A_674 = arith.constant 112 : index
      %get3A_675 = tpu.vector_load %arg24[%get3A_673, %get3A_674] {strides = array<i32>} : memref<128x128xf32, #tpu.memory_space<vmem>>, vector<1x16xf32>,
      %get3A_676 = vector.shape_cast %get3A_675 : vector<1x16xf32> to vector<16xf32>
      %mul3A_677 = arith.mulf %get3A_668, %get3A_672 : vector<16xf32>
      %mul3A_678 = arith.mulf %mul3A_677, %get3A_676 : vector<16xf32>
      %add3A_679 = arith.addf %add3A_658, %mul3A_678 : vector<16xf32>
      %mul3A_680 = arith.mulf %get3A_672, %get3A_672 : vector<16xf32>
      %add3A_681 = arith.addf %add3A_660, %mul3A_680 : vector<16xf32>
      %mul3A_682 = arith.mulf %get3A_676, %get3A_676 : vector<16xf32>
      %add3A_683 = arith.addf %add3A_662, %mul3A_682 : vector<16xf32>
      %mul3A_684 = arith.mulf %get3A_668, %get3A_668 : vector<16xf32>
      %add3A_685 = arith.addf %add3A_664, %mul3A_684 : vector<16xf32>
      %swap3A_686 = arith.index_cast %scan3A_324 : i32 to index
      %swap3A_687 = arith.constant 0 : index
      %swap3A_688 = tpu.vector_load %arg25[%swap3A_686, %swap3A_687] {strides = array<i32>} : memref<128x16xf32, #tpu.memory_space<vmem>>, vector<1x16xf32>,
      %swap3A_689 = vector.shape_cast %swap3A_688 : vector<1x16xf32> to vector<16xf32>
      %swap3A_690 = vector.shape_cast %add3A_679 : vector<16xf32> to vector<1x16xf32>
      tpu.vector_store %arg25[%swap3A_686, %swap3A_687], %swap3A_690 {strides = array<i32>} : memref<128x16xf32, #tpu.memory_space<vmem>>, vector<1x16xf32>,
      scf.yield %add3A_507, %add3A_509, %add3A_681, %add3A_511, %add3A_513, %add3A_683, %add3A_515, %add3A_517, %add3A_685 : vector<16xf32>, vector<16xf32>, vector<16xf32>, vector<16xf32>, vector<16xf32>, vector<16xf32>, vector<16xf32>, vector<16xf32>, vector<16xf32>
    }
    %scan3A_270 = arith.constant 128 : i32
    "tpu.region"() ({
      %run_scoped3A = tpu.sem_alloc : memref<!tpu.dma_semaphore, #tpu.memory_space<semaphore_mem>>
      %dma_start3A_324 = arith.constant 0 : i32
      %dma_start3A_325 = tpu.memref_slice %arg11[%add3A_210, %dma_start3A_324] : memref<16384x16xf32, #tpu.memory_space<hbm>> -> memref<128x16xf32, #tpu.memory_space<hbm>>
      %dma_start3A_326 = arith.constant 0 : i32
      %dma_start3A_327 = tpu.memref_slice %arg11[%add3A_210, %dma_start3A_326] : memref<16384x16xf32, #tpu.memory_space<hbm>> -> memref<128x16xf32, #tpu.memory_space<hbm>>
      tpu.enqueue_dma source(%arg25 : memref<128x16xf32, #tpu.memory_space<vmem>>) target(%dma_start3A_327 : memref<128x16xf32, #tpu.memory_space<hbm>>) target_semaphore(%run_scoped3A : memref<!tpu.dma_semaphore, #tpu.memory_space<semaphore_mem>>)
      %dma_wait3A_328 = arith.constant 0 : i32
      %dma_wait3A_329 = tpu.memref_slice %arg11[%add3A_210, %dma_wait3A_328] : memref<16384x16xf32, #tpu.memory_space<hbm>> -> memref<128x16xf32, #tpu.memory_space<hbm>>
      %dma_wait3A_330 = arith.constant 0 : i32
      %dma_wait3A_331 = tpu.memref_slice %arg11[%add3A_210, %dma_wait3A_330] : memref<16384x16xf32, #tpu.memory_space<hbm>> -> memref<128x16xf32, #tpu.memory_space<hbm>>
      tpu.wait_dma2 semaphore(%run_scoped3A : memref<!tpu.dma_semaphore, #tpu.memory_space<semaphore_mem>>) src(%arg25 : memref<128x16xf32, #tpu.memory_space<vmem>>) dst(%dma_wait3A_331 : memref<128x16xf32, #tpu.memory_space<hbm>>)
      tpu.yield
    }) : () -> ()
    %swap3A = arith.constant 0 : i32
    %swap3A_271 = arith.index_cast %swap3A : i32 to index
    %swap3A_272 = arith.constant 0 : index
    %swap3A_273 = tpu.vector_load %arg26[%swap3A_271, %swap3A_272] {strides = array<i32>} : memref<9x16xf32, #tpu.memory_space<vmem>>, vector<1x16xf32>,
    %swap3A_274 = vector.shape_cast %swap3A_273 : vector<1x16xf32> to vector<16xf32>
    %swap3A_275 = vector.shape_cast %scan3A_269#0 : vector<16xf32> to vector<1x16xf32>
    tpu.vector_store %arg26[%swap3A_271, %swap3A_272], %swap3A_275 {strides = array<i32>} : memref<9x16xf32, #tpu.memory_space<vmem>>, vector<1x16xf32>,
    %swap3A_276 = arith.constant 1 : i32
    %swap3A_277 = arith.index_cast %swap3A_276 : i32 to index
    %swap3A_278 = arith.constant 0 : index
    %swap3A_279 = tpu.vector_load %arg26[%swap3A_277, %swap3A_278] {strides = array<i32>} : memref<9x16xf32, #tpu.memory_space<vmem>>, vector<1x16xf32>,
    %swap3A_280 = vector.shape_cast %swap3A_279 : vector<1x16xf32> to vector<16xf32>
    %swap3A_281 = vector.shape_cast %scan3A_269#1 : vector<16xf32> to vector<1x16xf32>
    tpu.vector_store %arg26[%swap3A_277, %swap3A_278], %swap3A_281 {strides = array<i32>} : memref<9x16xf32, #tpu.memory_space<vmem>>, vector<1x16xf32>,
    %swap3A_282 = arith.constant 2 : i32
    %swap3A_283 = arith.index_cast %swap3A_282 : i32 to index
    %swap3A_284 = arith.constant 0 : index
    %swap3A_285 = tpu.vector_load %arg26[%swap3A_283, %swap3A_284] {strides = array<i32>} : memref<9x16xf32, #tpu.memory_space<vmem>>, vector<1x16xf32>,
    %swap3A_286 = vector.shape_cast %swap3A_285 : vector<1x16xf32> to vector<16xf32>
    %swap3A_287 = vector.shape_cast %scan3A_269#2 : vector<16xf32> to vector<1x16xf32>
    tpu.vector_store %arg26[%swap3A_283, %swap3A_284], %swap3A_287 {strides = array<i32>} : memref<9x16xf32, #tpu.memory_space<vmem>>, vector<1x16xf32>,
    %swap3A_288 = arith.constant 3 : i32
    %swap3A_289 = arith.index_cast %swap3A_288 : i32 to index
    %swap3A_290 = arith.constant 0 : index
    %swap3A_291 = tpu.vector_load %arg26[%swap3A_289, %swap3A_290] {strides = array<i32>} : memref<9x16xf32, #tpu.memory_space<vmem>>, vector<1x16xf32>,
    %swap3A_292 = vector.shape_cast %swap3A_291 : vector<1x16xf32> to vector<16xf32>
    %swap3A_293 = vector.shape_cast %scan3A_269#3 : vector<16xf32> to vector<1x16xf32>
    tpu.vector_store %arg26[%swap3A_289, %swap3A_290], %swap3A_293 {strides = array<i32>} : memref<9x16xf32, #tpu.memory_space<vmem>>, vector<1x16xf32>,
    %swap3A_294 = arith.constant 4 : i32
    %swap3A_295 = arith.index_cast %swap3A_294 : i32 to index
    %swap3A_296 = arith.constant 0 : index
    %swap3A_297 = tpu.vector_load %arg26[%swap3A_295, %swap3A_296] {strides = array<i32>} : memref<9x16xf32, #tpu.memory_space<vmem>>, vector<1x16xf32>,
    %swap3A_298 = vector.shape_cast %swap3A_297 : vector<1x16xf32> to vector<16xf32>
    %swap3A_299 = vector.shape_cast %scan3A_269#4 : vector<16xf32> to vector<1x16xf32>
    tpu.vector_store %arg26[%swap3A_295, %swap3A_296], %swap3A_299 {strides = array<i32>} : memref<9x16xf32, #tpu.memory_space<vmem>>, vector<1x16xf32>,
    %swap3A_300 = arith.constant 5 : i32
    %swap3A_301 = arith.index_cast %swap3A_300 : i32 to index
    %swap3A_302 = arith.constant 0 : index
    %swap3A_303 = tpu.vector_load %arg26[%swap3A_301, %swap3A_302] {strides = array<i32>} : memref<9x16xf32, #tpu.memory_space<vmem>>, vector<1x16xf32>,
    %swap3A_304 = vector.shape_cast %swap3A_303 : vector<1x16xf32> to vector<16xf32>
    %swap3A_305 = vector.shape_cast %scan3A_269#5 : vector<16xf32> to vector<1x16xf32>
    tpu.vector_store %arg26[%swap3A_301, %swap3A_302], %swap3A_305 {strides = array<i32>} : memref<9x16xf32, #tpu.memory_space<vmem>>, vector<1x16xf32>,
    %swap3A_306 = arith.constant 6 : i32
    %swap3A_307 = arith.index_cast %swap3A_306 : i32 to index
    %swap3A_308 = arith.constant 0 : index
    %swap3A_309 = tpu.vector_load %arg26[%swap3A_307, %swap3A_308] {strides = array<i32>} : memref<9x16xf32, #tpu.memory_space<vmem>>, vector<1x16xf32>,
    %swap3A_310 = vector.shape_cast %swap3A_309 : vector<1x16xf32> to vector<16xf32>
    %swap3A_311 = vector.shape_cast %scan3A_269#6 : vector<16xf32> to vector<1x16xf32>
    tpu.vector_store %arg26[%swap3A_307, %swap3A_308], %swap3A_311 {strides = array<i32>} : memref<9x16xf32, #tpu.memory_space<vmem>>, vector<1x16xf32>,
    %swap3A_312 = arith.constant 7 : i32
    %swap3A_313 = arith.index_cast %swap3A_312 : i32 to index
    %swap3A_314 = arith.constant 0 : index
    %swap3A_315 = tpu.vector_load %arg26[%swap3A_313, %swap3A_314] {strides = array<i32>} : memref<9x16xf32, #tpu.memory_space<vmem>>, vector<1x16xf32>,
    %swap3A_316 = vector.shape_cast %swap3A_315 : vector<1x16xf32> to vector<16xf32>
    %swap3A_317 = vector.shape_cast %scan3A_269#7 : vector<16xf32> to vector<1x16xf32>
    tpu.vector_store %arg26[%swap3A_313, %swap3A_314], %swap3A_317 {strides = array<i32>} : memref<9x16xf32, #tpu.memory_space<vmem>>, vector<1x16xf32>,
    %swap3A_318 = arith.constant 8 : i32
    %swap3A_319 = arith.index_cast %swap3A_318 : i32 to index
    %swap3A_320 = arith.constant 0 : index
    %swap3A_321 = tpu.vector_load %arg26[%swap3A_319, %swap3A_320] {strides = array<i32>} : memref<9x16xf32, #tpu.memory_space<vmem>>, vector<1x16xf32>,
    %swap3A_322 = vector.shape_cast %swap3A_321 : vector<1x16xf32> to vector<16xf32>
    %swap3A_323 = vector.shape_cast %scan3A_269#8 : vector<16xf32> to vector<1x16xf32>
    tpu.vector_store %arg26[%swap3A_319, %swap3A_320], %swap3A_323 {strides = array<i32>} : memref<9x16xf32, #tpu.memory_space<vmem>>, vector<1x16xf32>,
    "tpu.region"() ({
      %run_scoped3A = tpu.sem_alloc : memref<!tpu.dma_semaphore, #tpu.memory_space<semaphore_mem>>
      %dma_start3A_324 = arith.constant 0 : i32
      %dma_start3A_325 = arith.constant 0 : i32
      %dma_start3A_326 = tpu.memref_slice %arg12[%add3A, %dma_start3A_324, %dma_start3A_325] : memref<32x9x16xf32, #tpu.memory_space<hbm>> -> memref<1x9x16xf32, #tpu.memory_space<hbm>>
      %dma_start3A_327 = tpu.memref_squeeze %dma_start3A_326 : memref<1x9x16xf32, #tpu.memory_space<hbm>> -> memref<9x16xf32, #tpu.memory_space<hbm>>
      %dma_start3A_328 = arith.constant 0 : i32
      %dma_start3A_329 = arith.constant 0 : i32
      %dma_start3A_330 = tpu.memref_slice %arg12[%add3A, %dma_start3A_328, %dma_start3A_329] : memref<32x9x16xf32, #tpu.memory_space<hbm>> -> memref<1x9x16xf32, #tpu.memory_space<hbm>>
      %dma_start3A_331 = tpu.memref_squeeze %dma_start3A_330 : memref<1x9x16xf32, #tpu.memory_space<hbm>> -> memref<9x16xf32, #tpu.memory_space<hbm>>
      tpu.enqueue_dma source(%arg26 : memref<9x16xf32, #tpu.memory_space<vmem>>) target(%dma_start3A_331 : memref<9x16xf32, #tpu.memory_space<hbm>>) target_semaphore(%run_scoped3A : memref<!tpu.dma_semaphore, #tpu.memory_space<semaphore_mem>>)
      %dma_wait3A_332 = arith.constant 0 : i32
      %dma_wait3A_333 = arith.constant 0 : i32
      %dma_wait3A_334 = tpu.memref_slice %arg12[%add3A, %dma_wait3A_332, %dma_wait3A_333] : memref<32x9x16xf32, #tpu.memory_space<hbm>> -> memref<1x9x16xf32, #tpu.memory_space<hbm>>
      %dma_wait3A_335 = tpu.memref_squeeze %dma_wait3A_334 : memref<1x9x16xf32, #tpu.memory_space<hbm>> -> memref<9x16xf32, #tpu.memory_space<hbm>>
      %dma_wait3A_336 = arith.constant 0 : i32
      %dma_wait3A_337 = arith.constant 0 : i32
      %dma_wait3A_338 = tpu.memref_slice %arg12[%add3A, %dma_wait3A_336, %dma_wait3A_337] : memref<32x9x16xf32, #tpu.memory_space<hbm>> -> memref<1x9x16xf32, #tpu.memory_space<hbm>>
      %dma_wait3A_339 = tpu.memref_squeeze %dma_wait3A_338 : memref<1x9x16xf32, #tpu.memory_space<hbm>> -> memref<9x16xf32, #tpu.memory_space<hbm>>
      tpu.wait_dma2 semaphore(%run_scoped3A : memref<!tpu.dma_semaphore, #tpu.memory_space<semaphore_mem>>) src(%arg26 : memref<9x16xf32, #tpu.memory_space<vmem>>) dst(%dma_wait3A_339 : memref<9x16xf32, #tpu.memory_space<hbm>>)
      tpu.yield
    }) : () -> ()
    return
  }
}

module attributes {stable_mosaic.version = 14 : i64} {
  func.func @_tc_finish(%arg0: memref<16384x16xf32, #tpu.memory_space<vmem>>, %arg1: memref<16384x1xf32, #tpu.memory_space<vmem>>, %arg2: memref<9x512xf32, #tpu.memory_space<vmem>>, %arg3: memref<1x1xf32, #tpu.memory_space<vmem>>) attributes {dimension_semantics = [], scalar_prefetch = 0 : i64, scratch_operands = 0 : i64, tpu.core_type = #tpu.core_type<tc>} {
    %get3A = arith.constant 0 : index
    %get3A_0 = arith.constant 0 : index
    %get3A_1 = vector.load %arg0[%get3A, %get3A_0] : memref<16384x16xf32, #tpu.memory_space<vmem>>, vector<16384x16xf32>
    %reduce_sum3A = arith.constant dense<0.000000e+00> : vector<16384xf32>
    %reduce_sum3A_2 = vector.multi_reduction <add>, %get3A_1, %reduce_sum3A [1] : vector<16384x16xf32> to vector<16384xf32>
    %broadcast_in_dim3A = vector.shape_cast %reduce_sum3A_2 : vector<16384xf32> to vector<16384x1xf32>
    %get3A_3 = arith.constant 0 : index
    %get3A_4 = arith.constant 0 : index
    %get3A_5 = vector.load %arg1[%get3A_3, %get3A_4] : memref<16384x1xf32, #tpu.memory_space<vmem>>, vector<16384x1xf32>
    %neg3A = arith.constant 0.000000e+00 : f32
    %neg3A_6 = vector.broadcast %neg3A : f32 to vector<16384x1xf32>
    %neg3A_7 = arith.subf %neg3A_6, %get3A_5 : vector<16384x1xf32>
    %mul3A = arith.mulf %neg3A_7, %broadcast_in_dim3A : vector<16384x1xf32>
    %custom_jvp_call3A = arith.constant 0.000000e+00 : f32
    %max3A = vector.broadcast %custom_jvp_call3A : f32 to vector<16384x1xf32>
    %max3A_8 = arith.maximumf %max3A, %mul3A : vector<16384x1xf32>
    %sub3A = vector.broadcast %custom_jvp_call3A : f32 to vector<16384x1xf32>
    %sub3A_9 = arith.subf %sub3A, %mul3A : vector<16384x1xf32>
    %ne3A = arith.cmpf one, %sub3A_9, %sub3A_9 : vector<16384x1xf32>
    %add3A = vector.broadcast %custom_jvp_call3A : f32 to vector<16384x1xf32>
    %add3A_10 = arith.addf %add3A, %mul3A : vector<16384x1xf32>
    %abs3A = math.absf %sub3A_9 : vector<16384x1xf32>
    %neg3A_11 = arith.constant 0.000000e+00 : f32
    %neg3A_12 = vector.broadcast %neg3A_11 : f32 to vector<16384x1xf32>
    %neg3A_13 = arith.subf %neg3A_12, %abs3A : vector<16384x1xf32>
    %exp3A = math.exp %neg3A_13 : vector<16384x1xf32>
    %log1p3A = math.log1p %exp3A : vector<16384x1xf32>
    %add3A_14 = arith.addf %max3A_8, %log1p3A : vector<16384x1xf32>
    %select_n3A = arith.select %ne3A, %add3A_10, %add3A_14 : vector<16384x1xi1>, vector<16384x1xf32>
    %reduce_sum3A_15 = vector.shape_cast %select_n3A : vector<16384x1xf32> to vector<1x16384x1xf32>
    %reduce_sum3A_16 = arith.constant dense<0.000000e+00> : vector<1xf32>
    %reduce_sum3A_17 = vector.multi_reduction <add>, %reduce_sum3A_15, %reduce_sum3A_16 [1, 2] : vector<1x16384x1xf32> to vector<1xf32>
    %reduce_sum3A_18 = vector.shape_cast %reduce_sum3A_17 : vector<1xf32> to vector<1x1x1xf32>
    %reduce_sum3A_19 = vector.extract %reduce_sum3A_18[0, 0, 0] : f32 from vector<1x1x1xf32>
    %div3A = arith.constant 1.638400e+04 : f32
    %div3A_20 = arith.divf %reduce_sum3A_19, %div3A : f32
    %get3A_21 = arith.constant 0 : index
    %get3A_22 = arith.constant 0 : index
    %get3A_23 = vector.load %arg2[%get3A_21, %get3A_22] : memref<9x512xf32, #tpu.memory_space<vmem>>, vector<1x512xf32>
    %reduce_sum3A_24 = vector.shape_cast %get3A_23 : vector<1x512xf32> to vector<1x1x512xf32>
    %reduce_sum3A_25 = arith.constant dense<0.000000e+00> : vector<1xf32>
    %reduce_sum3A_26 = vector.multi_reduction <add>, %reduce_sum3A_24, %reduce_sum3A_25 [1, 2] : vector<1x1x512xf32> to vector<1xf32>
    %reduce_sum3A_27 = vector.shape_cast %reduce_sum3A_26 : vector<1xf32> to vector<1x1x1xf32>
    %reduce_sum3A_28 = vector.extract %reduce_sum3A_27[0, 0, 0] : f32 from vector<1x1x1xf32>
    %get3A_29 = arith.constant 1 : index
    %get3A_30 = arith.constant 0 : index
    %get3A_31 = vector.load %arg2[%get3A_29, %get3A_30] : memref<9x512xf32, #tpu.memory_space<vmem>>, vector<1x512xf32>
    %reduce_sum3A_32 = vector.shape_cast %get3A_31 : vector<1x512xf32> to vector<1x1x512xf32>
    %reduce_sum3A_33 = arith.constant dense<0.000000e+00> : vector<1xf32>
    %reduce_sum3A_34 = vector.multi_reduction <add>, %reduce_sum3A_32, %reduce_sum3A_33 [1, 2] : vector<1x1x512xf32> to vector<1xf32>
    %reduce_sum3A_35 = vector.shape_cast %reduce_sum3A_34 : vector<1xf32> to vector<1x1x1xf32>
    %reduce_sum3A_36 = vector.extract %reduce_sum3A_35[0, 0, 0] : f32 from vector<1x1x1xf32>
    %get3A_37 = arith.constant 2 : index
    %get3A_38 = arith.constant 0 : index
    %get3A_39 = vector.load %arg2[%get3A_37, %get3A_38] : memref<9x512xf32, #tpu.memory_space<vmem>>, vector<1x512xf32>
    %reduce_sum3A_40 = vector.shape_cast %get3A_39 : vector<1x512xf32> to vector<1x1x512xf32>
    %reduce_sum3A_41 = arith.constant dense<0.000000e+00> : vector<1xf32>
    %reduce_sum3A_42 = vector.multi_reduction <add>, %reduce_sum3A_40, %reduce_sum3A_41 [1, 2] : vector<1x1x512xf32> to vector<1xf32>
    %reduce_sum3A_43 = vector.shape_cast %reduce_sum3A_42 : vector<1xf32> to vector<1x1x1xf32>
    %reduce_sum3A_44 = vector.extract %reduce_sum3A_43[0, 0, 0] : f32 from vector<1x1x1xf32>
    %get3A_45 = arith.constant 3 : index
    %get3A_46 = arith.constant 0 : index
    %get3A_47 = vector.load %arg2[%get3A_45, %get3A_46] : memref<9x512xf32, #tpu.memory_space<vmem>>, vector<1x512xf32>
    %reduce_sum3A_48 = vector.shape_cast %get3A_47 : vector<1x512xf32> to vector<1x1x512xf32>
    %reduce_sum3A_49 = arith.constant dense<0.000000e+00> : vector<1xf32>
    %reduce_sum3A_50 = vector.multi_reduction <add>, %reduce_sum3A_48, %reduce_sum3A_49 [1, 2] : vector<1x1x512xf32> to vector<1xf32>
    %reduce_sum3A_51 = vector.shape_cast %reduce_sum3A_50 : vector<1xf32> to vector<1x1x1xf32>
    %reduce_sum3A_52 = vector.extract %reduce_sum3A_51[0, 0, 0] : f32 from vector<1x1x1xf32>
    %get3A_53 = arith.constant 4 : index
    %get3A_54 = arith.constant 0 : index
    %get3A_55 = vector.load %arg2[%get3A_53, %get3A_54] : memref<9x512xf32, #tpu.memory_space<vmem>>, vector<1x512xf32>
    %reduce_sum3A_56 = vector.shape_cast %get3A_55 : vector<1x512xf32> to vector<1x1x512xf32>
    %reduce_sum3A_57 = arith.constant dense<0.000000e+00> : vector<1xf32>
    %reduce_sum3A_58 = vector.multi_reduction <add>, %reduce_sum3A_56, %reduce_sum3A_57 [1, 2] : vector<1x1x512xf32> to vector<1xf32>
    %reduce_sum3A_59 = vector.shape_cast %reduce_sum3A_58 : vector<1xf32> to vector<1x1x1xf32>
    %reduce_sum3A_60 = vector.extract %reduce_sum3A_59[0, 0, 0] : f32 from vector<1x1x1xf32>
    %get3A_61 = arith.constant 5 : index
    %get3A_62 = arith.constant 0 : index
    %get3A_63 = vector.load %arg2[%get3A_61, %get3A_62] : memref<9x512xf32, #tpu.memory_space<vmem>>, vector<1x512xf32>
    %reduce_sum3A_64 = vector.shape_cast %get3A_63 : vector<1x512xf32> to vector<1x1x512xf32>
    %reduce_sum3A_65 = arith.constant dense<0.000000e+00> : vector<1xf32>
    %reduce_sum3A_66 = vector.multi_reduction <add>, %reduce_sum3A_64, %reduce_sum3A_65 [1, 2] : vector<1x1x512xf32> to vector<1xf32>
    %reduce_sum3A_67 = vector.shape_cast %reduce_sum3A_66 : vector<1xf32> to vector<1x1x1xf32>
    %reduce_sum3A_68 = vector.extract %reduce_sum3A_67[0, 0, 0] : f32 from vector<1x1x1xf32>
    %get3A_69 = arith.constant 6 : index
    %get3A_70 = arith.constant 0 : index
    %get3A_71 = vector.load %arg2[%get3A_69, %get3A_70] : memref<9x512xf32, #tpu.memory_space<vmem>>, vector<1x512xf32>
    %reduce_sum3A_72 = vector.shape_cast %get3A_71 : vector<1x512xf32> to vector<1x1x512xf32>
    %reduce_sum3A_73 = arith.constant dense<0.000000e+00> : vector<1xf32>
    %reduce_sum3A_74 = vector.multi_reduction <add>, %reduce_sum3A_72, %reduce_sum3A_73 [1, 2] : vector<1x1x512xf32> to vector<1xf32>
    %reduce_sum3A_75 = vector.shape_cast %reduce_sum3A_74 : vector<1xf32> to vector<1x1x1xf32>
    %reduce_sum3A_76 = vector.extract %reduce_sum3A_75[0, 0, 0] : f32 from vector<1x1x1xf32>
    %get3A_77 = arith.constant 7 : index
    %get3A_78 = arith.constant 0 : index
    %get3A_79 = vector.load %arg2[%get3A_77, %get3A_78] : memref<9x512xf32, #tpu.memory_space<vmem>>, vector<1x512xf32>
    %reduce_sum3A_80 = vector.shape_cast %get3A_79 : vector<1x512xf32> to vector<1x1x512xf32>
    %reduce_sum3A_81 = arith.constant dense<0.000000e+00> : vector<1xf32>
    %reduce_sum3A_82 = vector.multi_reduction <add>, %reduce_sum3A_80, %reduce_sum3A_81 [1, 2] : vector<1x1x512xf32> to vector<1xf32>
    %reduce_sum3A_83 = vector.shape_cast %reduce_sum3A_82 : vector<1xf32> to vector<1x1x1xf32>
    %reduce_sum3A_84 = vector.extract %reduce_sum3A_83[0, 0, 0] : f32 from vector<1x1x1xf32>
    %get3A_85 = arith.constant 8 : index
    %get3A_86 = arith.constant 0 : index
    %get3A_87 = vector.load %arg2[%get3A_85, %get3A_86] : memref<9x512xf32, #tpu.memory_space<vmem>>, vector<1x512xf32>
    %reduce_sum3A_88 = vector.shape_cast %get3A_87 : vector<1x512xf32> to vector<1x1x512xf32>
    %reduce_sum3A_89 = arith.constant dense<0.000000e+00> : vector<1xf32>
    %reduce_sum3A_90 = vector.multi_reduction <add>, %reduce_sum3A_88, %reduce_sum3A_89 [1, 2] : vector<1x1x512xf32> to vector<1xf32>
    %reduce_sum3A_91 = vector.shape_cast %reduce_sum3A_90 : vector<1xf32> to vector<1x1x1xf32>
    %reduce_sum3A_92 = vector.extract %reduce_sum3A_91[0, 0, 0] : f32 from vector<1x1x1xf32>
    %div3A_93 = arith.constant 0x49800000 : f32
    %div3A_94 = arith.divf %reduce_sum3A_28, %div3A_93 : f32
    %div3A_95 = arith.constant 0x49800000 : f32
    %div3A_96 = arith.divf %reduce_sum3A_36, %div3A_95 : f32
    %div3A_97 = arith.constant 0x4A000000 : f32
    %div3A_98 = arith.divf %reduce_sum3A_44, %div3A_97 : f32
    %mul3A_99 = arith.mulf %div3A_96, %div3A_98 : f32
    %add3A_100 = arith.addf %div3A_94, %mul3A_99 : f32
    %div3A_101 = arith.constant 0x49800000 : f32
    %div3A_102 = arith.divf %reduce_sum3A_52, %div3A_101 : f32
    %add3A_103 = arith.addf %add3A_100, %div3A_102 : f32
    %div3A_104 = arith.constant 0x49800000 : f32
    %div3A_105 = arith.divf %reduce_sum3A_60, %div3A_104 : f32
    %add3A_106 = arith.addf %add3A_103, %div3A_105 : f32
    %div3A_107 = arith.constant 0x4A000000 : f32
    %div3A_108 = arith.divf %reduce_sum3A_68, %div3A_107 : f32
    %add3A_109 = arith.addf %add3A_106, %div3A_108 : f32
    %div3A_110 = arith.constant 0x49800000 : f32
    %div3A_111 = arith.divf %reduce_sum3A_76, %div3A_110 : f32
    %add3A_112 = arith.addf %add3A_109, %div3A_111 : f32
    %div3A_113 = arith.constant 0x49800000 : f32
    %div3A_114 = arith.divf %reduce_sum3A_84, %div3A_113 : f32
    %add3A_115 = arith.addf %add3A_112, %div3A_114 : f32
    %div3A_116 = arith.constant 0x4A000000 : f32
    %div3A_117 = arith.divf %reduce_sum3A_92, %div3A_116 : f32
    %add3A_118 = arith.addf %add3A_115, %div3A_117 : f32
    %mul3A_119 = arith.constant 0.00999999977 : f32
    %mul3A_120 = arith.mulf %mul3A_119, %add3A_118 : f32
    %add3A_121 = arith.addf %div3A_20, %mul3A_120 : f32
    %broadcast_in_dim3A_122 = vector.broadcast %add3A_121 : f32 to vector<1x1xf32>
    %swap3A = arith.constant 0 : index
    %swap3A_123 = arith.constant 0 : index
    %swap3A_124 = vector.load %arg3[%swap3A, %swap3A_123] : memref<1x1xf32, #tpu.memory_space<vmem>>, vector<1x1xf32>
    tpu.vector_store %arg3[%swap3A, %swap3A_123], %broadcast_in_dim3A_122 {strides = array<i32>} : memref<1x1xf32, #tpu.memory_space<vmem>>, vector<1x1xf32>,
    return
  }
}

</mosaic_0001>

<sc_bundles>
// kernel: kernel.4.cloned.1.call-start
scs
__scs_entry_jumppad:
0x0: {  	(pc) =	sbr.rel $0x88, $3  }
0x1: {  	(tag) =	ssettag $0x0;
	lr =	simm.s32 $0x1  }
0x2: {  	[smem:$0x3F97] =	sst lr;
	_ =	strace $0xD0000000  }
0x3: {  	_ = 	snop  }
0x4: {  	_ = 	snop  }
0x5: {  	_ = 	snop  }
0x6: {  	_ = 	snop  }
0x7: {  	_ = 	snop  }
__scs_overlays_trampoline_lowered:
0x8: {  	[smem:$0x3FA6] =	sst s0  }
0x9: {  	[smem:$0x3FA7] =	sst s1  }
0xa: {  	[smem:$0x3FA8] =	sst s2  }
0xb: {  	[smem:$0x3FA9] =	sst s3  }
0xc: {  	[smem:$0x3FAA] =	sst s4  }
0xd: {  	[smem:$0x3FAB] =	sst s5  }
0xe: {  	[smem:$0x3FAC] =	sst s6  }
0xf: {  	[smem:$0x3FAD] =	sst s7  }
0x10: {  	[smem:$0x3FAE] =	sst s8  }
0x11: {  	[smem:$0x3FAF] =	sst s9;
	s0 =	simm.s32 @!p0 $0x0  }
0x12: {  	s1 =	sld [smem:$0x3F95];
	s0 =	simm.s32 @p0 $0x1  }
0x13: {  	[smem:$0x3FB0] =	sst s0;
	s0 =	simm.s32 @!p1 $0x0  }
0x14: {  	s2 =	sld [smem:$0x3F94];
	s0 =	simm.s32 @p1 $0x1  }
0x15: {  	[smem:$0x3FB1] =	sst s0;
	s0 =	simm.s32 @!p2 $0x0  }
0x16: {  	s3 =	sld [smem:$0x3FDB];
	s0 =	simm.s32 @p2 $0x1  }
0x17: {  	s4 =	simm.s32 $0x1BF5;
	[smem:$0x3FB3] =	sst s0  }
0x18: {  	s0 =	sld [smem:$0x3F96];
	_ =	swait.ge [sflag:s4], $0x0  }
0x19: {  	s7 =	sld [smem:$0x3F97]  }
0x1a: {  	s8 =	sadd.s32 $0xFFFFE003, lr  }
0x1b: {  	s9 =	sadd.s32 $0xFFFFFEF7, lr;
	s5 =	simm.s32 $0xFFFFFFFF;
	p2 =	slt.u32 s8, $0xFFFFF086  }
0x1c: {  	p1 =	slt.u32 s9, $0xF7A;
	s5 =	simm.s32 @!p2 $0x0  }
0x1d: {  	s5 =	simm.s32 @p1 $0x1;
	p0 =	seq.s32 s7, s2  }
0x1e: {  	s7 =	smul.u32 @!p0 $0xF7A, s2;
	p2 =	seq.s32 @!p0 s5, $0x0  }
0x1f: {  	s9 =	smul.u32 $0xF7A, s1;
	s8 =	simm.s32 @!p0 $0x1BF5;
	p2 =	por !p2, p0  }
0x20: {  	[sflag:s8] =	ssyncset.s32 @!p0 $0xFFFFF086;
	s6 =	sadd.s32 @!p0 s3, s7;
	s7 =	simm.s32 @!p0 $0x108  }
0x21: {  	s3 =	sadd.s32 s3, s9;
	s6 =	sadd.s32 @!p0 $0x88, s6;
	s7 =	simm.s32 @p2 $0x1082  }
0x22: {  	[simem:s7], [sflag:s8] =	dma.local @!p0 [hbm:s6], $0xF7A  }
0x23: {  	s9 =	sor.u32 $0xD0000000, s2;
	s6 =	simm.s32 $0x108;
	_ =	swait.ge @!p0 [sflag:s8], $0x0  }
0x24: {  	s3 =	sadd.s32 $0x88, s3;
	s6 =	simm.s32 @!p1 $0x1082;
	[sflag:s4] =	ssyncset.s32 $0xFFFFF086  }
0x25: {  	[simem:s6], [sflag:s4] =	dma.local [hbm:s3], $0xF7A  }
0x26: {  	[smem:$0x3F97] =	sst s1;
	(tag) =	ssettag s2;
	_ =	strace s9  }
0x27: {  	s1 =	sld [smem:$0x3FA7]  }
0x28: {  	s2 =	sld [smem:$0x3FA8]  }
0x29: {  	s4 =	sld [smem:$0x3FAA]  }
0x2a: {  	p0 =	seq.s32 s5, $0x0;
	s5 =	sld [smem:$0x3FAB]  }
0x2b: {  	s6 =	sld [smem:$0x3FAC]  }
0x2c: {  	s7 =	sld [smem:$0x3FAD]  }
0x2d: {  	s3 =	simm.s32 $0x108;
	s8 =	sld [smem:$0x3FAE]  }
0x2e: {  	s3 =	simm.s32 @!p0 $0x1082;
	s9 =	sld [smem:$0x3FAF]  }
0x2f: {  	lr =	sadd.s32 s0, s3;
	s0 =	sld [smem:$0x3FA6]  }
0x30: {  	s3 =	sld [smem:$0x3FA9]  }
0x31: {  	[smem:$0x3FB2] =	sst s10  }
0x32: {  	s10 =	sld [smem:$0x3FB0];
	_ =	sdelay $0x3  }
0x33: {  	p0 =	seq.s32 s10, $0x1;
	s10 =	sld [smem:$0x3FB2];
	_ =	sdelay $0x3  }
0x34: {  	[smem:$0x3FB2] =	sst s10  }
0x35: {  	s10 =	sld [smem:$0x3FB1];
	_ =	sdelay $0x3  }
0x36: {  	p1 =	seq.s32 s10, $0x1;
	s10 =	sld [smem:$0x3FB2];
	_ =	sdelay $0x3  }
0x37: {  	[smem:$0x3FB2] =	sst s10  }
0x38: {  	s10 =	sld [smem:$0x3FB3]  }
0x39: {  	_ = 	snop;
	(pc) =	sbr.ind lr, $3  }
0x3a: {  	_ = 	snop  }
0x3b: {  	_ = 	snop  }
0x3c: {  	p2 =	seq.s32 s10, $0x1;
	s10 =	sld [smem:$0x3FB2]  }
0x3d: {  	_ =	shalt  }
0x3e: {  	_ =	shalt  }
0x3f: {  	_ =	shalt  }
0x40: {  	_ =	shalt  }
0x41: {  	_ =	shalt  }
0x42: {  	_ =	shalt  }
0x43: {  	_ =	shalt  }
0x44: {  	_ =	shalt  }
0x45: {  	_ =	shalt  }
0x46: {  	_ =	shalt  }
0x47: {  	_ =	shalt  }
0x48: {  	_ =	shalt  }
0x49: {  	_ =	shalt  }
0x4a: {  	_ =	shalt  }
0x4b: {  	_ =	shalt  }
0x4c: {  	_ =	shalt  }
0x4d: {  	_ =	shalt  }
0x4e: {  	_ =	shalt  }
0x4f: {  	_ =	shalt  }
0x50: {  	_ =	shalt  }
0x51: {  	_ =	shalt  }
0x52: {  	_ =	shalt  }
0x53: {  	_ =	shalt  }
0x54: {  	_ =	shalt  }
0x55: {  	_ =	shalt  }
0x56: {  	_ =	shalt  }
0x57: {  	_ =	shalt  }
0x58: {  	_ =	shalt  }
0x59: {  	_ =	shalt  }
0x5a: {  	_ =	shalt  }
0x5b: {  	_ =	shalt  }
0x5c: {  	_ =	shalt  }
0x5d: {  	_ =	shalt  }
0x5e: {  	_ =	shalt  }
0x5f: {  	_ =	shalt  }
0x60: {  	_ =	shalt  }
0x61: {  	_ =	shalt  }
0x62: {  	_ =	shalt  }
0x63: {  	_ =	shalt  }
0x64: {  	_ =	shalt  }
0x65: {  	_ =	shalt  }
0x66: {  	_ =	shalt  }
0x67: {  	_ =	shalt  }
0x68: {  	_ =	shalt  }
0x69: {  	_ =	shalt  }
0x6a: {  	_ =	shalt  }
0x6b: {  	_ =	shalt  }
0x6c: {  	_ =	shalt  }
0x6d: {  	_ =	shalt  }
0x6e: {  	_ =	shalt  }
0x6f: {  	_ =	shalt  }
0x70: {  	_ =	shalt  }
0x71: {  	_ =	shalt  }
0x72: {  	_ =	shalt  }
0x73: {  	_ =	shalt  }
0x74: {  	_ =	shalt  }
0x75: {  	_ =	shalt  }
0x76: {  	_ =	shalt  }
0x77: {  	_ =	shalt  }
0x78: {  	_ =	shalt  }
0x79: {  	_ =	shalt  }
0x7a: {  	_ =	shalt  }
0x7b: {  	_ =	shalt  }
0x7c: {  	_ =	shalt  }
0x7d: {  	_ =	shalt  }
0x7e: {  	_ =	shalt  }
0x7f: {  	_ =	shalt  }
0x80: {  	_ =	shalt  }
0x81: {  	_ =	shalt  }
0x82: {  	_ =	shalt  }
0x83: {  	_ =	shalt  }
0x84: {  	_ =	shalt  }
0x85: {  	_ =	shalt  }
0x86: {  	_ =	shalt  }
0x87: {  	_ =	shalt  }
.Lfunc_end0:
.L_simem_size_0:
called_computation_lowered:
.L_overlay_start_0:
0x88: {  	s2 =	sld [smem:$0x3FD9]  }
0x89: {  	s3 =	sld [smem:$0x3FFE];
	_ =	sdelay $0x1  }
0x8a: {  	s1 =	srdreg.scid  }
0x8b: {  	s0 =	sand.u32 $0x1, s1  }
0x8c: {  	s17 =	sshll.u32 s0, $0xA;
	s2 =	sadd.s32 s3, s2  }
0x8d: {  	s2 =	sadd.s32 s2, s17  }
0x8e: {  	[smem:$0x3FBE] =	sst s2  }
0x8f: {  	_ = 	snop  }
0x90: {  	s2 =	sld [smem:$0x3FC9]  }
0x91: {  	s18 =	sld [smem:$0x3FC8]  }
0x92: {  	s4 =	sld [smem:$0x3FC7]  }
0x93: {  	s5 =	sld [smem:$0x3FC3]  }
0x94: {  	s6 =	sld [smem:$0x3FC0];
	(tm) =	ssettm $0x1  }
0x95: {  	s7 =	sld [smem:$0x3FFB];
	_ =	sdelay $0x3  }
0x96: {  	_ =	strace s7  }
0x97: {  	s7 =	sld [smem:$0x3FFC];
	_ =	sdelay $0x3  }
0x98: {  	_ =	strace s7  }
0x99: {  	s7 =	sld [smem:$0x3FFD];
	_ =	sdelay $0x3  }
0x9a: {  	_ =	strace s7  }
0x9b: {  	_ =	strace $0x8FFFFFFF  }
0x9c: {  	s19 =	sld [smem:$0x3FDB];
	_ =	sdelay $0x1  }
0x9d: {  	s8 =	simm.s32 $_scs_section_size  }
0x9e: {  	s9 =	simm.s32 $_size__tile_overlayer_lowered;
	s10 =	simm.s32 $_tile_overlayer_lowered  }
0x9f: {  	s22 =	simm.s32 $0x1BFF;
	s21 =	sshll.u32 s10, $0x1;
	s7 =	sadd.s32 s8, s19  }
0xa0: {  	s11 =	simm.s32 $0x0;
	s20 =	sshll.u32 s9, $0x1;
	s9 =	sadd.s32 s21, s7  }
0xa1: {  	[timem:s11], [sflag:s22] =	dma.local [hbm:s9], s20  }
0xa2: {  	_ =	swait.ge [sflag:s22], s20  }
0xa3: {  	s8 =	ssub.s32 $0x0, s20;
	[sflag:s22] =	ssyncset.done $0x0  }
0xa4: {  	[sflag:s22] =	ssyncadd.s32 s8;
	_ =	sdelay $0x1  }
0xa5: {  	s23 =	simm.s32 $0x1B8B  }
0xa6: {  	_ =	swait.ge [sflag:s23], $0x1  }
0xa7: {  	[sflag:s23] =	ssyncset.done $0x0  }
0xa8: {  	s25 =	simm.s32 $0x1B8E;
	s24 =	sld [smem:$0x3FFE];
	[sflag:s23] =	ssyncadd.s32 $0xFFFFFFFF  }
0xa9: {  	s26 =	simm.s32 $execute0_lowered;
	[smem:$0x3FD2] =	sst s25  }
0xaa: {  	s9 =	sshll.u32 s26, $0x1;
	_ =	strace $0x80000046;
	[dreg:$0x1] =	wrdreg $0xFFFFFFFF  }
0xab: {  	s28 =	simm.s32 $_size_execute0_lowered;
	s7 =	sadd.s32 s7, s9;
	[dreg:$0x0] =	wrdreg $0x0  }
0xac: {  	s9 =	sshll.u32 s28, $0x1;
	[dreg:$0x2] =	wrdreg s7  }
0xad: {  	[dreg:$0x3] =	wrdreg s9  }
0xae: {  	[dreg:$0x4] =	wrdreg $0xC0  }
0xaf: {  	_ =	task [dreg:s11], $0x5FFFF  }
0xb0: {  	[dreg:$0x1] =	wrdreg $0xFFFFFFFF  }
0xb1: {  	[dreg:$0x0] =	wrdreg $0x60  }
0xb2: {  	[dreg:$0x2] =	wrdreg s2  }
0xb3: {  	[dreg:$0x3] =	wrdreg s18  }
0xb4: {  	[dreg:$0x4] =	wrdreg s4  }
0xb5: {  	[dreg:$0x5] =	wrdreg s24  }
0xb6: {  	[dreg:$0x6] =	wrdreg s5  }
0xb7: {  	[dreg:$0x7] =	wrdreg s6  }
0xb8: {  	[dreg:$0x8] =	wrdreg $0x9  }
0xb9: {  	_ =	task.clear_ibuf [dreg:s11], $0x9FFFF;
	_ =	strace $0x90000046  }
0xba: {  	s29 =	simm.s32 $0x9;
	_ =	strace $0x80000048  }
0xbb: {  	_ =	swait.ge [sflag:s29], $0x1  }
0xbc: {  	[sflag:s29] =	ssyncadd.s32 $0xFFFFFFFF  }
0xbd: {  	_ =	strace $0x90000048  }
0xbe: {  	_ =	sfence  }
0xbf: {  	s30 =	sld [smem:$0x0];
	_ =	sdelay $0x2  }
0xc0: {  	s31 =	sshll.u32 s1, $0xD;
	s1 =	sshrl.u32 s1, $0x2  }
0xc1: {  	s3 =	sand.u32 $0x4000, s31;
	s1 =	sadd.s32 s1, s30  }
0xc2: {  	s0 =	sor.u32 s3, s0;
	s1 =	sshll.u32 s1, $0x11  }
0xc3: {  	s0 =	sor.u32 s1, s0  }
0xc4: {  	s0 =	sadd.s32 $0x8F2B, s0  }
0xc5: {  	[sflag:s0] =	ssyncadd.remote.s32 $0x1  }
0xc6: {  	_ =	sfence.sel $0xFFFF  }
0xc7: {  	[dreg:$0x0] =	wrdreg $0xFFFFFFFF;
	(pc) =	sbr.abs _section_cstart, $3  }
0xc8: {  	[dreg:$0x1] =	wrdreg $0xFFFFFFFF  }
0xc9: {  	_ =	task.clear_ibuf [dreg:s11], $0x2FFFF;
	_ =	strace $0x9FFFFFFF  }
0xca: {  	(tm) =	ssettm $0x7FFFFFFF  }
0xcb: {  	_ =	shalt  }
tec
execute0_lowered:
.L_overlay_start_1:
0x0: {  	(tag) =	ssettag $0x1  }
0x1: {  	s0 =	rddreg [dreg:$0x0]  }
0x2: {  	s3 =	rddreg [dreg:$0x1]  }
0x3: {  	s6 =	rddreg [dreg:$0x2]  }
0x4: {  	s7 =	rddreg [dreg:$0x3]  }
0x5: {  	s1 =	rddreg [dreg:$0x4]  }
0x6: {  	s2 =	rddreg [dreg:$0x5];
	s4 =	simm.s32 $0x0;
	s5 =	srdreg.scid  }
0x7: {  	s9 =	stileid.u32;
	s28 =	simm.s32 $0x2;
	s29 =	simm.s32 $0x80  }
0x8: {  	s30 =	simm.s32 $0x100;
	s31 =	simm.s32 $0x180;
	[smem:$0x7FF] =	sst s4  }
0x9: {  	s8 =	sand.u32 $0x1, s5;
	s9 =	sshll.u32 s9, $0x1;
	s5 =	sadd.s32 $0x24CA00, s7  }
0xa: {  	s10 =	sadd.s32 $0x6A00, s7;
	s9 =	sor.u32 s8, s9;
	s8 =	ssub.s32 $0x2, s8  }
0xb: {  	_ =	strace $0x80000047;
	s11 =	sshrl.u32 s8, $0x1;
	s12 =	sshll.u32 s9, $0x9  }
0xc: {  	s19 =	sshll.u32 s9, $0x6;
	s8 =	ssub.s32 s8, s11;
	s13 =	sor.u32 $0x80, s12  }
0xd: {  	s14 =	sadd.s32 s0, s19;
	s20 =	sadd.s32 s3, s19;
	s11 =	sadd.s32 s6, s19  }
0xe: {  	s23 =	sor.u32 $0x100, s12;
	s12 =	sor.u32 $0x180, s12;
	[dreg:$0x7] =	wrdreg s14  }
0xf: {  	s19 =	sshll.u32 s9, $0xA;
	[dreg:$0x8] =	wrdreg s20;
	s21 =	sshrl.u32 s13, $0x3  }
0x10: {  	[dreg:$0x9] =	wrdreg s11;
	s24 =	sshrl.u32 s23, $0x3;
	s26 =	sshrl.u32 s12, $0x3  }
0x11: {  	s20 =	smul.u32 $0x12, s9;
	s9 =	simm.s32 $0x10180;
	s22 =	sadd.s32 s0, s21  }
0x12: {  	s11 =	simm.s32 $0x14180;
	s15 =	sadd.s32 s3, s21;
	[dreg:$0xa] =	wrdreg s22  }
0x13: {  	s14 =	sadd.s32 s6, s21;
	s25 =	sadd.s32 s0, s24;
	[dreg:$0xb] =	wrdreg s15  }
0x14: {  	s16 =	sadd.s32 s3, s24;
	s0 =	sadd.s32 s0, s26;
	[dreg:$0xc] =	wrdreg s14  }
0x15: {  	s17 =	sadd.s32 s3, s26;
	s18 =	sadd.s32 s6, s26;
	[dreg:$0xd] =	wrdreg s25  }
0x16: {  	s21 =	sshll.u32 s13, $0x1;
	s26 =	smax.u32 s8, $0x1;
	[dreg:$0xe] =	wrdreg s16  }
0x17: {  	s3 =	simm.s32 $0x4180;
	s8 =	simm.s32 $0xC180;
	[dreg:$0x10] =	wrdreg s0  }
0x18: {  	s13 =	simm.s32 $0x0;
	s15 =	sadd.s32 s6, s24;
	[dreg:$0x11] =	wrdreg s17  }
0x19: {  	[dreg:$0x12] =	wrdreg s18;
	s0 =	sadd.s32 s10, s19;
	s22 =	sshll.u32 s23, $0x1  }
0x1a: {  	s23 =	sshll.u32 s12, $0x1;
	s25 =	sadd.s32 s20, s7;
	[dreg:$0x18] =	wrdreg s26  }
0x1b: {  	s6 =	simm.s32 $0x8180;
	s12 =	simm.s32 $0x1;
	[dreg:$0xf] =	wrdreg s15  }
0x1c: {  	[dreg:$0x13] =	wrdreg s0;
	s0 =	sadd.s32 s10, s21;
	s24 =	sadd.s32 s10, s23  }
0x1d: {  	s23 =	sadd.s32 $0x4A00, s7;
	[dreg:$0x14] =	wrdreg s0;
	s0 =	sadd.s32 s10, s22  }
0x1e: {  	[dreg:$0x16] =	wrdreg s24;
	s22 =	sadd.s32 $0x189400, s7;
	s24 =	sadd.s32 $0x2A00, s7  }
0x1f: {  	s7 =	simm.s32 $0xA180;
	[dreg:$0x15] =	wrdreg s0;
	s0 =	sadd.s32 $0xEA00, s25  }
0x20: {  	s10 =	simm.s32 $0x12180;
	[dreg:$0x17] =	wrdreg s0;
	s0 =	simm.s32 $0x2180  }
.LBB2_1:
0x21: {  	s14 =	rddreg [dreg:$0x7]  }
0x22: {  	[tilespmem:s4], [sflag:$0x2] =	stream.linear.gather [hbm4b:s14+s4], $0x80, $0x38;
	[tilespmem:$0x18A10] =	vst v63  }
0x23: {  	_ =	swait.ge [sflag:s28], $0x80  }
0x24: {  	[sflag:s28] =	ssyncset.done $0x0  }
0x25: {  	s25 =	rddreg [dreg:$0x8];
	[sflag:s28] =	ssyncadd.s32 $0xFFFFFF80  }
0x26: {  	[tilespmem:s29], [sflag:$0x2] =	stream.linear.gather [hbm4b:s25+s4], $0x80, $0x38;
	[tilespmem:$0x18A10] =	vst v63  }
0x27: {  	_ =	swait.ge [sflag:s28], $0x80  }
0x28: {  	[sflag:s28] =	ssyncset.done $0x0  }
0x29: {  	s26 =	rddreg [dreg:$0x9];
	[sflag:s28] =	ssyncadd.s32 $0xFFFFFF80  }
0x2a: {  	[tilespmem:s30], [sflag:$0x2] =	stream.linear.gather [hbm4b:s26+s4], $0x80, $0x38;
	[tilespmem:$0x18A10] =	vst v63  }
0x2b: {  	_ =	swait.ge [sflag:s28], $0x80  }
0x2c: {  	[sflag:s28] =	ssyncset.done $0x0  }
0x2d: {  	[sflag:s28] =	ssyncadd.s32 $0xFFFFFF80  }
0x2e: {  	[tilespmem:s31], [sflag:$0x1] =	stream.indirect.gather [hbm4b:s5+s29], $0x40, s4, s29, $0xb8;
	[tilespmem:$0x18A10] =	vst v63  }
0x2f: {  	_ = 	snop  }
0x30: {  	[tilespmem:s0], [sflag:$0x1] =	stream.indirect.gather [hbm4b:s22+s29], $0x40, s4, s29, $0xb8;
	[tilespmem:$0x18A10] =	vst v63  }
0x31: {  	_ = 	snop  }
0x32: {  	[tilespmem:s3], [sflag:$0x1] =	stream.indirect.gather [hbm4b:s1+s29], $0x80, s4, s29, $0xb8;
	[tilespmem:$0x18A10] =	vst v63  }
0x33: {  	_ = 	snop  }
0x34: {  	[tilespmem:s6], [sflag:$0x1] =	stream.indirect.gather [hbm4b:s23+s29], $0x40, s29, s29, $0xb8;
	[tilespmem:$0x18A10] =	vst v63  }
0x35: {  	_ = 	snop  }
0x36: {  	[tilespmem:s7], [sflag:$0x1] =	stream.indirect.gather [hbm4b:s24+s29], $0x40, s29, s29, $0xb8;
	[tilespmem:$0x18A10] =	vst v63  }
0x37: {  	_ = 	snop  }
0x38: {  	[tilespmem:s8], [sflag:$0x1] =	stream.indirect.gather [hbm4b:s2+s29], $0x80, s29, s29, $0xb8;
	[tilespmem:$0x18A10] =	vst v63  }
0x39: {  	_ = 	snop  }
0x3a: {  	[tilespmem:s9], [sflag:$0x1] =	stream.indirect.gather [hbm4b:s5+s29], $0x40, s30, s29, $0xb8;
	[tilespmem:$0x18A10] =	vst v63  }
0x3b: {  	_ = 	snop  }
0x3c: {  	[tilespmem:s10], [sflag:$0x1] =	stream.indirect.gather [hbm4b:s22+s29], $0x40, s30, s29, $0xb8;
	[tilespmem:$0x18A10] =	vst v63  }
0x3d: {  	_ = 	snop  }
0x3e: {  	[tilespmem:s11], [sflag:$0x1] =	stream.indirect.gather [hbm4b:s1+s29], $0x80, s30, s29, $0xb8;
	[tilespmem:$0x18A10] =	vst v63  }
0x3f: {  	_ =	swait.ge [sflag:s12], $0x2000  }
0x40: {  	[sflag:s12] =	ssyncset.done $0x0  }
0x41: {  	[sflag:s12] =	ssyncadd.s32 $0xFFFFE000  }
0x42: {  	_ =	swait.ge [sflag:s12], $0x2000  }
0x43: {  	[sflag:s12] =	ssyncset.done $0x0  }
0x44: {  	[sflag:s12] =	ssyncadd.s32 $0xFFFFE000  }
0x45: {  	_ =	swait.ge [sflag:s12], $0x4000  }
0x46: {  	[sflag:s12] =	ssyncset.done $0x0  }
0x47: {  	[sflag:s12] =	ssyncadd.s32 $0xFFFFC000  }
0x48: {  	_ =	swait.ge [sflag:s12], $0x2000  }
0x49: {  	[sflag:s12] =	ssyncset.done $0x0  }
0x4a: {  	[sflag:s12] =	ssyncadd.s32 $0xFFFFE000  }
0x4b: {  	_ =	swait.ge [sflag:s12], $0x2000  }
0x4c: {  	[sflag:s12] =	ssyncset.done $0x0  }
0x4d: {  	[sflag:s12] =	ssyncadd.s32 $0xFFFFE000  }
0x4e: {  	_ =	swait.ge [sflag:s12], $0x4000  }
0x4f: {  	[sflag:s12] =	ssyncset.done $0x0  }
0x50: {  	[sflag:s12] =	ssyncadd.s32 $0xFFFFC000  }
0x51: {  	_ =	swait.ge [sflag:s12], $0x2000  }
0x52: {  	[sflag:s12] =	ssyncset.done $0x0  }
0x53: {  	[sflag:s12] =	ssyncadd.s32 $0xFFFFE000  }
0x54: {  	_ =	swait.ge [sflag:s12], $0x2000  }
0x55: {  	[sflag:s12] =	ssyncset.done $0x0  }
0x56: {  	[sflag:s12] =	ssyncadd.s32 $0xFFFFE000  }
0x57: {  	_ =	swait.ge [sflag:s12], $0x4000  }
0x58: {  	[sflag:s12] =	ssyncset.done $0x0  }
0x59: {  	s14 =	simm.s32 $0x141C0;
	[sflag:s12] =	ssyncadd.s32 $0xFFFFC000  }
0x5a: {  	v1 =	vld [tilespmem:s14+$0x20]  }
0x5b: {  	s15 =	simm.s32 $0x30;
	v6 =	vld [tilespmem:s14+$0xFFFFFFF0]  }
0x5c: {  	v8 =	vld [tilespmem:s15+$0x8180]  }
0x5d: {  	v10 =	vld [tilespmem:s15+$0xA180]  }
0x5e: {  	v5 =	vld [tilespmem:s15+$0x12170]  }
0x5f: {  	v13 =	vld [tilespmem:s15+$0x180]  }
0x60: {  	v11 =	vld [tilespmem:s15+$0x8170]  }
0x61: {  	v14 =	vld [tilespmem:s15+$0xA170]  }
0x62: {  	v16 =	vld [tilespmem:s15+$0x12150]  }
0x63: {  	v19 =	vld [tilespmem:s15+$0x12160]  }
0x64: {  	v23 =	vld [tilespmem:s15+$0x170]  }
0x65: {  	v7 =	vld [tilespmem:s15+$0x2180]  }
0x66: {  	v9 =	vld [tilespmem:s15+$0x2170]  }
0x67: {  	v20 =	vld [tilespmem:s15+$0x8160];
	v2 =	vmul.f32 v6, v6  }
0x68: {  	v24 =	vld [tilespmem:s15+$0x2150];
	v18 =	vmul.f32 v13, v8;
	v17 =	vmul.f32 v13, v10  }
0x69: {  	v26 =	vld [tilespmem:s15+$0x2160];
	v12 =	vmul.f32 v11, v11;
	v0 =	vmul.f32 v1, v1  }
0x6a: {  	v29 =	vld [tilespmem:s15+$0x150];
	v15 =	vmul.f32 v16, v16;
	v22 =	vmul.f32 v19, v19  }
0x6b: {  	v34 =	vld [tilespmem:s15+$0xA150];
	v25 =	vmul.f32 v23, v11;
	v27 =	vmul.f32 v5, v5  }
0x6c: {  	v32 =	vld [tilespmem:s15+$0x8150];
	v28 =	vmul.f32 v23, v14;
	v21 =	vmul.f32 v7, v10  }
0x6d: {  	v37 =	vld [tilespmem:s15+$0x160];
	v30 =	vmul.f32 v9, v14;
	v35 =	vmul.f32 v14, v14  }
0x6e: {  	v11 =	vmul.f32 v9, v11;
	v33 =	vmul.f32 v20, v20  }
0x6f: {  	v3 =	vld [tilespmem:s15+$0x10170];
	v14 =	vmul.f32 v24, v24;
	v36 =	vmul.f32 v7, v8  }
0x70: {  	v38 =	vmul.f32 v26, v20;
	v59 =	vmul.f32 v24, v34  }
0x71: {  	v4 =	vimm.f32 $0.0e+00;
	v40 =	vmul.f32 v29, v34;
	v24 =	vmul.f32 v24, v32  }
0x72: {  	v39 =	vld [tilespmem:s15+$0x10150];
	v20 =	vmul.f32 v37, v20;
	v60 =	vmul.f32 v34, v34;
	v31 =	vadd.f32 v15, v4  }
0x73: {  	v23 =	vmul.f32 v23, v23;
	v25 =	vsub.f32 v25, v30;
	v11 =	vadd.f32 v11, v28  }
0x74: {  	v15 =	vmul.f32 v3, v3;
	v30 =	vmul.f32 v26, v26;
	v28 =	vld [tilespmem:s15+$0x12180];
	v14 =	vadd.f32 v14, v4  }
0x75: {  	v17 =	vadd.f32 v36, v17;
	v31 =	vadd.f32 v22, v31;
	v22 =	vmul.f32 v5, v11;
	v11 =	vld [tilespmem:s15+$0xA160]  }
0x76: {  	v24 =	vadd.f32 v24, v40;
	v25 =	vmul.f32 v25, v3;
	v14 =	vadd.f32 v30, v14  }
0x77: {  	v30 =	vmul.f32 v39, v39;
	v3 =	vadd.f32 v27, v31;
	v27 =	vmul.f32 v29, v32  }
0x78: {  	v16 =	vmul.f32 v16, v24;
	v24 =	vadd.f32 v60, v4;
	v31 =	vmul.f32 v32, v32  }
0x79: {  	v29 =	vmul.f32 v29, v29;
	v5 =	vmul.f32 v28, v28;
	v27 =	vsub.f32 v27, v59  }
0x7a: {  	v61 =	vld [tilespmem:s15+$0x10160];
	v31 =	vadd.f32 v31, v4;
	v26 =	vmul.f32 v26, v11;
	v62 =	vmul.f32 v37, v11  }
0x7b: {  	v29 =	vadd.f32 v29, v4;
	v11 =	vmul.f32 v11, v11;
	v39 =	vmul.f32 v27, v39  }
0x7c: {  	v27 =	vmul.f32 v28, v17;
	v17 =	vadd.f32 v33, v31;
	v28 =	vmul.f32 v37, v37  }
0x7d: {  	v31 =	vld [tilespmem:s15+$0x10180];
	v26 =	vsub.f32 v20, v26;
	v36 =	vadd.f32 v38, v62;
	v20 =	vmul.f32 v8, v8  }
0x7e: {  	s15 =	simm.s32 $0xC1C0;
	v11 =	vadd.f32 v11, v24;
	v8 =	vmul.f32 v10, v10;
	v63 =	vadd.f32 $0.0e+00, v39  }
0x7f: {  	v24 =	vld [tilespmem:s15+$0xFFFFFFE0];
	v10 =	vadd.f32 v28, v29;
	v28 =	vmul.f32 v61, v61;
	v32 =	vmul.f32 v26, v61  }
0x80: {  	s19 =	simm.s32 $0x41C0;
	v26 =	vadd.f32 v30, v4;
	v33 =	vmul.f32 v19, v36;
	v11 =	vadd.f32 v35, v11  }
0x81: {  	s20 =	simm.s32 $0x1C0;
	s21 =	simm.s32 $0xC240;
	s18 =	simm.s32 $0x41C0;
	v19 =	vld [tilespmem:s15+$0xFFFFFFF0];
	v30 =	vmul.f32 v13, v13;
	v13 =	vimm.f32 $0.0e+00;
	v34 =	vadd.f32 v63, v16  }
0x82: {  	s17 =	simm.s32 $0x141C0;
	s16 =	simm.s32 $0x18180;
	s25 =	simm.s32 $0x18180;
	v29 =	vadd.f32 v23, v10;
	v23 =	vld [tilespmem:s19+$0xFFFFFFE0];
	v10 =	vimm.f32 $0.0e+00;
	v16 =	vmul.f32 v31, v31  }
.LBB2_2:
0x83: {  	v32 =	vadd.f32 v32, v34;
	v26 =	vadd.f32 v28, v26;
	v28 =	vld [tilespmem:s15+$0xFFFFFFD0];
	s25 =	sadd.s32 $0x10, s25;
	s14 =	sadd.s32 $0x80, s14;
	s19 =	sadd.s32 $0x80, s19  }
0x84: {  	p0 =	sne.s32 s20, $0x7FC0;
	v12 =	vadd.f32 v12, v17;
	s26 =	smov.u32 s20;
	s20 =	sadd.s32 $0x100, s20;
	v17 =	vadd.f32 v30, v29;
	v29 =	vld [tilespmem:s18+$0xFFFFFFC0];
	v30 =	vmul.f32 v24, v24  }
0x85: {  	v9 =	vmul.f32 v9, v9;
	v32 =	vadd.f32 v32, v33;
	v15 =	vadd.f32 v15, v26;
	v26 =	vld [tilespmem:s15+$0xFFFFFFC0]  }
0x86: {  	v18 =	vsub.f32 v18, v21;
	v20 =	vadd.f32 v20, v12;
	v12 =	vld [tilespmem:s18+$0xFFFFFFD0];
	v21 =	vmul.f32 v19, v19  }
0x87: {  	v7 =	vmul.f32 v7, v7;
	v16 =	vadd.f32 v16, v15;
	v15 =	vld [tilespmem:s17+$0xFFFFFFC0];
	v24 =	vmul.f32 v23, v24  }
0x88: {  	v18 =	vmul.f32 v18, v31;
	v25 =	vadd.f32 v25, v32;
	v23 =	vmul.f32 v23, v23;
	v31 =	vld [tilespmem:s17+$0xFFFFFFD0]  }
0x89: {  	v9 =	vadd.f32 v9, v14;
	v32 =	vmul.f32 v28, v28;
	v14 =	vmul.f32 v29, v29  }
0x8a: {  	v22 =	vadd.f32 v25, v22;
	v25 =	vmul.f32 v29, v26;
	v26 =	vmul.f32 v26, v26;
	v29 =	vld [tilespmem:s18+$0xFFFFFFF0]  }
0x8b: {  	v4 =	vadd.f32 v14, v4;
	v14 =	vmul.f32 v12, v28;
	v12 =	vmul.f32 v12, v12;
	v28 =	vld [tilespmem:s18+$0x10]  }
0x8c: {  	v18 =	vadd.f32 v18, v22;
	v22 =	vmul.f32 v15, v25;
	v13 =	vadd.f32 v26, v13;
	v25 =	vld [tilespmem:s17+$0xFFFFFFE0]  }
0x8d: {  	v15 =	vmul.f32 v15, v15;
	v14 =	vmul.f32 v31, v14;
	v4 =	vadd.f32 v12, v4;
	v12 =	vld [tilespmem:s15+$0x0]  }
0x8e: {  	v18 =	vadd.f32 v18, v27;
	v26 =	vmul.f32 v31, v31;
	v13 =	vadd.f32 v32, v13;
	v27 =	vld [tilespmem:s18+$0x0]  }
0x8f: {  	v10 =	vadd.f32 v15, v10;
	v4 =	vadd.f32 v23, v4;
	v15 =	vmul.f32 v29, v19;
	v19 =	vld [tilespmem:s15+$0x10]  }
0x90: {  	v18 =	vadd.f32 v22, v18;
	v22 =	vmul.f32 v29, v29;
	v13 =	vadd.f32 v30, v13;
	v23 =	vld [tilespmem:s17+$0x0]  }
0x91: {  	v10 =	vadd.f32 v26, v10;
	v24 =	vmul.f32 v25, v24;
	v25 =	vmul.f32 v25, v25;
	v26 =	vld [tilespmem:s18+$0x20]  }
0x92: {  	v14 =	vadd.f32 v14, v18;
	v13 =	vadd.f32 v21, v13;
	v18 =	vmul.f32 v12, v12;
	v21 =	vld [tilespmem:s17+$0x10]  }
0x93: {  	v6 =	vmul.f32 v6, v15;
	v10 =	vadd.f32 v25, v10;
	v12 =	vmul.f32 v27, v12;
	v15 =	vld [tilespmem:s15+$0x20]  }
0x94: {  	v14 =	vadd.f32 v24, v14;
	v13 =	vadd.f32 v18, v13;
	v18 =	vmul.f32 v28, v19  }
0x95: {  	v4 =	vadd.f32 v22, v4;
	v2 =	vadd.f32 v2, v10;
	v10 =	vmul.f32 v23, v23;
	v22 =	vld [tilespmem:s18+$0x30];
	s18 =	smov.u32 s19  }
0x96: {  	v6 =	vadd.f32 v6, v14;
	v12 =	vmul.f32 v23, v12;
	v14 =	vmul.f32 v26, v26;
	v23 =	vld [tilespmem:s17+$0x30];
	s17 =	smov.u32 s14  }
0x97: {  	v24 =	vmul.f32 v27, v27;
	v2 =	vadd.f32 v10, v2;
	v10 =	vmul.f32 v21, v21;
	v25 =	vld [tilespmem:s15+$0x30];
	s15 =	smov.u32 s21  }
0x98: {  	v6 =	vadd.f32 v12, v6;
	v12 =	vmul.f32 v21, v18;
	v18 =	vmul.f32 v19, v19  }
0x99: {  	v2 =	vadd.f32 v10, v2;
	v10 =	vmul.f32 v26, v15;
	v15 =	vmul.f32 v15, v15  }
0x9a: {  	v4 =	vadd.f32 v24, v4;
	v6 =	vadd.f32 v12, v6;
	v12 =	vmul.f32 v28, v28  }
0x9b: {  	v1 =	vmul.f32 v1, v10;
	v0 =	vadd.f32 v0, v2;
	v2 =	vmul.f32 v23, v23  }
0x9c: {  	v4 =	vadd.f32 v12, v4;
	v12 =	vadd.f32 v18, v13;
	v13 =	vmul.f32 v22, v25  }
0x9d: {  	s26 =	sshra.s32 s26, $0x2;
	v1 =	vadd.f32 v1, v6;
	v6 =	vmul.f32 v22, v22;
	v10 =	vadd.f32 v2, v0  }
0x9e: {  	v8 =	vadd.f32 v8, v11;
	v0 =	vadd.f32 v15, v12;
	v2 =	vmul.f32 v23, v13  }
0x9f: {  	v11 =	vadd.f32 v7, v9;
	v7 =	vmul.f32 v25, v25;
	v4 =	vadd.f32 v14, v4  }
0xa0: {  	v3 =	vadd.f32 v5, v3;
	v1 =	vadd.f32 v2, v1  }
0xa1: {  	v4 =	vadd.f32 v6, v4;
	v13 =	vadd.f32 v7, v0  }
0xa2: {  	[tilespmem:s16+$0x0] =	vst v1;
	s16 =	smov.u32 s25  }
0xa3: {  	v1 =	vld [tilespmem:s14+$0x20]  }
0xa4: {  	v6 =	vld [tilespmem:s14+$0xFFFFFFF0]  }
0xa5: {  	v5 =	vld [tilespmem:s26+$0x10170]  }
0xa6: {  	v19 =	vld [tilespmem:s26+$0x8180]  }
0xa7: {  	v23 =	vld [tilespmem:s26+$0xA180]  }
0xa8: {  	v14 =	vld [tilespmem:s26+$0x12170]  }
0xa9: {  	v30 =	vld [tilespmem:s26+$0x180]  }
0xaa: {  	v2 =	vmul.f32 v6, v6;
	v15 =	vld [tilespmem:s26+$0x8170]  }
0xab: {  	v22 =	vld [tilespmem:s26+$0xA170]  }
0xac: {  	v24 =	vld [tilespmem:s26+$0x12150]  }
0xad: {  	v29 =	vld [tilespmem:s26+$0x12160]  }
0xae: {  	v33 =	vld [tilespmem:s26+$0x170];
	v18 =	vmul.f32 v30, v19;
	v26 =	vmul.f32 v30, v23  }
0xaf: {  	v12 =	vmul.f32 v15, v15;
	v7 =	vld [tilespmem:s26+$0x2180]  }
0xb0: {  	v0 =	vmul.f32 v1, v1;
	v9 =	vld [tilespmem:s26+$0x2170]  }
0xb1: {  	v21 =	vmul.f32 v24, v24;
	v27 =	vld [tilespmem:s26+$0x8160]  }
0xb2: {  	v28 =	vld [tilespmem:s26+$0x2150];
	v25 =	vmul.f32 v29, v29  }
0xb3: {  	v34 =	vmul.f32 v14, v14;
	v3 =	vadd.f32 v21, v3;
	v31 =	vld [tilespmem:s26+$0x2160];
	v32 =	vmul.f32 v33, v15  }
0xb4: {  	v36 =	vmul.f32 v33, v22;
	v35 =	vld [tilespmem:s26+$0xA160];
	v21 =	vmul.f32 v7, v23  }
0xb5: {  	v38 =	vmul.f32 v22, v22;
	v37 =	vld [tilespmem:s26+$0x150];
	v3 =	vadd.f32 v25, v3;
	v25 =	vmul.f32 v9, v22  }
0xb6: {  	v22 =	vmul.f32 v9, v15;
	v39 =	vld [tilespmem:s26+$0x8150];
	v40 =	vmul.f32 v27, v27  }
0xb7: {  	v15 =	vmul.f32 v5, v5;
	v41 =	vld [tilespmem:s26+$0xA150];
	v42 =	vmul.f32 v28, v28;
	v25 =	vsub.f32 v32, v25  }
0xb8: {  	v43 =	vmul.f32 v7, v19;
	v22 =	vadd.f32 v22, v36;
	v32 =	vmul.f32 v31, v31;
	v36 =	vld [tilespmem:s26+$0x12180]  }
0xb9: {  	v44 =	vmul.f32 v31, v27;
	v11 =	vadd.f32 v42, v11;
	v42 =	vld [tilespmem:s26+$0x160];
	v25 =	vmul.f32 v25, v5  }
0xba: {  	v26 =	vadd.f32 v43, v26;
	v3 =	vadd.f32 v34, v3;
	v22 =	vmul.f32 v14, v22;
	v45 =	vld [tilespmem:s26+$0x10150]  }
0xbb: {  	v34 =	vmul.f32 v37, v39;
	v5 =	vmul.f32 v39, v39;
	v14 =	vadd.f32 v32, v11  }
0xbc: {  	v11 =	vmul.f32 v28, v41;
	v32 =	vmul.f32 v37, v41  }
0xbd: {  	v28 =	vmul.f32 v28, v39;
	v20 =	vadd.f32 v5, v20;
	v5 =	vmul.f32 v36, v36  }
0xbe: {  	v11 =	vsub.f32 v34, v11;
	v34 =	vmul.f32 v37, v37;
	v37 =	vld [tilespmem:s26+$0x10160];
	v27 =	vmul.f32 v42, v27  }
0xbf: {  	v28 =	vadd.f32 v28, v32;
	v32 =	vmul.f32 v41, v41;
	v39 =	vmul.f32 v45, v45  }
0xc0: {  	v34 =	vadd.f32 v34, v17;
	v17 =	vmul.f32 v31, v35;
	v31 =	vmul.f32 v42, v35  }
0xc1: {  	v11 =	vmul.f32 v11, v45;
	v41 =	vmul.f32 v24, v28;
	v8 =	vadd.f32 v32, v8  }
0xc2: {  	v28 =	vmul.f32 v35, v35;
	v24 =	vsub.f32 v27, v17;
	v27 =	vmul.f32 v36, v26  }
0xc3: {  	v35 =	vadd.f32 v44, v31;
	v17 =	vadd.f32 v40, v20;
	v20 =	vmul.f32 v19, v19;
	v31 =	vld [tilespmem:s26+$0x10180]  }
.Ltmp0:
0xc4: {  	v19 =	vmul.f32 v42, v42;
	v36 =	vadd.f32 v28, v8;
	v32 =	vmul.f32 v24, v37;
	(pc) =	sbr.rel @p0 .LBB2_2-.Ltmp0, $4  }
0xc5: {  	v11 =	vadd.f32 $0.0e+00, v11;
	v26 =	vadd.f32 v39, v16;
	v8 =	vmul.f32 v23, v23;
	v24 =	vld [tilespmem:s21+$0xFFFFFFE0]  }
0xc6: {  	v23 =	vmul.f32 v33, v33;
	v28 =	vmul.f32 v37, v37;
	v16 =	vadd.f32 v19, v34  }
0xc7: {  	v34 =	vadd.f32 v11, v41;
	v33 =	vmul.f32 v29, v35;
	v11 =	vadd.f32 v38, v36;
	v19 =	vld [tilespmem:s21+$0xFFFFFFF0]  }
0xc8: {  	v30 =	vmul.f32 v30, v30;
	v29 =	vadd.f32 v23, v16;
	s21 =	sadd.s32 $0x80, s21;
	v16 =	vmul.f32 v31, v31;
	v23 =	vld [tilespmem:s19+$0xFFFFFFE0]  }
0xc9: {  	v32 =	vadd.f32 v32, v34;
	v51 =	vld [tilespmem:s15+$0xFFFFFFD0]  }
0xca: {  	v35 =	vld [tilespmem:s18+$0xFFFFFFC0]  }
0xcb: {  	v52 =	vld [tilespmem:s15+$0xFFFFFFC0];
	v32 =	vadd.f32 v32, v33  }
0xcc: {  	v36 =	vld [tilespmem:s18+$0xFFFFFFD0]  }
0xcd: {  	v18 =	vsub.f32 v18, v21;
	v37 =	vld [tilespmem:s17+$0xFFFFFFC0];
	v21 =	vadd.f32 v25, v32  }
0xce: {  	v53 =	vld [tilespmem:s17+$0xFFFFFFD0]  }
0xcf: {  	v38 =	vld [tilespmem:s18+$0xFFFFFFF0];
	v25 =	vmul.f32 v18, v31;
	v21 =	vadd.f32 v21, v22  }
0xd0: {  	v39 =	vld [tilespmem:s17+$0xFFFFFFE0]  }
0xd1: {  	v40 =	vld [tilespmem:s15+$0x0];
	v22 =	vmul.f32 v35, v52;
	v21 =	vadd.f32 v25, v21  }
0xd2: {  	v41 =	vld [tilespmem:s18+$0x0]  }
0xd3: {  	v42 =	vld [tilespmem:s17+$0x0];
	v31 =	vmul.f32 v36, v51;
	v22 =	vmul.f32 v37, v22;
	v21 =	vadd.f32 v21, v27  }
0xd4: {  	v45 =	vld [tilespmem:s17+$0x10]  }
0xd5: {  	v18 =	vld [tilespmem:s18+$0x10];
	v31 =	vmul.f32 v53, v31;
	v27 =	vmul.f32 v23, v24;
	v22 =	vadd.f32 v22, v21  }
0xd6: {  	v25 =	vld [tilespmem:s15+$0x10]  }
0xd7: {  	v43 =	vmul.f32 v38, v19;
	v21 =	vld [tilespmem:s18+$0x20];
	v44 =	vmul.f32 v39, v27;
	v22 =	vadd.f32 v31, v22  }
0xd8: {  	v27 =	vld [tilespmem:s15+$0x20]  }
0xd9: {  	v54 =	vmul.f32 v41, v40;
	v6 =	vmul.f32 v6, v43;
	v31 =	vld [tilespmem:s18+$0x30];
	v44 =	vadd.f32 v44, v22  }
0xda: {  	v22 =	vld [tilespmem:s15+$0x30]  }
0xdb: {  	v43 =	vmul.f32 v42, v54;
	v46 =	vmul.f32 v18, v25;
	v6 =	vadd.f32 v6, v44  }
0xdc: {  	v55 =	vld [tilespmem:s17+$0x30]  }
0xdd: {  	v56 =	vmul.f32 v45, v46;
	v57 =	vmul.f32 v21, v27;
	v6 =	vadd.f32 v43, v6;
	_ =	sdelay $0x1  }
0xde: {  	v1 =	vmul.f32 v1, v57;
	v58 =	vmul.f32 v31, v22;
	v6 =	vadd.f32 v56, v6;
	_ =	sdelay $0x1  }
0xdf: {  	v1 =	vadd.f32 v1, v6;
	v6 =	vmul.f32 v55, v58;
	_ =	sdelay $0x1  }
0xe0: {  	v1 =	vadd.f32 v6, v1;
	_ =	sdelay $0x1  }
0xe1: {  	s14 =	simm.s32 $0x18180;
	s19 =	rddreg [dreg:$0x13];
	[tilespmem:s16+$0x0] =	vst v1  }
0xe2: {  	[hbm4b:s19+s4] =	stream.linear.scatter [tilespmem:s14], [sflag:$0x2], $0x800, $0x38;
	[tilespmem:$0x18A10] =	vst v63  }
0xe3: {  	_ =	swait.ge [sflag:s28], $0x800  }
0xe4: {  	[sflag:s28] =	ssyncset.done $0x0  }
0xe5: {  	s20 =	rddreg [dreg:$0xa];
	[sflag:s28] =	ssyncadd.s32 $0xFFFFF800  }
0xe6: {  	[tilespmem:s4], [sflag:$0x2] =	stream.linear.gather [hbm4b:s20+s4], $0x80, $0x38;
	[tilespmem:$0x18A10] =	vst v63  }
0xe7: {  	_ =	swait.ge [sflag:s28], $0x80  }
0xe8: {  	[sflag:s28] =	ssyncset.done $0x0  }
0xe9: {  	s21 =	rddreg [dreg:$0xb];
	[sflag:s28] =	ssyncadd.s32 $0xFFFFFF80  }
0xea: {  	[tilespmem:s29], [sflag:$0x2] =	stream.linear.gather [hbm4b:s21+s4], $0x80, $0x38;
	[tilespmem:$0x18A10] =	vst v63  }
0xeb: {  	_ =	swait.ge [sflag:s28], $0x80  }
0xec: {  	[sflag:s28] =	ssyncset.done $0x0  }
0xed: {  	s25 =	rddreg [dreg:$0xc];
	[sflag:s28] =	ssyncadd.s32 $0xFFFFFF80  }
0xee: {  	[tilespmem:s30], [sflag:$0x2] =	stream.linear.gather [hbm4b:s25+s4], $0x80, $0x38;
	[tilespmem:$0x18A10] =	vst v63  }
0xef: {  	_ =	swait.ge [sflag:s28], $0x80  }
0xf0: {  	[sflag:s28] =	ssyncset.done $0x0  }
0xf1: {  	[sflag:s28] =	ssyncadd.s32 $0xFFFFFF80  }
0xf2: {  	[tilespmem:s31], [sflag:$0x1] =	stream.indirect.gather [hbm4b:s5+s29], $0x40, s4, s29, $0xb8;
	[tilespmem:$0x18A10] =	vst v63  }
0xf3: {  	_ = 	snop  }
0xf4: {  	[tilespmem:s0], [sflag:$0x1] =	stream.indirect.gather [hbm4b:s22+s29], $0x40, s4, s29, $0xb8;
	[tilespmem:$0x18A10] =	vst v63  }
0xf5: {  	_ = 	snop  }
0xf6: {  	[tilespmem:s3], [sflag:$0x1] =	stream.indirect.gather [hbm4b:s1+s29], $0x80, s4, s29, $0xb8;
	[tilespmem:$0x18A10] =	vst v63  }
0xf7: {  	_ = 	snop  }
0xf8: {  	[tilespmem:s6], [sflag:$0x1] =	stream.indirect.gather [hbm4b:s23+s29], $0x40, s29, s29, $0xb8;
	[tilespmem:$0x18A10] =	vst v63  }
0xf9: {  	_ = 	snop  }
0xfa: {  	[tilespmem:s7], [sflag:$0x1] =	stream.indirect.gather [hbm4b:s24+s29], $0x40, s29, s29, $0xb8;
	[tilespmem:$0x18A10] =	vst v63  }
0xfb: {  	_ = 	snop  }
0xfc: {  	[tilespmem:s8], [sflag:$0x1] =	stream.indirect.gather [hbm4b:s2+s29], $0x80, s29, s29, $0xb8;
	[tilespmem:$0x18A10] =	vst v63  }
0xfd: {  	_ = 	snop  }
0xfe: {  	[tilespmem:s9], [sflag:$0x1] =	stream.indirect.gather [hbm4b:s5+s29], $0x40, s30, s29, $0xb8;
	[tilespmem:$0x18A10] =	vst v63  }
0xff: {  	_ = 	snop  }
0x100: {  	[tilespmem:s10], [sflag:$0x1] =	stream.indirect.gather [hbm4b:s22+s29], $0x40, s30, s29, $0xb8;
	[tilespmem:$0x18A10] =	vst v63  }
0x101: {  	_ = 	snop  }
0x102: {  	[tilespmem:s11], [sflag:$0x1] =	stream.indirect.gather [hbm4b:s1+s29], $0x80, s30, s29, $0xb8;
	[tilespmem:$0x18A10] =	vst v63  }
0x103: {  	_ =	swait.ge [sflag:s12], $0x2000  }
0x104: {  	[sflag:s12] =	ssyncset.done $0x0  }
0x105: {  	[sflag:s12] =	ssyncadd.s32 $0xFFFFE000  }
0x106: {  	_ =	swait.ge [sflag:s12], $0x2000  }
0x107: {  	[sflag:s12] =	ssyncset.done $0x0  }
0x108: {  	[sflag:s12] =	ssyncadd.s32 $0xFFFFE000  }
0x109: {  	_ =	swait.ge [sflag:s12], $0x4000  }
0x10a: {  	[sflag:s12] =	ssyncset.done $0x0  }
0x10b: {  	[sflag:s12] =	ssyncadd.s32 $0xFFFFC000  }
0x10c: {  	_ =	swait.ge [sflag:s12], $0x2000  }
0x10d: {  	[sflag:s12] =	ssyncset.done $0x0  }
0x10e: {  	[sflag:s12] =	ssyncadd.s32 $0xFFFFE000  }
0x10f: {  	_ =	swait.ge [sflag:s12], $0x2000  }
0x110: {  	[sflag:s12] =	ssyncset.done $0x0  }
0x111: {  	[sflag:s12] =	ssyncadd.s32 $0xFFFFE000  }
0x112: {  	_ =	swait.ge [sflag:s12], $0x4000  }
0x113: {  	[sflag:s12] =	ssyncset.done $0x0  }
0x114: {  	[sflag:s12] =	ssyncadd.s32 $0xFFFFC000  }
0x115: {  	_ =	swait.ge [sflag:s12], $0x2000  }
0x116: {  	[sflag:s12] =	ssyncset.done $0x0  }
0x117: {  	[sflag:s12] =	ssyncadd.s32 $0xFFFFE000  }
0x118: {  	v17 =	vadd.f32 v12, v17;
	v6 =	vmul.f32 v37, v37;
	_ =	swait.ge [sflag:s12], $0x2000  }
0x119: {  	v9 =	vmul.f32 v9, v9;
	v7 =	vmul.f32 v7, v7;
	v1 =	vadd.f32 v28, v26;
	[sflag:s12] =	ssyncset.done $0x0  }
0x11a: {  	v26 =	vmul.f32 v52, v52;
	v28 =	vmul.f32 v53, v53;
	v6 =	vadd.f32 v6, v10;
	[sflag:s12] =	ssyncadd.s32 $0xFFFFE000  }
0x11b: {  	v10 =	vadd.f32 v15, v1;
	v1 =	vmul.f32 v35, v35;
	v15 =	vmul.f32 v51, v51;
	_ =	swait.ge [sflag:s12], $0x4000  }
0x11c: {  	v13 =	vadd.f32 v26, v13;
	v6 =	vadd.f32 v28, v6;
	v26 =	vmul.f32 v39, v39;
	[sflag:s12] =	ssyncset.done $0x0  }
0x11d: {  	v17 =	vadd.f32 v20, v17;
	v20 =	vmul.f32 v36, v36;
	s15 =	simm.s32 $0x141C0;
	v4 =	vadd.f32 v1, v4;
	[sflag:s12] =	ssyncadd.s32 $0xFFFFC000  }
0x11e: {  	v19 =	vmul.f32 v19, v19;
	v13 =	vadd.f32 v15, v13;
	v15 =	vadd.f32 v26, v6;
	v1 =	vld [tilespmem:s15+$0x20]  }
0x11f: {  	s26 =	simm.s32 $0x30;
	v11 =	vadd.f32 v8, v11;
	v24 =	vmul.f32 v24, v24;
	v23 =	vmul.f32 v23, v23;
	v6 =	vld [tilespmem:s15+$0xFFFFFFF0]  }
0x120: {  	v4 =	vadd.f32 v20, v4;
	v2 =	vadd.f32 v2, v15;
	v15 =	vmul.f32 v42, v42;
	v20 =	vld [tilespmem:s26+$0x10170]  }
0x121: {  	v16 =	vadd.f32 v16, v10;
	v10 =	vmul.f32 v38, v38;
	v13 =	vadd.f32 v24, v13;
	v24 =	vld [tilespmem:s26+$0x8180]  }
0x122: {  	v4 =	vadd.f32 v23, v4;
	v2 =	vadd.f32 v15, v2;
	v15 =	vmul.f32 v45, v45;
	v23 =	vld [tilespmem:s26+$0xA180]  }
0x123: {  	v14 =	vadd.f32 v9, v14;
	v26 =	vmul.f32 v40, v40;
	v13 =	vadd.f32 v19, v13;
	v35 =	vld [tilespmem:s26+$0x180]  }
0x124: {  	v4 =	vadd.f32 v10, v4;
	v10 =	vmul.f32 v41, v41;
	v2 =	vadd.f32 v15, v2;
	v15 =	vld [tilespmem:s26+$0x8170]  }
0x125: {  	v12 =	vadd.f32 v30, v29;
	v9 =	vadd.f32 v26, v13;
	v13 =	vmul.f32 v25, v25;
	v25 =	vld [tilespmem:s26+$0xA170]  }
0x126: {  	v14 =	vadd.f32 v7, v14;
	v4 =	vadd.f32 v10, v4;
	v26 =	vld [tilespmem:s26+$0x12150]  }
0x127: {  	v10 =	vmul.f32 v18, v18;
	v18 =	vmul.f32 v27, v27;
	v9 =	vadd.f32 v13, v9;
	v30 =	vld [tilespmem:s26+$0x12160]  }
0x128: {  	v0 =	vadd.f32 v0, v2;
	v2 =	vmul.f32 v55, v55;
	v27 =	vmul.f32 v31, v31;
	v31 =	vld [tilespmem:s26+$0x170]  }
0x129: {  	v21 =	vmul.f32 v21, v21;
	v13 =	vadd.f32 v10, v4;
	v8 =	vadd.f32 v18, v9;
	v9 =	vld [tilespmem:s26+$0x2180]  }
0x12a: {  	v22 =	vmul.f32 v22, v22;
	v4 =	vadd.f32 v2, v0;
	v10 =	vld [tilespmem:s26+$0x2170];
	v2 =	vmul.f32 v6, v6  }
0x12b: {  	v7 =	vadd.f32 v21, v13;
	v29 =	vld [tilespmem:s26+$0x8160];
	v18 =	vmul.f32 v35, v24;
	v28 =	vmul.f32 v35, v23  }
0x12c: {  	v3 =	vadd.f32 v5, v3;
	v59 =	vld [tilespmem:s26+$0x2150];
	v13 =	vmul.f32 v15, v15;
	v0 =	vmul.f32 v1, v1  }
0x12d: {  	v7 =	vadd.f32 v27, v7;
	v33 =	vld [tilespmem:s26+$0x2160];
	v5 =	vmul.f32 v26, v26;
	v27 =	vmul.f32 v30, v30  }
0x12e: {  	v60 =	vmul.f32 v31, v15;
	v61 =	vmul.f32 v31, v25  }
0x12f: {  	v8 =	vadd.f32 v22, v8;
	v63 =	vld [tilespmem:s26+$0xA150];
	v21 =	vmul.f32 v9, v23;
	v22 =	vmul.f32 v10, v25  }
0x130: {  	v62 =	vld [tilespmem:s26+$0x150];
	v38 =	vmul.f32 v25, v25;
	v25 =	vmul.f32 v10, v15  }
0x131: {  	v19 =	vld [tilespmem:s26+$0x12170];
	v39 =	vmul.f32 v29, v29;
	v47 =	vmul.f32 v59, v59  }
0x132: {  	v51 =	vld [tilespmem:s26+$0x160];
	v15 =	vmul.f32 v20, v20;
	v48 =	vmul.f32 v33, v33;
	v3 =	vadd.f32 v5, v3  }
0x133: {  	v50 =	vmul.f32 v9, v24;
	v52 =	vmul.f32 v33, v29;
	v22 =	vsub.f32 v60, v22  }
0x134: {  	v54 =	vmul.f32 v59, v63;
	v36 =	vadd.f32 v25, v61;
	v3 =	vadd.f32 v27, v3;
	v27 =	vld [tilespmem:s26+$0x8150]  }
0x135: {  	v57 =	vmul.f32 v62, v62;
	v25 =	vmul.f32 v22, v20;
	v20 =	vld [tilespmem:s26+$0x10150]  }
0x136: {  	v5 =	vmul.f32 v19, v19;
	v22 =	vmul.f32 v19, v36;
	v19 =	vld [tilespmem:s26+$0xA160]  }
0x137: {  	v55 =	vmul.f32 v62, v63;
	v29 =	vmul.f32 v51, v29;
	v14 =	vadd.f32 v47, v14  }
0x138: {  	v49 =	vld [tilespmem:s26+$0x12180];
	v40 =	vmul.f32 v63, v63;
	v28 =	vadd.f32 v50, v28;
	v12 =	vadd.f32 v57, v12  }
0x139: {  	v3 =	vadd.f32 v5, v3;
	v53 =	vmul.f32 v62, v27;
	v5 =	vmul.f32 v27, v27  }
0x13a: {  	v11 =	vadd.f32 v40, v11;
	v27 =	vmul.f32 v59, v27;
	v59 =	vmul.f32 v20, v20  }
0x13b: {  	v14 =	vadd.f32 v48, v14;
	v33 =	vmul.f32 v33, v19;
	v60 =	vmul.f32 v51, v19  }
0x13c: {  	v61 =	vmul.f32 v19, v19;
	v19 =	vmul.f32 v24, v24;
	v17 =	vadd.f32 v5, v17  }
0x13d: {  	v58 =	vld [tilespmem:s26+$0x10160];
	v5 =	vmul.f32 v49, v49;
	v56 =	vsub.f32 v53, v54;
	v27 =	vadd.f32 v27, v55  }
0x13e: {  	v63 =	vadd.f32 v61, v11;
	v11 =	vmul.f32 v23, v23;
	v23 =	vmul.f32 v31, v31  }
0x13f: {  	v20 =	vmul.f32 v56, v20;
	v43 =	vmul.f32 v26, v27;
	v26 =	vsub.f32 v29, v33;
	v29 =	vld [tilespmem:s26+$0x10180]  }
0x140: {  	s16 =	simm.s32 $0xC1C0;
	v62 =	vadd.f32 v52, v60;
	v27 =	vmul.f32 v49, v28;
	v28 =	vmul.f32 v51, v51  }
0x141: {  	v24 =	vld [tilespmem:s16+$0xFFFFFFE0];
	v31 =	vmul.f32 v35, v35;
	v17 =	vadd.f32 v39, v17;
	v20 =	vadd.f32 $0.0e+00, v20  }
0x142: {  	v32 =	vmul.f32 v26, v58;
	v26 =	vadd.f32 v59, v16;
	v16 =	vadd.f32 v28, v12  }
0x143: {  	s17 =	simm.s32 $0x18180;
	s18 =	simm.s32 $0x141C0;
	s20 =	simm.s32 $0x41C0;
	v33 =	vmul.f32 v30, v62;
	v28 =	vmul.f32 v58, v58;
	v34 =	vadd.f32 v20, v43;
	v20 =	vld [tilespmem:s16+$0xFFFFFFF0]  }
0x144: {  	s19 =	simm.s32 $0x41C0;
	s21 =	simm.s32 $0x1C0;
	s25 =	simm.s32 $0xC240;
	v12 =	vadd.f32 v38, v63;
	v30 =	vadd.f32 v23, v16;
	v23 =	vld [tilespmem:s20+$0xFFFFFFE0];
	v16 =	vmul.f32 v29, v29  }
.LBB2_4:
0x145: {  	v32 =	vadd.f32 v32, v34;
	v26 =	vadd.f32 v28, v26;
	v28 =	vld [tilespmem:s16+$0xFFFFFFD0];
	s14 =	sadd.s32 $0x10, s14;
	s15 =	sadd.s32 $0x80, s15;
	s20 =	sadd.s32 $0x80, s20  }
0x146: {  	p0 =	sne.s32 s21, $0x7FC0;
	v13 =	vadd.f32 v13, v17;
	s26 =	smov.u32 s21;
	s21 =	sadd.s32 $0x100, s21;
	v17 =	vadd.f32 v31, v30;
	v30 =	vld [tilespmem:s19+$0xFFFFFFC0];
	v31 =	vmul.f32 v24, v24  }
0x147: {  	v10 =	vmul.f32 v10, v10;
	v32 =	vadd.f32 v32, v33;
	v15 =	vadd.f32 v15, v26;
	v26 =	vld [tilespmem:s16+$0xFFFFFFC0]  }
0x148: {  	v18 =	vsub.f32 v18, v21;
	v19 =	vadd.f32 v19, v13;
	v13 =	vld [tilespmem:s19+$0xFFFFFFD0];
	v21 =	vmul.f32 v20, v20  }
0x149: {  	v9 =	vmul.f32 v9, v9;
	v16 =	vadd.f32 v16, v15;
	v15 =	vld [tilespmem:s18+$0xFFFFFFC0];
	v24 =	vmul.f32 v23, v24  }
0x14a: {  	v18 =	vmul.f32 v18, v29;
	v25 =	vadd.f32 v25, v32;
	v23 =	vmul.f32 v23, v23;
	v29 =	vld [tilespmem:s18+$0xFFFFFFD0]  }
0x14b: {  	v10 =	vadd.f32 v10, v14;
	v32 =	vmul.f32 v28, v28;
	v14 =	vmul.f32 v30, v30  }
0x14c: {  	v22 =	vadd.f32 v25, v22;
	v25 =	vmul.f32 v30, v26;
	v26 =	vmul.f32 v26, v26;
	v30 =	vld [tilespmem:s19+$0xFFFFFFF0]  }
0x14d: {  	v7 =	vadd.f32 v14, v7;
	v14 =	vmul.f32 v13, v28;
	v13 =	vmul.f32 v13, v13;
	v28 =	vld [tilespmem:s19+$0x10]  }
0x14e: {  	v18 =	vadd.f32 v18, v22;
	v22 =	vmul.f32 v15, v25;
	v8 =	vadd.f32 v26, v8;
	v25 =	vld [tilespmem:s18+$0xFFFFFFE0]  }
0x14f: {  	v15 =	vmul.f32 v15, v15;
	v14 =	vmul.f32 v29, v14;
	v7 =	vadd.f32 v13, v7;
	v13 =	vld [tilespmem:s16+$0x0]  }
0x150: {  	v18 =	vadd.f32 v18, v27;
	v26 =	vmul.f32 v29, v29;
	v8 =	vadd.f32 v32, v8;
	v27 =	vld [tilespmem:s19+$0x0]  }
0x151: {  	v4 =	vadd.f32 v15, v4;
	v7 =	vadd.f32 v23, v7;
	v15 =	vmul.f32 v30, v20;
	v20 =	vld [tilespmem:s16+$0x10]  }
0x152: {  	v18 =	vadd.f32 v22, v18;
	v22 =	vmul.f32 v30, v30;
	v8 =	vadd.f32 v31, v8;
	v23 =	vld [tilespmem:s18+$0x0]  }
0x153: {  	v4 =	vadd.f32 v26, v4;
	v24 =	vmul.f32 v25, v24;
	v25 =	vmul.f32 v25, v25;
	v26 =	vld [tilespmem:s19+$0x20]  }
0x154: {  	v14 =	vadd.f32 v14, v18;
	v8 =	vadd.f32 v21, v8;
	v18 =	vmul.f32 v13, v13;
	v21 =	vld [tilespmem:s18+$0x10]  }
0x155: {  	v6 =	vmul.f32 v6, v15;
	v4 =	vadd.f32 v25, v4;
	v13 =	vmul.f32 v27, v13;
	v15 =	vld [tilespmem:s16+$0x20]  }
0x156: {  	v14 =	vadd.f32 v24, v14;
	v8 =	vadd.f32 v18, v8;
	v18 =	vmul.f32 v28, v20  }
0x157: {  	v7 =	vadd.f32 v22, v7;
	v2 =	vadd.f32 v2, v4;
	v4 =	vmul.f32 v23, v23;
	v22 =	vld [tilespmem:s19+$0x30];
	s19 =	smov.u32 s20  }
0x158: {  	v6 =	vadd.f32 v6, v14;
	v13 =	vmul.f32 v23, v13;
	v14 =	vmul.f32 v26, v26;
	v23 =	vld [tilespmem:s18+$0x30];
	s18 =	smov.u32 s15  }
0x159: {  	v24 =	vmul.f32 v27, v27;
	v2 =	vadd.f32 v4, v2;
	v4 =	vmul.f32 v21, v21;
	v25 =	vld [tilespmem:s16+$0x30];
	s16 =	smov.u32 s25  }
0x15a: {  	v6 =	vadd.f32 v13, v6;
	v13 =	vmul.f32 v21, v18;
	v18 =	vmul.f32 v20, v20  }
0x15b: {  	v2 =	vadd.f32 v4, v2;
	v4 =	vmul.f32 v26, v15;
	v15 =	vmul.f32 v15, v15  }
0x15c: {  	v7 =	vadd.f32 v24, v7;
	v6 =	vadd.f32 v13, v6;
	v13 =	vmul.f32 v28, v28  }
0x15d: {  	v1 =	vmul.f32 v1, v4;
	v0 =	vadd.f32 v0, v2;
	v2 =	vmul.f32 v23, v23  }
0x15e: {  	v8 =	vadd.f32 v18, v8;
	v7 =	vadd.f32 v13, v7;
	v13 =	vmul.f32 v22, v25  }
0x15f: {  	s26 =	sshra.s32 s26, $0x2;
	v1 =	vadd.f32 v1, v6;
	v6 =	vmul.f32 v22, v22;
	v4 =	vadd.f32 v2, v0  }
0x160: {  	v11 =	vadd.f32 v11, v12;
	v0 =	vadd.f32 v15, v8;
	v2 =	vmul.f32 v23, v13  }
0x161: {  	v12 =	vadd.f32 v9, v10;
	v7 =	vadd.f32 v14, v7;
	v8 =	vmul.f32 v25, v25  }
0x162: {  	v3 =	vadd.f32 v5, v3;
	v1 =	vadd.f32 v2, v1  }
0x163: {  	v7 =	vadd.f32 v6, v7;
	v8 =	vadd.f32 v8, v0  }
0x164: {  	[tilespmem:s17+$0x0] =	vst v1;
	s17 =	smov.u32 s14  }
0x165: {  	v1 =	vld [tilespmem:s15+$0x20]  }
0x166: {  	v6 =	vld [tilespmem:s15+$0xFFFFFFF0]  }
0x167: {  	v5 =	vld [tilespmem:s26+$0x10170]  }
0x168: {  	v20 =	vld [tilespmem:s26+$0x8180]  }
0x169: {  	v23 =	vld [tilespmem:s26+$0xA180]  }
0x16a: {  	v14 =	vld [tilespmem:s26+$0x12170]  }
0x16b: {  	v31 =	vld [tilespmem:s26+$0x180]  }
0x16c: {  	v2 =	vmul.f32 v6, v6;
	v15 =	vld [tilespmem:s26+$0x8170]  }
0x16d: {  	v22 =	vld [tilespmem:s26+$0xA170]  }
0x16e: {  	v24 =	vld [tilespmem:s26+$0x12150]  }
0x16f: {  	v30 =	vld [tilespmem:s26+$0x12160]  }
0x170: {  	v33 =	vld [tilespmem:s26+$0x170];
	v18 =	vmul.f32 v31, v20;
	v26 =	vmul.f32 v31, v23  }
0x171: {  	v13 =	vmul.f32 v15, v15;
	v9 =	vld [tilespmem:s26+$0x2180]  }
0x172: {  	v0 =	vmul.f32 v1, v1;
	v10 =	vld [tilespmem:s26+$0x2170]  }
0x173: {  	v21 =	vmul.f32 v24, v24;
	v27 =	vld [tilespmem:s26+$0x8160]  }
0x174: {  	v28 =	vld [tilespmem:s26+$0x2150];
	v25 =	vmul.f32 v30, v30  }
0x175: {  	v34 =	vmul.f32 v14, v14;
	v3 =	vadd.f32 v21, v3;
	v29 =	vld [tilespmem:s26+$0x2160];
	v32 =	vmul.f32 v33, v15  }
0x176: {  	v36 =	vmul.f32 v33, v22;
	v35 =	vld [tilespmem:s26+$0xA160];
	v21 =	vmul.f32 v9, v23  }
0x177: {  	v38 =	vmul.f32 v22, v22;
	v37 =	vld [tilespmem:s26+$0x150];
	v3 =	vadd.f32 v25, v3;
	v25 =	vmul.f32 v10, v22  }
0x178: {  	v22 =	vmul.f32 v10, v15;
	v39 =	vld [tilespmem:s26+$0x8150];
	v40 =	vmul.f32 v27, v27  }
0x179: {  	v15 =	vmul.f32 v5, v5;
	v41 =	vld [tilespmem:s26+$0xA150];
	v42 =	vmul.f32 v28, v28;
	v25 =	vsub.f32 v32, v25  }
0x17a: {  	v43 =	vmul.f32 v9, v20;
	v22 =	vadd.f32 v22, v36;
	v32 =	vmul.f32 v29, v29;
	v36 =	vld [tilespmem:s26+$0x12180]  }
0x17b: {  	v44 =	vmul.f32 v29, v27;
	v12 =	vadd.f32 v42, v12;
	v42 =	vld [tilespmem:s26+$0x160];
	v25 =	vmul.f32 v25, v5  }
0x17c: {  	v26 =	vadd.f32 v43, v26;
	v3 =	vadd.f32 v34, v3;
	v22 =	vmul.f32 v14, v22;
	v45 =	vld [tilespmem:s26+$0x10150]  }
0x17d: {  	v34 =	vmul.f32 v37, v39;
	v5 =	vmul.f32 v39, v39;
	v14 =	vadd.f32 v32, v12  }
0x17e: {  	v12 =	vmul.f32 v28, v41;
	v32 =	vmul.f32 v37, v41  }
0x17f: {  	v28 =	vmul.f32 v28, v39;
	v19 =	vadd.f32 v5, v19;
	v5 =	vmul.f32 v36, v36  }
0x180: {  	v12 =	vsub.f32 v34, v12;
	v34 =	vmul.f32 v37, v37;
	v37 =	vld [tilespmem:s26+$0x10160];
	v27 =	vmul.f32 v42, v27  }
0x181: {  	v28 =	vadd.f32 v28, v32;
	v32 =	vmul.f32 v41, v41;
	v39 =	vmul.f32 v45, v45  }
0x182: {  	v34 =	vadd.f32 v34, v17;
	v17 =	vmul.f32 v29, v35;
	v29 =	vmul.f32 v42, v35  }
0x183: {  	v12 =	vmul.f32 v12, v45;
	v41 =	vmul.f32 v24, v28;
	v11 =	vadd.f32 v32, v11  }
0x184: {  	v28 =	vmul.f32 v35, v35;
	v24 =	vsub.f32 v27, v17;
	v27 =	vmul.f32 v36, v26  }
0x185: {  	v35 =	vadd.f32 v44, v29;
	v17 =	vadd.f32 v40, v19;
	v19 =	vmul.f32 v20, v20;
	v29 =	vld [tilespmem:s26+$0x10180]  }
.Ltmp1:
0x186: {  	v20 =	vmul.f32 v42, v42;
	v36 =	vadd.f32 v28, v11;
	v32 =	vmul.f32 v24, v37;
	(pc) =	sbr.rel @p0 .LBB2_4-.Ltmp1, $4  }
0x187: {  	v12 =	vadd.f32 $0.0e+00, v12;
	v26 =	vadd.f32 v39, v16;
	v11 =	vmul.f32 v23, v23;
	v24 =	vld [tilespmem:s25+$0xFFFFFFE0]  }
0x188: {  	v23 =	vmul.f32 v33, v33;
	v28 =	vmul.f32 v37, v37;
	v16 =	vadd.f32 v20, v34  }
0x189: {  	v34 =	vadd.f32 v12, v41;
	v33 =	vmul.f32 v30, v35;
	v12 =	vadd.f32 v38, v36;
	v20 =	vld [tilespmem:s25+$0xFFFFFFF0]  }
0x18a: {  	v31 =	vmul.f32 v31, v31;
	v30 =	vadd.f32 v23, v16;
	s25 =	sadd.s32 $0x80, s25;
	v16 =	vmul.f32 v29, v29;
	v23 =	vld [tilespmem:s20+$0xFFFFFFE0]  }
0x18b: {  	v32 =	vadd.f32 v32, v34;
	v50 =	vld [tilespmem:s16+$0xFFFFFFD0]  }
0x18c: {  	v35 =	vld [tilespmem:s19+$0xFFFFFFC0]  }
0x18d: {  	v51 =	vld [tilespmem:s16+$0xFFFFFFC0];
	v32 =	vadd.f32 v32, v33  }
0x18e: {  	v36 =	vld [tilespmem:s19+$0xFFFFFFD0]  }
0x18f: {  	v18 =	vsub.f32 v18, v21;
	v37 =	vld [tilespmem:s18+$0xFFFFFFC0];
	v21 =	vadd.f32 v25, v32  }
0x190: {  	v52 =	vld [tilespmem:s18+$0xFFFFFFD0]  }
0x191: {  	v38 =	vld [tilespmem:s19+$0xFFFFFFF0];
	v25 =	vmul.f32 v18, v29;
	v21 =	vadd.f32 v21, v22  }
0x192: {  	v39 =	vld [tilespmem:s18+$0xFFFFFFE0]  }
0x193: {  	v40 =	vld [tilespmem:s16+$0x0];
	v22 =	vmul.f32 v35, v51;
	v21 =	vadd.f32 v25, v21  }
0x194: {  	v41 =	vld [tilespmem:s19+$0x0]  }
0x195: {  	v42 =	vld [tilespmem:s18+$0x0];
	v29 =	vmul.f32 v36, v50;
	v22 =	vmul.f32 v37, v22;
	v21 =	vadd.f32 v21, v27  }
0x196: {  	v45 =	vld [tilespmem:s18+$0x10]  }
0x197: {  	v18 =	vld [tilespmem:s19+$0x10];
	v29 =	vmul.f32 v52, v29;
	v27 =	vmul.f32 v23, v24;
	v22 =	vadd.f32 v22, v21  }
0x198: {  	v25 =	vld [tilespmem:s16+$0x10]  }
0x199: {  	v43 =	vmul.f32 v38, v20;
	v21 =	vld [tilespmem:s19+$0x20];
	v44 =	vmul.f32 v39, v27;
	v22 =	vadd.f32 v29, v22  }
0x19a: {  	v27 =	vld [tilespmem:s16+$0x20]  }
0x19b: {  	v53 =	vmul.f32 v41, v40;
	v6 =	vmul.f32 v6, v43;
	v29 =	vld [tilespmem:s19+$0x30];
	v44 =	vadd.f32 v44, v22  }
0x19c: {  	v22 =	vld [tilespmem:s16+$0x30]  }
0x19d: {  	v43 =	vmul.f32 v42, v53;
	v46 =	vmul.f32 v18, v25;
	v6 =	vadd.f32 v6, v44  }
0x19e: {  	v54 =	vld [tilespmem:s18+$0x30]  }
0x19f: {  	v55 =	vmul.f32 v45, v46;
	v56 =	vmul.f32 v21, v27;
	v6 =	vadd.f32 v43, v6;
	_ =	sdelay $0x1  }
0x1a0: {  	v1 =	vmul.f32 v1, v56;
	v57 =	vmul.f32 v29, v22;
	v6 =	vadd.f32 v55, v6;
	_ =	sdelay $0x1  }
0x1a1: {  	v1 =	vadd.f32 v1, v6;
	v6 =	vmul.f32 v54, v57;
	_ =	sdelay $0x1  }
0x1a2: {  	v1 =	vadd.f32 v6, v1;
	_ =	sdelay $0x1  }
0x1a3: {  	s14 =	simm.s32 $0x18180;
	s15 =	rddreg [dreg:$0x14];
	[tilespmem:s17+$0x0] =	vst v1  }
0x1a4: {  	[hbm4b:s15+s4] =	stream.linear.scatter [tilespmem:s14], [sflag:$0x2], $0x800, $0x38;
	[tilespmem:$0x18A10] =	vst v63  }
0x1a5: {  	_ =	swait.ge [sflag:s28], $0x800  }
0x1a6: {  	[sflag:s28] =	ssyncset.done $0x0  }
0x1a7: {  	s20 =	rddreg [dreg:$0xd];
	[sflag:s28] =	ssyncadd.s32 $0xFFFFF800  }
0x1a8: {  	[tilespmem:s4], [sflag:$0x2] =	stream.linear.gather [hbm4b:s20+s4], $0x80, $0x38;
	[tilespmem:$0x18A10] =	vst v63  }
0x1a9: {  	_ =	swait.ge [sflag:s28], $0x80  }
0x1aa: {  	[sflag:s28] =	ssyncset.done $0x0  }
0x1ab: {  	s21 =	rddreg [dreg:$0xe];
	[sflag:s28] =	ssyncadd.s32 $0xFFFFFF80  }
0x1ac: {  	[tilespmem:s29], [sflag:$0x2] =	stream.linear.gather [hbm4b:s21+s4], $0x80, $0x38;
	[tilespmem:$0x18A10] =	vst v63  }
0x1ad: {  	_ =	swait.ge [sflag:s28], $0x80  }
0x1ae: {  	[sflag:s28] =	ssyncset.done $0x0  }
0x1af: {  	s25 =	rddreg [dreg:$0xf];
	[sflag:s28] =	ssyncadd.s32 $0xFFFFFF80  }
0x1b0: {  	[tilespmem:s30], [sflag:$0x2] =	stream.linear.gather [hbm4b:s25+s4], $0x80, $0x38;
	[tilespmem:$0x18A10] =	vst v63  }
0x1b1: {  	_ =	swait.ge [sflag:s28], $0x80  }
0x1b2: {  	[sflag:s28] =	ssyncset.done $0x0  }
0x1b3: {  	[sflag:s28] =	ssyncadd.s32 $0xFFFFFF80  }
0x1b4: {  	[tilespmem:s31], [sflag:$0x1] =	stream.indirect.gather [hbm4b:s5+s29], $0x40, s4, s29, $0xb8;
	[tilespmem:$0x18A10] =	vst v63  }
0x1b5: {  	_ = 	snop  }
0x1b6: {  	[tilespmem:s0], [sflag:$0x1] =	stream.indirect.gather [hbm4b:s22+s29], $0x40, s4, s29, $0xb8;
	[tilespmem:$0x18A10] =	vst v63  }
0x1b7: {  	_ = 	snop  }
0x1b8: {  	[tilespmem:s3], [sflag:$0x1] =	stream.indirect.gather [hbm4b:s1+s29], $0x80, s4, s29, $0xb8;
	[tilespmem:$0x18A10] =	vst v63  }
0x1b9: {  	_ = 	snop  }
0x1ba: {  	[tilespmem:s6], [sflag:$0x1] =	stream.indirect.gather [hbm4b:s23+s29], $0x40, s29, s29, $0xb8;
	[tilespmem:$0x18A10] =	vst v63  }
0x1bb: {  	_ = 	snop  }
0x1bc: {  	[tilespmem:s7], [sflag:$0x1] =	stream.indirect.gather [hbm4b:s24+s29], $0x40, s29, s29, $0xb8;
	[tilespmem:$0x18A10] =	vst v63  }
0x1bd: {  	_ = 	snop  }
0x1be: {  	[tilespmem:s8], [sflag:$0x1] =	stream.indirect.gather [hbm4b:s2+s29], $0x80, s29, s29, $0xb8;
	[tilespmem:$0x18A10] =	vst v63  }
0x1bf: {  	_ = 	snop  }
0x1c0: {  	[tilespmem:s9], [sflag:$0x1] =	stream.indirect.gather [hbm4b:s5+s29], $0x40, s30, s29, $0xb8;
	[tilespmem:$0x18A10] =	vst v63  }
0x1c1: {  	_ = 	snop  }
0x1c2: {  	[tilespmem:s10], [sflag:$0x1] =	stream.indirect.gather [hbm4b:s22+s29], $0x40, s30, s29, $0xb8;
	[tilespmem:$0x18A10] =	vst v63  }
0x1c3: {  	_ = 	snop  }
0x1c4: {  	[tilespmem:s11], [sflag:$0x1] =	stream.indirect.gather [hbm4b:s1+s29], $0x80, s30, s29, $0xb8;
	[tilespmem:$0x18A10] =	vst v63  }
0x1c5: {  	_ =	swait.ge [sflag:s12], $0x2000  }
0x1c6: {  	[sflag:s12] =	ssyncset.done $0x0  }
0x1c7: {  	[sflag:s12] =	ssyncadd.s32 $0xFFFFE000  }
0x1c8: {  	_ =	swait.ge [sflag:s12], $0x2000  }
0x1c9: {  	[sflag:s12] =	ssyncset.done $0x0  }
0x1ca: {  	[sflag:s12] =	ssyncadd.s32 $0xFFFFE000  }
0x1cb: {  	_ =	swait.ge [sflag:s12], $0x4000  }
0x1cc: {  	[sflag:s12] =	ssyncset.done $0x0  }
0x1cd: {  	[sflag:s12] =	ssyncadd.s32 $0xFFFFC000  }
0x1ce: {  	_ =	swait.ge [sflag:s12], $0x2000  }
0x1cf: {  	[sflag:s12] =	ssyncset.done $0x0  }
0x1d0: {  	[sflag:s12] =	ssyncadd.s32 $0xFFFFE000  }
0x1d1: {  	_ =	swait.ge [sflag:s12], $0x2000  }
0x1d2: {  	[sflag:s12] =	ssyncset.done $0x0  }
0x1d3: {  	[sflag:s12] =	ssyncadd.s32 $0xFFFFE000  }
0x1d4: {  	_ =	swait.ge [sflag:s12], $0x4000  }
0x1d5: {  	[sflag:s12] =	ssyncset.done $0x0  }
0x1d6: {  	[sflag:s12] =	ssyncadd.s32 $0xFFFFC000  }
0x1d7: {  	_ =	swait.ge [sflag:s12], $0x2000  }
0x1d8: {  	[sflag:s12] =	ssyncset.done $0x0  }
0x1d9: {  	[sflag:s12] =	ssyncadd.s32 $0xFFFFE000  }
0x1da: {  	v13 =	vadd.f32 v13, v17;
	_ =	swait.ge [sflag:s12], $0x2000  }
0x1db: {  	v17 =	vadd.f32 v31, v30;
	v6 =	vmul.f32 v37, v37;
	[sflag:s12] =	ssyncset.done $0x0  }
0x1dc: {  	v10 =	vmul.f32 v10, v10;
	v19 =	vadd.f32 v19, v13;
	v1 =	vadd.f32 v28, v26;
	[sflag:s12] =	ssyncadd.s32 $0xFFFFE000  }
0x1dd: {  	v26 =	vmul.f32 v51, v51;
	v28 =	vmul.f32 v52, v52;
	v4 =	vadd.f32 v6, v4;
	_ =	swait.ge [sflag:s12], $0x4000  }
0x1de: {  	v6 =	vmul.f32 v50, v50;
	v15 =	vadd.f32 v15, v1;
	v1 =	vmul.f32 v35, v35;
	[sflag:s12] =	ssyncset.done $0x0  }
0x1df: {  	s15 =	simm.s32 $0x141C0;
	v8 =	vadd.f32 v26, v8;
	v4 =	vadd.f32 v28, v4;
	v26 =	vmul.f32 v39, v39;
	[sflag:s12] =	ssyncadd.s32 $0xFFFFC000  }
0x1e0: {  	v13 =	vmul.f32 v36, v36;
	v20 =	vmul.f32 v20, v20;
	v7 =	vadd.f32 v1, v7;
	v1 =	vld [tilespmem:s15+$0x20]  }
0x1e1: {  	s26 =	simm.s32 $0x30;
	v24 =	vmul.f32 v24, v24;
	v8 =	vadd.f32 v6, v8;
	v4 =	vadd.f32 v26, v4;
	v6 =	vld [tilespmem:s15+$0xFFFFFFF0]  }
0x1e2: {  	v23 =	vmul.f32 v23, v23;
	v16 =	vadd.f32 v16, v15;
	v7 =	vadd.f32 v13, v7;
	v26 =	vld [tilespmem:s26+$0x10170]  }
0x1e3: {  	v8 =	vadd.f32 v24, v8;
	v2 =	vadd.f32 v2, v4;
	v4 =	vmul.f32 v42, v42;
	v24 =	vld [tilespmem:s26+$0x8180]  }
0x1e4: {  	v15 =	vmul.f32 v40, v40;
	v13 =	vmul.f32 v38, v38;
	v7 =	vadd.f32 v23, v7;
	v23 =	vld [tilespmem:s26+$0xA180]  }
0x1e5: {  	v8 =	vadd.f32 v20, v8;
	v2 =	vadd.f32 v4, v2;
	v4 =	vmul.f32 v45, v45;
	v30 =	vld [tilespmem:s26+$0x180]  }
0x1e6: {  	v10 =	vadd.f32 v10, v14;
	v7 =	vadd.f32 v13, v7;
	v14 =	vld [tilespmem:s26+$0x8170]  }
0x1e7: {  	v13 =	vmul.f32 v41, v41;
	v2 =	vadd.f32 v4, v2;
	v4 =	vadd.f32 v15, v8;
	v15 =	vld [tilespmem:s26+$0xA170]  }
0x1e8: {  	v11 =	vadd.f32 v11, v12;
	v12 =	vmul.f32 v22, v22;
	v28 =	vmul.f32 v9, v9;
	v31 =	vld [tilespmem:s26+$0x12150]  }
0x1e9: {  	v9 =	vmul.f32 v18, v18;
	v8 =	vmul.f32 v25, v25;
	v7 =	vadd.f32 v13, v7;
	v33 =	vld [tilespmem:s26+$0x12160]  }
0x1ea: {  	v13 =	vmul.f32 v21, v21;
	v21 =	vmul.f32 v29, v29;
	v29 =	vld [tilespmem:s26+$0x170]  }
0x1eb: {  	v0 =	vadd.f32 v0, v2;
	v2 =	vmul.f32 v54, v54;
	v7 =	vadd.f32 v9, v7;
	v9 =	vld [tilespmem:s26+$0x2180]  }
0x1ec: {  	v18 =	vmul.f32 v27, v27;
	v22 =	vadd.f32 v28, v10;
	v8 =	vadd.f32 v8, v4;
	v10 =	vld [tilespmem:s26+$0x2170]  }
0x1ed: {  	v3 =	vadd.f32 v5, v3;
	v4 =	vadd.f32 v2, v0;
	v28 =	vld [tilespmem:s26+$0x8160]  }
0x1ee: {  	v8 =	vadd.f32 v18, v8;
	v58 =	vld [tilespmem:s26+$0x2150];
	v2 =	vmul.f32 v6, v6;
	v18 =	vmul.f32 v30, v24  }
0x1ef: {  	v7 =	vadd.f32 v13, v7;
	v34 =	vld [tilespmem:s26+$0x2160];
	v27 =	vmul.f32 v30, v23;
	v13 =	vmul.f32 v14, v14  }
0x1f0: {  	v8 =	vadd.f32 v12, v8;
	v12 =	vld [tilespmem:s26+$0x150];
	v0 =	vmul.f32 v1, v1;
	v5 =	vmul.f32 v31, v31  }
0x1f1: {  	v62 =	vld [tilespmem:s26+$0x8150];
	v25 =	vmul.f32 v33, v33;
	v59 =	vmul.f32 v29, v14  }
0x1f2: {  	v7 =	vadd.f32 v21, v7;
	v48 =	vld [tilespmem:s26+$0xA150];
	v60 =	vmul.f32 v29, v15;
	v21 =	vmul.f32 v9, v23  }
0x1f3: {  	v61 =	vmul.f32 v10, v15;
	v38 =	vmul.f32 v15, v15  }
0x1f4: {  	v14 =	vmul.f32 v10, v14;
	v63 =	vmul.f32 v28, v28  }
0x1f5: {  	v20 =	vld [tilespmem:s26+$0x12170];
	v15 =	vmul.f32 v26, v26;
	v49 =	vmul.f32 v34, v34  }
0x1f6: {  	v51 =	vmul.f32 v9, v24;
	v54 =	vmul.f32 v34, v28  }
0x1f7: {  	v53 =	vld [tilespmem:s26+$0x160];
	v55 =	vmul.f32 v12, v62;
	v56 =	vmul.f32 v58, v48;
	v3 =	vadd.f32 v5, v3  }
0x1f8: {  	v57 =	vmul.f32 v12, v48;
	v32 =	vmul.f32 v58, v62  }
0x1f9: {  	v14 =	vadd.f32 v14, v60;
	v3 =	vadd.f32 v25, v3;
	v25 =	vmul.f32 v58, v58  }
0x1fa: {  	v50 =	vld [tilespmem:s26+$0x12180];
	v12 =	vmul.f32 v12, v12;
	v5 =	vmul.f32 v20, v20  }
0x1fb: {  	v35 =	vsub.f32 v59, v61;
	v52 =	vadd.f32 v25, v22;
	v22 =	vmul.f32 v20, v14;
	v20 =	vld [tilespmem:s26+$0xA160]  }
0x1fc: {  	v28 =	vmul.f32 v53, v28;
	v41 =	vmul.f32 v48, v48;
	v32 =	vadd.f32 v32, v57  }
0x1fd: {  	v30 =	vmul.f32 v30, v30;
	v27 =	vadd.f32 v51, v27;
	v25 =	vmul.f32 v35, v26;
	v26 =	vld [tilespmem:s26+$0x10150]  }
0x1fe: {  	v12 =	vadd.f32 v12, v17;
	v11 =	vadd.f32 v41, v11;
	v61 =	vmul.f32 v31, v32  }
0x1ff: {  	v58 =	vld [tilespmem:s26+$0x10160];
	v27 =	vmul.f32 v50, v27;
	v3 =	vadd.f32 v5, v3;
	v5 =	vmul.f32 v62, v62  }
0x200: {  	v35 =	vsub.f32 v55, v56;
	v14 =	vadd.f32 v49, v52;
	v17 =	vmul.f32 v34, v20  }
0x201: {  	v19 =	vadd.f32 v5, v19;
	v5 =	vmul.f32 v50, v50;
	v60 =	vmul.f32 v53, v20  }
0x202: {  	v59 =	vmul.f32 v26, v26;
	v20 =	vmul.f32 v20, v20;
	v28 =	vsub.f32 v28, v17  }
0x203: {  	v31 =	vld [tilespmem:s26+$0x10180];
	v26 =	vmul.f32 v35, v26;
	v62 =	vadd.f32 v54, v60;
	v17 =	vadd.f32 v63, v19  }
0x204: {  	s16 =	simm.s32 $0xC1C0;
	v20 =	vadd.f32 v20, v11;
	v32 =	vmul.f32 v28, v58;
	v28 =	vmul.f32 v53, v53  }
0x205: {  	v19 =	vmul.f32 v24, v24;
	v63 =	vadd.f32 $0.0e+00, v26;
	v26 =	vadd.f32 v59, v16;
	v24 =	vld [tilespmem:s16+$0xFFFFFFE0]  }
0x206: {  	v11 =	vmul.f32 v23, v23;
	v23 =	vmul.f32 v29, v29;
	v16 =	vadd.f32 v28, v12  }
0x207: {  	s18 =	simm.s32 $0x141C0;
	s19 =	simm.s32 $0x41C0;
	s20 =	simm.s32 $0x41C0;
	v34 =	vadd.f32 v63, v61;
	v28 =	vmul.f32 v58, v58;
	v12 =	vadd.f32 v38, v20;
	v20 =	vld [tilespmem:s16+$0xFFFFFFF0]  }
0x208: {  	s17 =	simm.s32 $0x18180;
	s21 =	simm.s32 $0x1C0;
	s25 =	simm.s32 $0xC240;
	v33 =	vmul.f32 v33, v62;
	v29 =	vadd.f32 v23, v16;
	v16 =	vmul.f32 v31, v31;
	v23 =	vld [tilespmem:s20+$0xFFFFFFE0]  }
.LBB2_6:
0x209: {  	v32 =	vadd.f32 v32, v34;
	v26 =	vadd.f32 v28, v26;
	v28 =	vld [tilespmem:s16+$0xFFFFFFD0];
	s14 =	sadd.s32 $0x10, s14;
	s15 =	sadd.s32 $0x80, s15;
	s20 =	sadd.s32 $0x80, s20  }
0x20a: {  	p0 =	sne.s32 s21, $0x7FC0;
	v13 =	vadd.f32 v13, v17;
	s26 =	smov.u32 s21;
	s21 =	sadd.s32 $0x100, s21;
	v17 =	vadd.f32 v30, v29;
	v29 =	vld [tilespmem:s19+$0xFFFFFFC0];
	v30 =	vmul.f32 v24, v24  }
0x20b: {  	v10 =	vmul.f32 v10, v10;
	v32 =	vadd.f32 v32, v33;
	v15 =	vadd.f32 v15, v26;
	v26 =	vld [tilespmem:s16+$0xFFFFFFC0]  }
0x20c: {  	v18 =	vsub.f32 v18, v21;
	v19 =	vadd.f32 v19, v13;
	v13 =	vld [tilespmem:s19+$0xFFFFFFD0];
	v21 =	vmul.f32 v20, v20  }
0x20d: {  	v9 =	vmul.f32 v9, v9;
	v16 =	vadd.f32 v16, v15;
	v15 =	vld [tilespmem:s18+$0xFFFFFFC0];
	v24 =	vmul.f32 v23, v24  }
0x20e: {  	v18 =	vmul.f32 v18, v31;
	v25 =	vadd.f32 v25, v32;
	v23 =	vmul.f32 v23, v23;
	v31 =	vld [tilespmem:s18+$0xFFFFFFD0]  }
0x20f: {  	v10 =	vadd.f32 v10, v14;
	v32 =	vmul.f32 v28, v28;
	v14 =	vmul.f32 v29, v29  }
0x210: {  	v22 =	vadd.f32 v25, v22;
	v25 =	vmul.f32 v29, v26;
	v26 =	vmul.f32 v26, v26;
	v29 =	vld [tilespmem:s19+$0xFFFFFFF0]  }
0x211: {  	v7 =	vadd.f32 v14, v7;
	v14 =	vmul.f32 v13, v28;
	v13 =	vmul.f32 v13, v13;
	v28 =	vld [tilespmem:s19+$0x10]  }
0x212: {  	v18 =	vadd.f32 v18, v22;
	v22 =	vmul.f32 v15, v25;
	v8 =	vadd.f32 v26, v8;
	v25 =	vld [tilespmem:s18+$0xFFFFFFE0]  }
0x213: {  	v15 =	vmul.f32 v15, v15;
	v14 =	vmul.f32 v31, v14;
	v7 =	vadd.f32 v13, v7;
	v13 =	vld [tilespmem:s16+$0x0]  }
0x214: {  	v18 =	vadd.f32 v18, v27;
	v26 =	vmul.f32 v31, v31;
	v8 =	vadd.f32 v32, v8;
	v27 =	vld [tilespmem:s19+$0x0]  }
0x215: {  	v4 =	vadd.f32 v15, v4;
	v7 =	vadd.f32 v23, v7;
	v15 =	vmul.f32 v29, v20;
	v20 =	vld [tilespmem:s16+$0x10]  }
0x216: {  	v18 =	vadd.f32 v22, v18;
	v22 =	vmul.f32 v29, v29;
	v8 =	vadd.f32 v30, v8;
	v23 =	vld [tilespmem:s18+$0x0]  }
0x217: {  	v4 =	vadd.f32 v26, v4;
	v24 =	vmul.f32 v25, v24;
	v25 =	vmul.f32 v25, v25;
	v26 =	vld [tilespmem:s19+$0x20]  }
0x218: {  	v14 =	vadd.f32 v14, v18;
	v8 =	vadd.f32 v21, v8;
	v18 =	vmul.f32 v13, v13;
	v21 =	vld [tilespmem:s18+$0x10]  }
0x219: {  	v6 =	vmul.f32 v6, v15;
	v4 =	vadd.f32 v25, v4;
	v13 =	vmul.f32 v27, v13;
	v15 =	vld [tilespmem:s16+$0x20]  }
0x21a: {  	v14 =	vadd.f32 v24, v14;
	v8 =	vadd.f32 v18, v8;
	v18 =	vmul.f32 v28, v20  }
0x21b: {  	v7 =	vadd.f32 v22, v7;
	v2 =	vadd.f32 v2, v4;
	v4 =	vmul.f32 v23, v23;
	v22 =	vld [tilespmem:s19+$0x30];
	s19 =	smov.u32 s20  }
0x21c: {  	v6 =	vadd.f32 v6, v14;
	v13 =	vmul.f32 v23, v13;
	v14 =	vmul.f32 v26, v26;
	v23 =	vld [tilespmem:s18+$0x30];
	s18 =	smov.u32 s15  }
0x21d: {  	v24 =	vmul.f32 v27, v27;
	v2 =	vadd.f32 v4, v2;
	v4 =	vmul.f32 v21, v21;
	v25 =	vld [tilespmem:s16+$0x30];
	s16 =	smov.u32 s25  }
0x21e: {  	v6 =	vadd.f32 v13, v6;
	v13 =	vmul.f32 v21, v18;
	v18 =	vmul.f32 v20, v20  }
0x21f: {  	v2 =	vadd.f32 v4, v2;
	v4 =	vmul.f32 v26, v15;
	v15 =	vmul.f32 v15, v15  }
0x220: {  	v7 =	vadd.f32 v24, v7;
	v6 =	vadd.f32 v13, v6;
	v13 =	vmul.f32 v28, v28  }
0x221: {  	v1 =	vmul.f32 v1, v4;
	v0 =	vadd.f32 v0, v2;
	v2 =	vmul.f32 v23, v23  }
0x222: {  	v8 =	vadd.f32 v18, v8;
	v7 =	vadd.f32 v13, v7;
	v13 =	vmul.f32 v22, v25  }
0x223: {  	s26 =	sshra.s32 s26, $0x2;
	v1 =	vadd.f32 v1, v6;
	v6 =	vmul.f32 v22, v22;
	v4 =	vadd.f32 v2, v0  }
0x224: {  	v11 =	vadd.f32 v11, v12;
	v0 =	vadd.f32 v15, v8;
	v2 =	vmul.f32 v23, v13  }
0x225: {  	v12 =	vadd.f32 v9, v10;
	v7 =	vadd.f32 v14, v7;
	v8 =	vmul.f32 v25, v25  }
0x226: {  	v3 =	vadd.f32 v5, v3;
	v1 =	vadd.f32 v2, v1  }
0x227: {  	v7 =	vadd.f32 v6, v7;
	v8 =	vadd.f32 v8, v0  }
0x228: {  	[tilespmem:s17+$0x0] =	vst v1;
	s17 =	smov.u32 s14  }
0x229: {  	v1 =	vld [tilespmem:s15+$0x20]  }
0x22a: {  	v6 =	vld [tilespmem:s15+$0xFFFFFFF0]  }
0x22b: {  	v5 =	vld [tilespmem:s26+$0x10170]  }
0x22c: {  	v20 =	vld [tilespmem:s26+$0x8180]  }
0x22d: {  	v23 =	vld [tilespmem:s26+$0xA180]  }
0x22e: {  	v14 =	vld [tilespmem:s26+$0x12170]  }
0x22f: {  	v30 =	vld [tilespmem:s26+$0x180]  }
0x230: {  	v2 =	vmul.f32 v6, v6;
	v15 =	vld [tilespmem:s26+$0x8170]  }
0x231: {  	v22 =	vld [tilespmem:s26+$0xA170]  }
0x232: {  	v24 =	vld [tilespmem:s26+$0x12150]  }
0x233: {  	v29 =	vld [tilespmem:s26+$0x12160]  }
0x234: {  	v33 =	vld [tilespmem:s26+$0x170];
	v18 =	vmul.f32 v30, v20;
	v26 =	vmul.f32 v30, v23  }
0x235: {  	v13 =	vmul.f32 v15, v15;
	v9 =	vld [tilespmem:s26+$0x2180]  }
0x236: {  	v0 =	vmul.f32 v1, v1;
	v10 =	vld [tilespmem:s26+$0x2170]  }
0x237: {  	v21 =	vmul.f32 v24, v24;
	v27 =	vld [tilespmem:s26+$0x8160]  }
0x238: {  	v28 =	vld [tilespmem:s26+$0x2150];
	v25 =	vmul.f32 v29, v29  }
0x239: {  	v34 =	vmul.f32 v14, v14;
	v3 =	vadd.f32 v21, v3;
	v31 =	vld [tilespmem:s26+$0x2160];
	v32 =	vmul.f32 v33, v15  }
0x23a: {  	v36 =	vmul.f32 v33, v22;
	v35 =	vld [tilespmem:s26+$0xA160];
	v21 =	vmul.f32 v9, v23  }
0x23b: {  	v38 =	vmul.f32 v22, v22;
	v37 =	vld [tilespmem:s26+$0x150];
	v3 =	vadd.f32 v25, v3;
	v25 =	vmul.f32 v10, v22  }
0x23c: {  	v22 =	vmul.f32 v10, v15;
	v39 =	vld [tilespmem:s26+$0x8150];
	v40 =	vmul.f32 v27, v27  }
0x23d: {  	v15 =	vmul.f32 v5, v5;
	v41 =	vld [tilespmem:s26+$0xA150];
	v42 =	vmul.f32 v28, v28;
	v25 =	vsub.f32 v32, v25  }
0x23e: {  	v43 =	vmul.f32 v9, v20;
	v22 =	vadd.f32 v22, v36;
	v32 =	vmul.f32 v31, v31;
	v36 =	vld [tilespmem:s26+$0x12180]  }
0x23f: {  	v44 =	vmul.f32 v31, v27;
	v12 =	vadd.f32 v42, v12;
	v42 =	vld [tilespmem:s26+$0x160];
	v25 =	vmul.f32 v25, v5  }
0x240: {  	v26 =	vadd.f32 v43, v26;
	v3 =	vadd.f32 v34, v3;
	v22 =	vmul.f32 v14, v22;
	v45 =	vld [tilespmem:s26+$0x10150]  }
0x241: {  	v34 =	vmul.f32 v37, v39;
	v5 =	vmul.f32 v39, v39;
	v14 =	vadd.f32 v32, v12  }
0x242: {  	v12 =	vmul.f32 v28, v41;
	v32 =	vmul.f32 v37, v41  }
0x243: {  	v28 =	vmul.f32 v28, v39;
	v19 =	vadd.f32 v5, v19;
	v5 =	vmul.f32 v36, v36  }
0x244: {  	v12 =	vsub.f32 v34, v12;
	v34 =	vmul.f32 v37, v37;
	v37 =	vld [tilespmem:s26+$0x10160];
	v27 =	vmul.f32 v42, v27  }
0x245: {  	v28 =	vadd.f32 v28, v32;
	v32 =	vmul.f32 v41, v41;
	v39 =	vmul.f32 v45, v45  }
0x246: {  	v34 =	vadd.f32 v34, v17;
	v17 =	vmul.f32 v31, v35;
	v31 =	vmul.f32 v42, v35  }
0x247: {  	v12 =	vmul.f32 v12, v45;
	v41 =	vmul.f32 v24, v28;
	v11 =	vadd.f32 v32, v11  }
0x248: {  	v28 =	vmul.f32 v35, v35;
	v24 =	vsub.f32 v27, v17;
	v27 =	vmul.f32 v36, v26  }
0x249: {  	v35 =	vadd.f32 v44, v31;
	v17 =	vadd.f32 v40, v19;
	v19 =	vmul.f32 v20, v20;
	v31 =	vld [tilespmem:s26+$0x10180]  }
.Ltmp2:
0x24a: {  	v20 =	vmul.f32 v42, v42;
	v36 =	vadd.f32 v28, v11;
	v32 =	vmul.f32 v24, v37;
	(pc) =	sbr.rel @p0 .LBB2_6-.Ltmp2, $4  }
0x24b: {  	v12 =	vadd.f32 $0.0e+00, v12;
	v26 =	vadd.f32 v39, v16;
	v11 =	vmul.f32 v23, v23;
	v24 =	vld [tilespmem:s25+$0xFFFFFFE0]  }
0x24c: {  	v23 =	vmul.f32 v33, v33;
	v28 =	vmul.f32 v37, v37;
	v16 =	vadd.f32 v20, v34  }
0x24d: {  	v34 =	vadd.f32 v12, v41;
	v33 =	vmul.f32 v29, v35;
	v12 =	vadd.f32 v38, v36;
	v20 =	vld [tilespmem:s25+$0xFFFFFFF0]  }
0x24e: {  	v30 =	vmul.f32 v30, v30;
	v29 =	vadd.f32 v23, v16;
	s25 =	sadd.s32 $0x80, s25;
	v16 =	vmul.f32 v31, v31;
	v23 =	vld [tilespmem:s20+$0xFFFFFFE0]  }
0x24f: {  	v32 =	vadd.f32 v32, v34;
	v50 =	vld [tilespmem:s16+$0xFFFFFFD0]  }
0x250: {  	v35 =	vld [tilespmem:s19+$0xFFFFFFC0]  }
0x251: {  	v51 =	vld [tilespmem:s16+$0xFFFFFFC0];
	v32 =	vadd.f32 v32, v33  }
0x252: {  	v36 =	vld [tilespmem:s19+$0xFFFFFFD0]  }
0x253: {  	v18 =	vsub.f32 v18, v21;
	v37 =	vld [tilespmem:s18+$0xFFFFFFC0];
	v21 =	vadd.f32 v25, v32  }
0x254: {  	v52 =	vld [tilespmem:s18+$0xFFFFFFD0]  }
0x255: {  	v38 =	vld [tilespmem:s18+$0xFFFFFFE0];
	v25 =	vmul.f32 v18, v31;
	v21 =	vadd.f32 v21, v22  }
0x256: {  	v39 =	vld [tilespmem:s16+$0x0]  }
0x257: {  	v41 =	vld [tilespmem:s19+$0x0];
	v22 =	vmul.f32 v35, v51;
	v21 =	vadd.f32 v25, v21  }
0x258: {  	v31 =	vld [tilespmem:s19+$0xFFFFFFF0]  }
0x259: {  	v42 =	vld [tilespmem:s18+$0x0];
	v40 =	vmul.f32 v36, v50;
	v22 =	vmul.f32 v37, v22;
	v21 =	vadd.f32 v21, v27  }
0x25a: {  	v53 =	vld [tilespmem:s18+$0x10]  }
0x25b: {  	v18 =	vld [tilespmem:s19+$0x10];
	v40 =	vmul.f32 v52, v40;
	v27 =	vmul.f32 v23, v24;
	v22 =	vadd.f32 v22, v21  }
0x25c: {  	v25 =	vld [tilespmem:s16+$0x10]  }
0x25d: {  	v43 =	vmul.f32 v31, v20;
	v21 =	vld [tilespmem:s19+$0x20];
	v44 =	vmul.f32 v38, v27;
	v22 =	vadd.f32 v40, v22  }
0x25e: {  	v27 =	vld [tilespmem:s16+$0x20]  }
0x25f: {  	v45 =	vmul.f32 v41, v39;
	v43 =	vmul.f32 v6, v43;
	v6 =	vld [tilespmem:s19+$0x30];
	v44 =	vadd.f32 v44, v22  }
0x260: {  	v22 =	vld [tilespmem:s16+$0x30]  }
0x261: {  	v54 =	vmul.f32 v42, v45;
	v46 =	vmul.f32 v18, v25;
	v43 =	vadd.f32 v43, v44  }
0x262: {  	v55 =	vld [tilespmem:s18+$0x30]  }
0x263: {  	v56 =	vmul.f32 v53, v46;
	v57 =	vmul.f32 v21, v27;
	v43 =	vadd.f32 v54, v43;
	_ =	sdelay $0x1  }
0x264: {  	v1 =	vmul.f32 v1, v57;
	v58 =	vmul.f32 v6, v22;
	v43 =	vadd.f32 v56, v43;
	_ =	sdelay $0x1  }
0x265: {  	v59 =	vmul.f32 v55, v58;
	v1 =	vadd.f32 v1, v43;
	_ =	sdelay $0x1  }
0x266: {  	v1 =	vadd.f32 v59, v1;
	_ =	sdelay $0x1  }
0x267: {  	s14 =	simm.s32 $0x18180;
	s15 =	rddreg [dreg:$0x15];
	[tilespmem:s17+$0x0] =	vst v1  }
0x268: {  	[hbm4b:s15+s4] =	stream.linear.scatter [tilespmem:s14], [sflag:$0x2], $0x800, $0x38;
	[tilespmem:$0x18A10] =	vst v63  }
0x269: {  	_ =	swait.ge [sflag:s28], $0x800  }
0x26a: {  	[sflag:s28] =	ssyncset.done $0x0  }
0x26b: {  	s20 =	rddreg [dreg:$0x10];
	[sflag:s28] =	ssyncadd.s32 $0xFFFFF800  }
0x26c: {  	[tilespmem:s4], [sflag:$0x2] =	stream.linear.gather [hbm4b:s20+s4], $0x80, $0x38;
	[tilespmem:$0x18A10] =	vst v63  }
0x26d: {  	_ =	swait.ge [sflag:s28], $0x80  }
0x26e: {  	[sflag:s28] =	ssyncset.done $0x0  }
0x26f: {  	s21 =	rddreg [dreg:$0x11];
	[sflag:s28] =	ssyncadd.s32 $0xFFFFFF80  }
0x270: {  	[tilespmem:s29], [sflag:$0x2] =	stream.linear.gather [hbm4b:s21+s4], $0x80, $0x38;
	[tilespmem:$0x18A10] =	vst v63  }
0x271: {  	_ =	swait.ge [sflag:s28], $0x80  }
0x272: {  	[sflag:s28] =	ssyncset.done $0x0  }
0x273: {  	s25 =	rddreg [dreg:$0x12];
	[sflag:s28] =	ssyncadd.s32 $0xFFFFFF80  }
0x274: {  	[tilespmem:s30], [sflag:$0x2] =	stream.linear.gather [hbm4b:s25+s4], $0x80, $0x38;
	[tilespmem:$0x18A10] =	vst v63  }
0x275: {  	_ =	swait.ge [sflag:s28], $0x80  }
0x276: {  	[sflag:s28] =	ssyncset.done $0x0  }
0x277: {  	[sflag:s28] =	ssyncadd.s32 $0xFFFFFF80  }
0x278: {  	[tilespmem:s31], [sflag:$0x1] =	stream.indirect.gather [hbm4b:s5+s29], $0x40, s4, s29, $0xb8;
	[tilespmem:$0x18A10] =	vst v63  }
0x279: {  	_ = 	snop  }
0x27a: {  	[tilespmem:s0], [sflag:$0x1] =	stream.indirect.gather [hbm4b:s22+s29], $0x40, s4, s29, $0xb8;
	[tilespmem:$0x18A10] =	vst v63  }
0x27b: {  	_ = 	snop  }
0x27c: {  	[tilespmem:s3], [sflag:$0x1] =	stream.indirect.gather [hbm4b:s1+s29], $0x80, s4, s29, $0xb8;
	[tilespmem:$0x18A10] =	vst v63  }
0x27d: {  	_ = 	snop  }
0x27e: {  	[tilespmem:s6], [sflag:$0x1] =	stream.indirect.gather [hbm4b:s23+s29], $0x40, s29, s29, $0xb8;
	[tilespmem:$0x18A10] =	vst v63  }
0x27f: {  	_ = 	snop  }
0x280: {  	[tilespmem:s7], [sflag:$0x1] =	stream.indirect.gather [hbm4b:s24+s29], $0x40, s29, s29, $0xb8;
	[tilespmem:$0x18A10] =	vst v63  }
0x281: {  	_ = 	snop  }
0x282: {  	[tilespmem:s8], [sflag:$0x1] =	stream.indirect.gather [hbm4b:s2+s29], $0x80, s29, s29, $0xb8;
	[tilespmem:$0x18A10] =	vst v63  }
0x283: {  	_ = 	snop  }
0x284: {  	[tilespmem:s9], [sflag:$0x1] =	stream.indirect.gather [hbm4b:s5+s29], $0x40, s30, s29, $0xb8;
	[tilespmem:$0x18A10] =	vst v63  }
0x285: {  	_ = 	snop  }
0x286: {  	[tilespmem:s10], [sflag:$0x1] =	stream.indirect.gather [hbm4b:s22+s29], $0x40, s30, s29, $0xb8;
	[tilespmem:$0x18A10] =	vst v63  }
0x287: {  	_ = 	snop  }
0x288: {  	[tilespmem:s11], [sflag:$0x1] =	stream.indirect.gather [hbm4b:s1+s29], $0x80, s30, s29, $0xb8;
	[tilespmem:$0x18A10] =	vst v63  }
0x289: {  	_ =	swait.ge [sflag:s12], $0x2000  }
0x28a: {  	[sflag:s12] =	ssyncset.done $0x0  }
0x28b: {  	[sflag:s12] =	ssyncadd.s32 $0xFFFFE000  }
0x28c: {  	_ =	swait.ge [sflag:s12], $0x2000  }
0x28d: {  	[sflag:s12] =	ssyncset.done $0x0  }
0x28e: {  	[sflag:s12] =	ssyncadd.s32 $0xFFFFE000  }
0x28f: {  	_ =	swait.ge [sflag:s12], $0x4000  }
0x290: {  	[sflag:s12] =	ssyncset.done $0x0  }
0x291: {  	[sflag:s12] =	ssyncadd.s32 $0xFFFFC000  }
0x292: {  	_ =	swait.ge [sflag:s12], $0x2000  }
0x293: {  	[sflag:s12] =	ssyncset.done $0x0  }
0x294: {  	[sflag:s12] =	ssyncadd.s32 $0xFFFFE000  }
0x295: {  	_ =	swait.ge [sflag:s12], $0x2000  }
0x296: {  	[sflag:s12] =	ssyncset.done $0x0  }
0x297: {  	[sflag:s12] =	ssyncadd.s32 $0xFFFFE000  }
0x298: {  	_ =	swait.ge [sflag:s12], $0x4000  }
0x299: {  	[sflag:s12] =	ssyncset.done $0x0  }
0x29a: {  	[sflag:s12] =	ssyncadd.s32 $0xFFFFC000  }
0x29b: {  	_ =	swait.ge [sflag:s12], $0x2000  }
0x29c: {  	[sflag:s12] =	ssyncset.done $0x0  }
0x29d: {  	[sflag:s12] =	ssyncadd.s32 $0xFFFFE000  }
0x29e: {  	v1 =	vadd.f32 v28, v26;
	v26 =	vmul.f32 v37, v37;
	_ =	swait.ge [sflag:s12], $0x2000  }
0x29f: {  	v17 =	vadd.f32 v13, v17;
	v13 =	vadd.f32 v30, v29;
	[sflag:s12] =	ssyncset.done $0x0  }
0x2a0: {  	v29 =	vmul.f32 v52, v52;
	v28 =	vmul.f32 v51, v51;
	v4 =	vadd.f32 v26, v4;
	[sflag:s12] =	ssyncadd.s32 $0xFFFFE000  }
0x2a1: {  	v15 =	vadd.f32 v15, v1;
	v1 =	vmul.f32 v35, v35;
	v26 =	vmul.f32 v50, v50;
	_ =	swait.ge [sflag:s12], $0x4000  }
0x2a2: {  	v8 =	vadd.f32 v28, v8;
	v28 =	vmul.f32 v38, v38;
	v4 =	vadd.f32 v29, v4;
	[sflag:s12] =	ssyncset.done $0x0  }
0x2a3: {  	s15 =	simm.s32 $0x141C0;
	v29 =	vadd.f32 v19, v17;
	v7 =	vadd.f32 v1, v7;
	v17 =	vmul.f32 v36, v36;
	[sflag:s12] =	ssyncadd.s32 $0xFFFFC000  }
0x2a4: {  	v10 =	vmul.f32 v10, v10;
	v24 =	vmul.f32 v24, v24;
	v8 =	vadd.f32 v26, v8;
	v1 =	vld [tilespmem:s15+$0x20]  }
0x2a5: {  	s26 =	simm.s32 $0x30;
	v23 =	vmul.f32 v23, v23;
	v19 =	vadd.f32 v28, v4;
	v7 =	vadd.f32 v17, v7;
	v4 =	vld [tilespmem:s15+$0xFFFFFFF0]  }
0x2a6: {  	v10 =	vadd.f32 v10, v14;
	v20 =	vmul.f32 v20, v20;
	v8 =	vadd.f32 v24, v8;
	v28 =	vld [tilespmem:s26+$0x8180]  }
0x2a7: {  	v30 =	vadd.f32 v16, v15;
	v15 =	vmul.f32 v31, v31;
	v7 =	vadd.f32 v23, v7;
	v23 =	vld [tilespmem:s26+$0xA180]  }
0x2a8: {  	v2 =	vadd.f32 v2, v19;
	v19 =	vmul.f32 v42, v42;
	v8 =	vadd.f32 v20, v8;
	v32 =	vld [tilespmem:s26+$0x180]  }
0x2a9: {  	v20 =	vmul.f32 v9, v9;
	v7 =	vadd.f32 v15, v7;
	v15 =	vmul.f32 v41, v41;
	v14 =	vld [tilespmem:s26+$0x8170]  }
0x2aa: {  	v9 =	vmul.f32 v25, v25;
	v2 =	vadd.f32 v19, v2;
	v19 =	vmul.f32 v39, v39;
	v25 =	vld [tilespmem:s26+$0xA170]  }
0x2ab: {  	v16 =	vmul.f32 v53, v53;
	v7 =	vadd.f32 v15, v7;
	v15 =	vmul.f32 v18, v18;
	v18 =	vld [tilespmem:s26+$0x12150]  }
0x2ac: {  	v8 =	vadd.f32 v19, v8;
	v19 =	vmul.f32 v27, v27;
	v27 =	vld [tilespmem:s26+$0x12160]  }
0x2ad: {  	v12 =	vadd.f32 v11, v12;
	v2 =	vadd.f32 v16, v2;
	v33 =	vld [tilespmem:s26+$0x170]  }
0x2ae: {  	v3 =	vadd.f32 v5, v3;
	v22 =	vmul.f32 v22, v22;
	v8 =	vadd.f32 v9, v8;
	v9 =	vld [tilespmem:s26+$0x2180]  }
0x2af: {  	v10 =	vadd.f32 v20, v10;
	v0 =	vadd.f32 v0, v2;
	v2 =	vmul.f32 v55, v55;
	v11 =	vld [tilespmem:s26+$0x2170]  }
0x2b0: {  	v16 =	vmul.f32 v21, v21;
	v21 =	vmul.f32 v6, v6;
	v7 =	vadd.f32 v15, v7;
	v31 =	vld [tilespmem:s26+$0x8160]  }
0x2b1: {  	v6 =	vadd.f32 v2, v0;
	v60 =	vld [tilespmem:s26+$0x2150];
	v2 =	vmul.f32 v4, v4;
	v15 =	vmul.f32 v32, v28  }
0x2b2: {  	v7 =	vadd.f32 v16, v7;
	v61 =	vld [tilespmem:s26+$0x2160];
	v26 =	vmul.f32 v32, v23;
	v16 =	vmul.f32 v14, v14  }
0x2b3: {  	v19 =	vadd.f32 v19, v8;
	v63 =	vld [tilespmem:s26+$0x150];
	v0 =	vmul.f32 v1, v1;
	v5 =	vmul.f32 v18, v18  }
0x2b4: {  	v8 =	vadd.f32 v21, v7;
	v50 =	vld [tilespmem:s26+$0xA150];
	v20 =	vmul.f32 v27, v27;
	v21 =	vmul.f32 v33, v14  }
0x2b5: {  	v7 =	vadd.f32 v22, v19;
	v55 =	vld [tilespmem:s26+$0x160];
	v62 =	vmul.f32 v33, v25;
	v19 =	vmul.f32 v9, v23  }
0x2b6: {  	v22 =	vmul.f32 v11, v25;
	v48 =	vmul.f32 v25, v25  }
0x2b7: {  	v24 =	vld [tilespmem:s26+$0x12170];
	v14 =	vmul.f32 v11, v14;
	v49 =	vmul.f32 v31, v31  }
0x2b8: {  	v17 =	vld [tilespmem:s26+$0x10170];
	v51 =	vmul.f32 v60, v60;
	v52 =	vmul.f32 v61, v61  }
0x2b9: {  	v54 =	vmul.f32 v9, v28;
	v56 =	vmul.f32 v61, v31  }
0x2ba: {  	v25 =	vld [tilespmem:s26+$0x8150];
	v58 =	vmul.f32 v63, v50;
	v31 =	vmul.f32 v55, v31  }
0x2bb: {  	v40 =	vmul.f32 v50, v50;
	v32 =	vmul.f32 v32, v32;
	v3 =	vadd.f32 v5, v3  }
0x2bc: {  	v57 =	vld [tilespmem:s26+$0x10150];
	v5 =	vmul.f32 v24, v24;
	v21 =	vsub.f32 v21, v22;
	v14 =	vadd.f32 v14, v62  }
0x2bd: {  	v53 =	vld [tilespmem:s26+$0x12180];
	v10 =	vadd.f32 v51, v10;
	v3 =	vadd.f32 v20, v3;
	v20 =	vmul.f32 v17, v17  }
0x2be: {  	v22 =	vmul.f32 v21, v17;
	v21 =	vmul.f32 v24, v14;
	v14 =	vld [tilespmem:s26+$0xA160];
	v24 =	vadd.f32 v54, v26  }
0x2bf: {  	v17 =	vadd.f32 v52, v10;
	v10 =	vmul.f32 v60, v50;
	v26 =	vmul.f32 v63, v25  }
0x2c0: {  	v3 =	vadd.f32 v5, v3;
	v5 =	vmul.f32 v25, v25;
	v25 =	vmul.f32 v60, v25  }
0x2c1: {  	v60 =	vmul.f32 v57, v57;
	v10 =	vsub.f32 v26, v10;
	v26 =	vmul.f32 v63, v63  }
0x2c2: {  	v24 =	vmul.f32 v53, v24;
	v29 =	vadd.f32 v5, v29;
	v5 =	vmul.f32 v53, v53  }
0x2c3: {  	v59 =	vld [tilespmem:s26+$0x10160];
	v25 =	vadd.f32 v25, v58;
	v13 =	vadd.f32 v26, v13;
	v26 =	vmul.f32 v61, v14  }
0x2c4: {  	v61 =	vmul.f32 v55, v14;
	v10 =	vmul.f32 v10, v57  }
0x2c5: {  	v12 =	vadd.f32 v40, v12;
	v62 =	vmul.f32 v14, v14;
	v42 =	vmul.f32 v18, v25  }
0x2c6: {  	v14 =	vadd.f32 v49, v29;
	v18 =	vmul.f32 v28, v28;
	v25 =	vsub.f32 v31, v26;
	v26 =	vld [tilespmem:s26+$0x10180]  }
0x2c7: {  	s17 =	simm.s32 $0xC1C0;
	v29 =	vmul.f32 v55, v55;
	v28 =	vadd.f32 v60, v30;
	v30 =	vmul.f32 v33, v33  }
0x2c8: {  	v35 =	vadd.f32 v56, v61;
	v63 =	vadd.f32 $0.0e+00, v10;
	v31 =	vmul.f32 v25, v59;
	v25 =	vld [tilespmem:s17+$0xFFFFFFE0]  }
0x2c9: {  	v12 =	vadd.f32 v62, v12;
	v10 =	vmul.f32 v23, v23;
	v13 =	vadd.f32 v29, v13  }
0x2ca: {  	s18 =	simm.s32 $0x141C0;
	s19 =	simm.s32 $0x41C0;
	s20 =	simm.s32 $0x41C0;
	v23 =	vld [tilespmem:s17+$0xFFFFFFF0];
	v29 =	vmul.f32 v59, v59;
	v34 =	vadd.f32 v63, v42;
	v33 =	vmul.f32 v27, v35  }
0x2cb: {  	s16 =	simm.s32 $0x18180;
	s21 =	simm.s32 $0x1C0;
	s25 =	simm.s32 $0xC240;
	v12 =	vadd.f32 v48, v12;
	v27 =	vld [tilespmem:s20+$0xFFFFFFE0];
	v30 =	vadd.f32 v30, v13;
	v13 =	vmul.f32 v26, v26  }
.LBB2_8:
0x2cc: {  	v31 =	vadd.f32 v31, v34;
	v28 =	vadd.f32 v29, v28;
	v29 =	vld [tilespmem:s17+$0xFFFFFFD0];
	s14 =	sadd.s32 $0x10, s14;
	s15 =	sadd.s32 $0x80, s15;
	s20 =	sadd.s32 $0x80, s20  }
0x2cd: {  	p0 =	sne.s32 s21, $0x7FC0;
	v16 =	vadd.f32 v16, v14;
	s26 =	smov.u32 s21;
	s21 =	sadd.s32 $0x100, s21;
	v14 =	vadd.f32 v32, v30;
	v30 =	vld [tilespmem:s19+$0xFFFFFFC0];
	v32 =	vmul.f32 v25, v25  }
0x2ce: {  	v11 =	vmul.f32 v11, v11;
	v31 =	vadd.f32 v31, v33;
	v20 =	vadd.f32 v20, v28;
	v28 =	vld [tilespmem:s17+$0xFFFFFFC0]  }
0x2cf: {  	v15 =	vsub.f32 v15, v19;
	v18 =	vadd.f32 v18, v16;
	v16 =	vld [tilespmem:s19+$0xFFFFFFD0];
	v19 =	vmul.f32 v23, v23  }
0x2d0: {  	v9 =	vmul.f32 v9, v9;
	v13 =	vadd.f32 v13, v20;
	v20 =	vld [tilespmem:s18+$0xFFFFFFC0];
	v25 =	vmul.f32 v27, v25  }
0x2d1: {  	v15 =	vmul.f32 v15, v26;
	v22 =	vadd.f32 v22, v31;
	v27 =	vmul.f32 v27, v27;
	v26 =	vld [tilespmem:s18+$0xFFFFFFD0]  }
0x2d2: {  	v11 =	vadd.f32 v11, v17;
	v31 =	vmul.f32 v29, v29;
	v17 =	vmul.f32 v30, v30  }
0x2d3: {  	v21 =	vadd.f32 v22, v21;
	v22 =	vmul.f32 v30, v28;
	v28 =	vmul.f32 v28, v28;
	v30 =	vld [tilespmem:s19+$0xFFFFFFF0]  }
0x2d4: {  	v8 =	vadd.f32 v17, v8;
	v17 =	vmul.f32 v16, v29;
	v16 =	vmul.f32 v16, v16;
	v29 =	vld [tilespmem:s19+$0x10]  }
0x2d5: {  	v15 =	vadd.f32 v15, v21;
	v21 =	vmul.f32 v20, v22;
	v7 =	vadd.f32 v28, v7;
	v22 =	vld [tilespmem:s18+$0xFFFFFFE0]  }
0x2d6: {  	v20 =	vmul.f32 v20, v20;
	v17 =	vmul.f32 v26, v17;
	v8 =	vadd.f32 v16, v8;
	v16 =	vld [tilespmem:s17+$0x0]  }
0x2d7: {  	v15 =	vadd.f32 v15, v24;
	v24 =	vmul.f32 v26, v26;
	v7 =	vadd.f32 v31, v7;
	v26 =	vld [tilespmem:s19+$0x0]  }
0x2d8: {  	v6 =	vadd.f32 v20, v6;
	v8 =	vadd.f32 v27, v8;
	v20 =	vmul.f32 v30, v23;
	v23 =	vld [tilespmem:s17+$0x10]  }
0x2d9: {  	v15 =	vadd.f32 v21, v15;
	v21 =	vmul.f32 v30, v30;
	v7 =	vadd.f32 v32, v7;
	v27 =	vld [tilespmem:s18+$0x0]  }
0x2da: {  	v6 =	vadd.f32 v24, v6;
	v24 =	vmul.f32 v22, v25;
	v22 =	vmul.f32 v22, v22;
	v25 =	vld [tilespmem:s19+$0x20]  }
0x2db: {  	v15 =	vadd.f32 v17, v15;
	v7 =	vadd.f32 v19, v7;
	v17 =	vmul.f32 v16, v16;
	v19 =	vld [tilespmem:s18+$0x10]  }
0x2dc: {  	v4 =	vmul.f32 v4, v20;
	v6 =	vadd.f32 v22, v6;
	v16 =	vmul.f32 v26, v16;
	v20 =	vld [tilespmem:s17+$0x20]  }
0x2dd: {  	v15 =	vadd.f32 v24, v15;
	v7 =	vadd.f32 v17, v7;
	v17 =	vmul.f32 v29, v23  }
0x2de: {  	v8 =	vadd.f32 v21, v8;
	v2 =	vadd.f32 v2, v6;
	v6 =	vmul.f32 v27, v27;
	v21 =	vld [tilespmem:s19+$0x30];
	s19 =	smov.u32 s20  }
0x2df: {  	v4 =	vadd.f32 v4, v15;
	v15 =	vmul.f32 v27, v16;
	v16 =	vmul.f32 v25, v25;
	v22 =	vld [tilespmem:s18+$0x30];
	s18 =	smov.u32 s15  }
0x2e0: {  	v24 =	vmul.f32 v26, v26;
	v2 =	vadd.f32 v6, v2;
	v6 =	vmul.f32 v19, v19;
	v26 =	vld [tilespmem:s17+$0x30];
	s17 =	smov.u32 s25  }
0x2e1: {  	v4 =	vadd.f32 v15, v4;
	v15 =	vmul.f32 v19, v17;
	v17 =	vmul.f32 v23, v23  }
0x2e2: {  	v19 =	vmul.f32 v20, v20;
	v2 =	vadd.f32 v6, v2;
	v6 =	vmul.f32 v25, v20  }
0x2e3: {  	v8 =	vadd.f32 v24, v8;
	v4 =	vadd.f32 v15, v4;
	v15 =	vmul.f32 v29, v29  }
0x2e4: {  	v1 =	vmul.f32 v1, v6;
	v0 =	vadd.f32 v0, v2;
	v2 =	vmul.f32 v22, v22  }
0x2e5: {  	v7 =	vadd.f32 v17, v7;
	v8 =	vadd.f32 v15, v8;
	v15 =	vmul.f32 v21, v26  }
0x2e6: {  	s26 =	sshra.s32 s26, $0x2;
	v1 =	vadd.f32 v1, v4;
	v4 =	vmul.f32 v21, v21;
	v6 =	vadd.f32 v2, v0  }
0x2e7: {  	v10 =	vadd.f32 v10, v12;
	v0 =	vadd.f32 v19, v7;
	v2 =	vmul.f32 v22, v15  }
0x2e8: {  	v12 =	vadd.f32 v9, v11;
	v9 =	vmul.f32 v26, v26;
	v7 =	vadd.f32 v16, v8  }
0x2e9: {  	v3 =	vadd.f32 v5, v3;
	v1 =	vadd.f32 v2, v1  }
0x2ea: {  	v8 =	vadd.f32 v4, v7;
	v7 =	vadd.f32 v9, v0  }
0x2eb: {  	[tilespmem:s16+$0x0] =	vst v1;
	s16 =	smov.u32 s14  }
0x2ec: {  	v1 =	vld [tilespmem:s15+$0x20]  }
0x2ed: {  	v4 =	vld [tilespmem:s15+$0xFFFFFFF0]  }
0x2ee: {  	v5 =	vld [tilespmem:s26+$0x10170]  }
0x2ef: {  	v23 =	vld [tilespmem:s26+$0x8180]  }
0x2f0: {  	v25 =	vld [tilespmem:s26+$0xA180]  }
0x2f1: {  	v17 =	vld [tilespmem:s26+$0x12170]  }
0x2f2: {  	v27 =	vld [tilespmem:s26+$0x180]  }
0x2f3: {  	v2 =	vmul.f32 v4, v4;
	v20 =	vld [tilespmem:s26+$0x8170]  }
0x2f4: {  	v21 =	vld [tilespmem:s26+$0xA170]  }
0x2f5: {  	v24 =	vld [tilespmem:s26+$0x12150]  }
0x2f6: {  	v30 =	vld [tilespmem:s26+$0x12160]  }
0x2f7: {  	v32 =	vld [tilespmem:s26+$0x170];
	v15 =	vmul.f32 v27, v23;
	v26 =	vmul.f32 v27, v25  }
0x2f8: {  	v16 =	vmul.f32 v20, v20;
	v9 =	vld [tilespmem:s26+$0x2180]  }
0x2f9: {  	v0 =	vmul.f32 v1, v1;
	v11 =	vld [tilespmem:s26+$0x2170]  }
0x2fa: {  	v19 =	vmul.f32 v24, v24;
	v28 =	vld [tilespmem:s26+$0x8160]  }
0x2fb: {  	v29 =	vld [tilespmem:s26+$0x2150];
	v22 =	vmul.f32 v30, v30  }
0x2fc: {  	v34 =	vmul.f32 v17, v17;
	v3 =	vadd.f32 v19, v3;
	v31 =	vld [tilespmem:s26+$0x2160];
	v33 =	vmul.f32 v32, v20  }
0x2fd: {  	v36 =	vmul.f32 v32, v21;
	v35 =	vld [tilespmem:s26+$0xA160];
	v19 =	vmul.f32 v9, v25  }
0x2fe: {  	v38 =	vmul.f32 v21, v21;
	v37 =	vld [tilespmem:s26+$0x150];
	v3 =	vadd.f32 v22, v3;
	v22 =	vmul.f32 v11, v21  }
0x2ff: {  	v21 =	vmul.f32 v11, v20;
	v39 =	vld [tilespmem:s26+$0x8150];
	v40 =	vmul.f32 v28, v28  }
0x300: {  	v20 =	vmul.f32 v5, v5;
	v41 =	vld [tilespmem:s26+$0xA150];
	v42 =	vmul.f32 v29, v29;
	v22 =	vsub.f32 v33, v22  }
0x301: {  	v43 =	vmul.f32 v9, v23;
	v21 =	vadd.f32 v21, v36;
	v33 =	vmul.f32 v31, v31;
	v36 =	vld [tilespmem:s26+$0x12180]  }
0x302: {  	v44 =	vmul.f32 v31, v28;
	v12 =	vadd.f32 v42, v12;
	v42 =	vld [tilespmem:s26+$0x160];
	v22 =	vmul.f32 v22, v5  }
0x303: {  	v26 =	vadd.f32 v43, v26;
	v3 =	vadd.f32 v34, v3;
	v21 =	vmul.f32 v17, v21;
	v45 =	vld [tilespmem:s26+$0x10150]  }
0x304: {  	v34 =	vmul.f32 v37, v39;
	v5 =	vmul.f32 v39, v39;
	v17 =	vadd.f32 v33, v12  }
0x305: {  	v12 =	vmul.f32 v29, v41;
	v33 =	vmul.f32 v37, v41  }
0x306: {  	v29 =	vmul.f32 v29, v39;
	v18 =	vadd.f32 v5, v18;
	v5 =	vmul.f32 v36, v36  }
0x307: {  	v12 =	vsub.f32 v34, v12;
	v34 =	vmul.f32 v37, v37;
	v37 =	vld [tilespmem:s26+$0x10160];
	v28 =	vmul.f32 v42, v28  }
0x308: {  	v39 =	vmul.f32 v41, v41;
	v29 =	vadd.f32 v29, v33;
	v33 =	vmul.f32 v45, v45  }
0x309: {  	v34 =	vadd.f32 v34, v14;
	v14 =	vmul.f32 v31, v35;
	v31 =	vmul.f32 v42, v35  }
0x30a: {  	v10 =	vadd.f32 v39, v10;
	v12 =	vmul.f32 v12, v45;
	v41 =	vmul.f32 v24, v29  }
0x30b: {  	v29 =	vmul.f32 v35, v35;
	v24 =	vmul.f32 v36, v26;
	v28 =	vsub.f32 v28, v14  }
0x30c: {  	v35 =	vadd.f32 v44, v31;
	v14 =	vadd.f32 v40, v18;
	v18 =	vmul.f32 v23, v23;
	v26 =	vld [tilespmem:s26+$0x10180]  }
.Ltmp3:
0x30d: {  	v23 =	vmul.f32 v42, v42;
	v36 =	vadd.f32 v29, v10;
	v31 =	vmul.f32 v28, v37;
	(pc) =	sbr.rel @p0 .LBB2_8-.Ltmp3, $4  }
0x30e: {  	v12 =	vadd.f32 $0.0e+00, v12;
	v10 =	vmul.f32 v25, v25;
	v28 =	vadd.f32 v33, v13;
	v25 =	vld [tilespmem:s25+$0xFFFFFFE0]  }
0x30f: {  	v32 =	vmul.f32 v32, v32;
	v29 =	vmul.f32 v37, v37;
	v13 =	vadd.f32 v23, v34  }
0x310: {  	v34 =	vadd.f32 v12, v41;
	v33 =	vmul.f32 v30, v35;
	v12 =	vadd.f32 v38, v36;
	v23 =	vld [tilespmem:s25+$0xFFFFFFF0]  }
0x311: {  	v30 =	vadd.f32 v32, v13;
	v32 =	vmul.f32 v27, v27;
	s25 =	sadd.s32 $0x80, s25;
	v13 =	vmul.f32 v26, v26;
	v27 =	vld [tilespmem:s20+$0xFFFFFFE0]  }
0x312: {  	v31 =	vadd.f32 v31, v34;
	v42 =	vld [tilespmem:s17+$0xFFFFFFD0]  }
0x313: {  	v35 =	vld [tilespmem:s19+$0xFFFFFFC0]  }
0x314: {  	v43 =	vld [tilespmem:s17+$0xFFFFFFC0];
	v31 =	vadd.f32 v31, v33  }
0x315: {  	v36 =	vld [tilespmem:s19+$0xFFFFFFD0]  }
0x316: {  	v15 =	vsub.f32 v15, v19;
	v44 =	vld [tilespmem:s18+$0xFFFFFFC0];
	v22 =	vadd.f32 v22, v31  }
0x317: {  	v45 =	vld [tilespmem:s18+$0xFFFFFFD0]  }
0x318: {  	v46 =	vld [tilespmem:s19+$0xFFFFFFF0];
	v15 =	vmul.f32 v15, v26;
	v21 =	vadd.f32 v22, v21  }
0x319: {  	v47 =	vld [tilespmem:s18+$0xFFFFFFE0]  }
0x31a: {  	v38 =	vld [tilespmem:s17+$0x0];
	v37 =	vmul.f32 v35, v43;
	v15 =	vadd.f32 v15, v21  }
0x31b: {  	v48 =	vld [tilespmem:s19+$0x0];
	v14 =	vadd.f32 v16, v14  }
0x31c: {  	v16 =	vld [tilespmem:s17+$0x10];
	v39 =	vmul.f32 v36, v42;
	v37 =	vmul.f32 v44, v37;
	v15 =	vadd.f32 v15, v24  }
0x31d: {  	v50 =	vld [tilespmem:s18+$0x0]  }
0x31e: {  	v52 =	vld [tilespmem:s19+$0x20];
	v49 =	vmul.f32 v27, v25;
	v39 =	vmul.f32 v45, v39;
	v15 =	vadd.f32 v37, v15  }
0x31f: {  	v28 =	vadd.f32 v29, v28;
	v11 =	vmul.f32 v11, v11;
	v26 =	vld [tilespmem:s19+$0x10]  }
0x320: {  	v54 =	vld [tilespmem:s18+$0x10];
	v53 =	vmul.f32 v46, v23;
	v29 =	vmul.f32 v47, v49;
	v15 =	vadd.f32 v39, v15  }
0x321: {  	v30 =	vadd.f32 v32, v30;
	v60 =	vmul.f32 v25, v25;
	v55 =	vmul.f32 v36, v36;
	v36 =	vld [tilespmem:s17+$0x20]  }
0x322: {  	v57 =	vld [tilespmem:s19+$0x30];
	v56 =	vmul.f32 v48, v38;
	v4 =	vmul.f32 v4, v53;
	v15 =	vadd.f32 v29, v15  }
0x323: {  	v20 =	vadd.f32 v20, v28;
	v28 =	vld [tilespmem:s17+$0x30];
	v61 =	vmul.f32 v27, v27;
	v51 =	vmul.f32 v35, v35  }
0x324: {  	v58 =	vmul.f32 v26, v16;
	v59 =	vmul.f32 v50, v56;
	v4 =	vadd.f32 v4, v15  }
0x325: {  	v62 =	vld [tilespmem:s18+$0x30];
	v33 =	vmul.f32 v43, v43;
	v19 =	vmul.f32 v44, v44;
	v8 =	vadd.f32 v51, v8  }
0x326: {  	v63 =	vmul.f32 v52, v36;
	v15 =	vmul.f32 v54, v58;
	v4 =	vadd.f32 v59, v4  }
0x327: {  	v40 =	vmul.f32 v45, v45;
	v42 =	vmul.f32 v42, v42;
	v8 =	vadd.f32 v55, v8  }
0x328: {  	v41 =	vmul.f32 v57, v28;
	v1 =	vmul.f32 v1, v63;
	v4 =	vadd.f32 v15, v4  }
0x329: {  	v43 =	vmul.f32 v47, v47;
	v22 =	vmul.f32 v46, v46;
	v8 =	vadd.f32 v61, v8  }
0x32a: {  	v6 =	vadd.f32 v19, v6;
	v15 =	vmul.f32 v62, v41;
	v1 =	vadd.f32 v1, v4  }
0x32b: {  	v7 =	vadd.f32 v33, v7;
	v44 =	vmul.f32 v48, v48;
	v8 =	vadd.f32 v22, v8  }
0x32c: {  	v46 =	vmul.f32 v9, v9;
	v6 =	vadd.f32 v40, v6;
	v1 =	vadd.f32 v15, v1  }
0x32d: {  	v47 =	vmul.f32 v26, v26;
	v7 =	vadd.f32 v42, v7;
	v8 =	vadd.f32 v44, v8  }
0x32e: {  	s14 =	rddreg [dreg:$0x16];
	s15 =	simm.s32 $0x18180;
	v45 =	vmul.f32 v23, v23;
	v48 =	vmul.f32 v50, v50;
	v4 =	vadd.f32 v43, v6;
	[tilespmem:s16+$0x0] =	vst v1  }
0x32f: {  	v50 =	vmul.f32 v52, v52;
	v7 =	vadd.f32 v60, v7;
	v8 =	vadd.f32 v47, v8;
	[hbm4b:s14+s4] =	stream.linear.scatter [tilespmem:s15], [sflag:$0x2], $0x800, $0x38;
	[tilespmem:$0x18A10] =	vst v63  }
0x330: {  	v49 =	vadd.f32 v11, v17;
	v53 =	vmul.f32 v57, v57;
	v2 =	vadd.f32 v2, v4;
	_ =	swait.ge [sflag:s28], $0x800  }
0x331: {  	v52 =	vmul.f32 v38, v38;
	v7 =	vadd.f32 v45, v7;
	v8 =	vadd.f32 v50, v8;
	[sflag:s28] =	ssyncset.done $0x0  }
0x332: {  	v51 =	vmul.f32 v54, v54;
	v2 =	vadd.f32 v48, v2;
	v1 =	vadd.f32 v46, v49;
	[sflag:s28] =	ssyncadd.s32 $0xFFFFF800  }
0x333: {  	v55 =	vmul.f32 v16, v16;
	v54 =	vadd.f32 v52, v7;
	v56 =	vadd.f32 v53, v8;
	[tilespmem:$0x18980] =	vst v30  }
0x334: {  	v57 =	vadd.f32 v13, v20;
	v2 =	vadd.f32 v51, v2;
	[tilespmem:$0x18990] =	vst v1  }
0x335: {  	v3 =	vadd.f32 v5, v3;
	v59 =	vmul.f32 v36, v36;
	v4 =	vadd.f32 v55, v54;
	[tilespmem:$0x189A0] =	vst v56  }
0x336: {  	v60 =	vadd.f32 v18, v14;
	v58 =	vmul.f32 v62, v62;
	v0 =	vadd.f32 v0, v2;
	[tilespmem:$0x189B0] =	vst v57  }
0x337: {  	v61 =	vmul.f32 v28, v28;
	v62 =	vadd.f32 v10, v12;
	v1 =	vadd.f32 v59, v4;
	[tilespmem:$0x189C0] =	vst v3  }
0x338: {  	[tilespmem:$0x189E0] =	vst v60;
	v0 =	vadd.f32 v58, v0  }
0x339: {  	[tilespmem:$0x189F0] =	vst v62;
	v63 =	vadd.f32 v61, v1  }
0x33a: {  	[tilespmem:$0x189D0] =	vst v0  }
0x33b: {  	s25 =	simm.s32 $0x18980;
	s21 =	rddreg [dreg:$0x17];
	[tilespmem:$0x18A00] =	vst v63  }
0x33c: {  	[hbm4b:s21+s4] =	stream.linear.scatter [tilespmem:s25], [sflag:$0x2], $0x90, $0x38;
	[tilespmem:$0x18A10] =	vst v63  }
0x33d: {  	_ =	swait.ge [sflag:s28], $0x90  }
0x33e: {  	s13 =	sadd.s32 $0x1, s13;
	s26 =	rddreg [dreg:$0x18]  }
0x33f: {  	p0 =	sne.s32 s13, s26  }
.Ltmp4:
0x340: {  	_ = 	snop;
	(pc) =	sbr.rel @p0 .LBB2_1-.Ltmp4, $3  }
0x341: {  	_ =	sdelay $0x1  }
0x342: {  	[sflag:s28] =	ssyncset.done $0x0  }
0x343: {  	[sflag:s28] =	ssyncadd.s32 $0xFFFFFF70  }
0x344: {  	_ =	sfence.sel $0x180000  }
0x345: {  	[bflag:$0x0] =	sbarrier.arrive $0xFFFF  }
0x346: {  	_ =	strace $0x90000047  }
0x347: {  	s0 =	stileid.u32;
	[bflag:$0x2] =	sbarrier.arrive $0xFFFF  }
0x348: {  	p0 =	sne.s32 s0, $0x0;
	s0 =	rddreg [dreg:$0x6]  }
0x349: {  	s0 =	sadd.s32 @!p0 $0x100000, s0  }
0x34a: {  	[sflag:s0] =	ssyncadd.tile.s32 @!p0 $0x1;
	_ =	shalt  }
.Lfunc_end2:
_tile_overlayer_lowered:
.L_overlay_start_2:
0x34b: {  	(tag) =	ssettag $0x2  }
0x34c: {  	s0 =	rddreg [dreg:$0x0];
	s2 =	stileid.u32  }
0x34d: {  	s1 =	rddreg [dreg:$0x1];
	p0 =	sne.s32 s2, $0x0  }
0x34e: {  	s3 =	rddreg [dreg:$0x2];
	[bflag:$0x3] =	sbarrier.arrive $0xFFFF;
	s2 =	simm.s32 @!p0 $0x1C02  }
0x34f: {  	[timem:s3], [sflag:s2] =	dma.local @!p0 [hbm:s0], s1  }
0x350: {  	s0 =	simm.s32 @!p0 $0x2  }
0x351: {  	_ =	swait.ge @!p0 [sflag:s0], s1  }
0x352: {  	s1 =	ssub.s32 @!p0 $0x0, s1;
	[sflag:s0] =	ssyncset.done @!p0 $0x0  }
0x353: {  	[sflag:s0] =	ssyncadd.s32 @!p0 s1  }
0x354: {  	[bflag:$0x3] =	sbarrier.arrive $0xFFFF  }
0x355: {  	_ =	shalt  }

</sc_bundles>
